<compile_context>
chip_gen: v7x
topology: tpu7x:2x2x1
jax: 0.10.2.dev20260603
libtpu: 0.0.44.dev20260713+nightly
codegen_flags: <defaults>
</compile_context>

<pallas_src>
import functools

import jax
import jax.numpy as jnp
from jax import lax
from jax.experimental import pallas as pl
from jax.experimental.pallas import tpu as pltpu
from jax.experimental.pallas import tpu_sc as plsc

N = 50000
E = 800000
TW = 32
NP = 50048
NROWS = NP // 16

NW = 32
GPW = E // 16
GK = 8
GCH = GK * 128
GC = GPW // GCH
GT = GPW - GC * GCH
GTN = GT // 128
GTR = GT - GTN * 128

SPW = E // NW
SROWS = 196
SK = 8
SCH = SROWS // SK
STL = SROWS - SCH * SK
EEP = E + 128
DUMMY = N + 8



def _node_encoder_body(x_ref, na_ref, seW_ref, seb_ref, neW_ref, neb_ref,
                       out_ref):
    xb = x_ref[...]
    nab = na_ref[...]
    s = jnp.sin(xb)
    c = jnp.cos(xb)
    pieces = []
    for k in range(4):
        sin_e = jnp.maximum(
            s[:, k:k + 1] * seW_ref[0:1, :] + seb_ref[0:1, :], 0.0)
        cos_e = jnp.maximum(
            c[:, k:k + 1] * seW_ref[1:2, :] + seb_ref[1:2, :], 0.0)
        ne = jnp.maximum(
            nab[:, k:k + 1] * neW_ref[...] + neb_ref[...], 0.0)
        pieces += [sin_e, cos_e, ne, jnp.zeros_like(ne)]
    out_ref[...] = jnp.concatenate(pieces, axis=-1)


def _node_encoder(x4, na4, se_W, se_b, ne_W, ne_b):
    br = 1000
    grid = -(-(N // 4) // br)
    return pl.pallas_call(
        _node_encoder_body,
        grid=(grid,),
        in_specs=[
            pl.BlockSpec((br, 4), lambda i: (i, 0)),
            pl.BlockSpec((br, 4), lambda i: (i, 0)),
            pl.BlockSpec(se_W.shape, lambda i: (0, 0)),
            pl.BlockSpec(se_b.shape, lambda i: (0, 0)),
            pl.BlockSpec(ne_W.shape, lambda i: (0, 0)),
            pl.BlockSpec(ne_b.shape, lambda i: (0, 0)),
        ],
        out_specs=pl.BlockSpec((br, 128), lambda i: (i, 0)),
        out_shape=jax.ShapeDtypeStruct((N // 4, 128), jnp.float32),
    )(x4, na4, se_W, se_b, ne_W, ne_b)


@functools.cache
def _sc_kernels():
    mesh = plsc.VectorSubcoreMesh(core_axis_name="c", subcore_axis_name="s")

    @functools.partial(
        pl.kernel,
        out_type=jax.ShapeDtypeStruct((2, E, TW), jnp.float32),
        mesh=mesh,
        scratch_types=[
            pltpu.VMEM((2, GCH), jnp.int32),
            pltpu.VMEM((2, GCH, TW), jnp.float32),
            pltpu.SemaphoreType.DMA,
            pltpu.SemaphoreType.DMA,
        ],
        compiler_params=pltpu.CompilerParams(use_tc_tiling_on_sc=False),
    )
    def _gather_k(table_hbm, eidx_hbm, out_hbm, idx_v, rows_v, sem0, sem1):
        w = lax.axis_index("s") * 2 + lax.axis_index("c")
        side = w // 16
        base = (w % 16) * GPW
        sems = (sem0, sem1)

        def fire(c, b, nrows, ndma, last):
            pltpu.sync_copy(eidx_hbm.at[side, pl.ds(base + c * GCH, nrows)],
                            idx_v.at[b, pl.ds(0, nrows)])
            for j in range(ndma):
                n = last if j == ndma - 1 else 128
                pltpu.async_copy(table_hbm.at[idx_v.at[b, pl.ds(j * 128, n)]],
                                 rows_v.at[b, pl.ds(j * 128, n)], sems[b])

        def drain(b, nrows):
            pltpu.make_async_copy(out_hbm.at[0, pl.ds(0, nrows)],
                                  rows_v.at[b, pl.ds(0, nrows)],
                                  sems[b]).wait()

        def writeout(c, b, nrows):
            pltpu.sync_copy(rows_v.at[b, pl.ds(0, nrows)],
                            out_hbm.at[side, pl.ds(base + c * GCH, nrows)])

        fire(0, 0, GCH, GK, 128)

        def pair(i, carry):
            c0 = 2 * i
            fire(c0 + 1, 1, GCH, GK, 128)
            drain(0, GCH)
            writeout(c0, 0, GCH)

            @pl.when(c0 + 2 < GC)
            def _():
                fire(c0 + 2, 0, GCH, GK, 128)

            drain(1, GCH)
            writeout(c0 + 1, 1, GCH)
            return carry

        lax.fori_loop(0, GC // 2, pair, 0)
        fire(GC, 0, GT, GTN + 1, GTR)
        drain(0, GT)
        writeout(GC, 0, GT)

    @functools.partial(
        pl.kernel,
        out_type=jax.ShapeDtypeStruct((2, NP, 8), jnp.float32),
        mesh=mesh,
        scratch_types=[
            pltpu.VMEM((SK, 128), jnp.int32),
            pltpu.VMEM((SK * 128, 8), jnp.float32),
            pltpu.VMEM_SHARED((NP, 8), jnp.float32),
        ],
        compiler_params=pltpu.CompilerParams(use_tc_tiling_on_sc=False),
    )
    def _scatter_k(ep_hbm, cidx_hbm, zero_hbm, out_hbm, idx_v, ep_v, acc):
        cid = lax.axis_index("c")
        sid = lax.axis_index("s")
        w = sid * 2 + cid
        pltpu.sync_copy(zero_hbm.at[pl.ds(sid * NROWS, NROWS)],
                        acc.at[pl.ds(sid * NROWS, NROWS)])
        plsc.subcore_barrier()

        def do_block(c, nidx):
            base = w * SPW + c * (SK * 128)
            pltpu.sync_copy(cidx_hbm.at[w, pl.ds(c * SK, nidx)],
                            idx_v.at[pl.ds(0, nidx)])
            pltpu.sync_copy(ep_hbm.at[pl.ds(base, nidx * 128)],
                            ep_v.at[pl.ds(0, nidx * 128)])
            for j in range(nidx):
                pltpu.sync_copy(ep_v.at[pl.ds(j * 128, 128)],
                                acc.at[idx_v.at[j]], add=True)

        def chunk(c, carry):
            do_block(c, SK)
            return carry

        lax.fori_loop(0, SCH, chunk, 0)
        do_block(SCH, STL)
        plsc.subcore_barrier()
        pltpu.sync_copy(acc.at[pl.ds(sid * NROWS, NROWS)],
                        out_hbm.at[cid, pl.ds(sid * NROWS, NROWS)])

    return _gather_k, _scatter_k


BE = 6400


def _edge_mlp_body(gr_ref, gc_ref, ea_ref, eeW_ref, eeb_ref, W1r_ref, W1c_ref,
                   W1e_ref, b1_ref, W2_ref, b2_ref, W3_ref, b3_ref, out_ref):
    xr = gr_ref[0]
    xc = gc_ref[0]
    xa = ea_ref[...]
    gr = jnp.concatenate([xr[:, 32 * k:32 * k + 32] for k in range(4)],
                         axis=0)
    gc = jnp.concatenate([xc[:, 32 * k:32 * k + 32] for k in range(4)],
                         axis=0)
    ea = jnp.concatenate([xa[:, k:k + 1] for k in range(4)], axis=0)
    eemb = jnp.maximum(ea * eeW_ref[...] + eeb_ref[...], 0.0)
    h = (jnp.dot(gr, W1r_ref[...], preferred_element_type=jnp.float32)
         + jnp.dot(gc, W1c_ref[...], preferred_element_type=jnp.float32)
         + jnp.dot(eemb, W1e_ref[...], preferred_element_type=jnp.float32)
         + b1_ref[...])
    h = jnp.maximum(h, 0.0)
    h = jnp.maximum(
        jnp.dot(h, W2_ref[...], preferred_element_type=jnp.float32)
        + b2_ref[...], 0.0)
    ep = (jnp.dot(h, W3_ref[...], preferred_element_type=jnp.float32)
          + b3_ref[...])
    out_ref[...] = jnp.concatenate(
        [ep[(BE // 16) * j:(BE // 16) * (j + 1)] for j in range(16)],
        axis=1)


def _edge_mlp(gath_pk, ea_pk, eeW, eeb, W1r, W1c, W1e, b1, W2, b2, W3, b3):
    grid = E // BE
    full = lambda a: pl.BlockSpec(a.shape, lambda i: tuple(0 for _ in a.shape))
    return pl.pallas_call(
        _edge_mlp_body,
        grid=(grid,),
        in_specs=[
            pl.BlockSpec((1, BE // 4, 128), lambda i: (0, i, 0)),
            pl.BlockSpec((1, BE // 4, 128), lambda i: (1, i, 0)),
            pl.BlockSpec((BE // 4, 4), lambda i: (i, 0)),
            full(eeW), full(eeb), full(W1r), full(W1c), full(W1e), full(b1),
            full(W2), full(b2), full(W3), full(b3),
        ],
        out_specs=pl.BlockSpec((BE // 16, 128), lambda i: (i, 0)),
        out_shape=jax.ShapeDtypeStruct((EEP // 16, 128), jnp.float32),
    )(gath_pk, gath_pk, ea_pk, eeW, eeb, W1r, W1c, W1e, b1, W2, b2, W3, b3)


def _node_mlp_body(p_ref, W1_ref, b1_ref, W2_ref, b2_ref, Wd_ref, bd_ref,
                   out_ref):
    br = p_ref.shape[1]
    ebpk = p_ref[0] + p_ref[1]
    eb = jnp.concatenate([ebpk[:, 8 * j:8 * j + 8] for j in range(16)],
                         axis=0)
    g = jnp.maximum(
        jnp.dot(eb, W1_ref[...], preferred_element_type=jnp.float32)
        + b1_ref[...], 0.0)
    g = jnp.maximum(
        jnp.dot(g, W2_ref[...], preferred_element_type=jnp.float32)
        + b2_ref[...], 0.0)
    ov = (jnp.dot(g, Wd_ref[...], preferred_element_type=jnp.float32)
          + bd_ref[...])
    out_ref[...] = jnp.concatenate(
        [ov[br * j:br * (j + 1)] for j in range(16)], axis=1)


def _node_mlp(parts, W1, b1, W2, b2, Wd, bd):
    brows = 136
    grid = (NP // 16) // brows
    full = lambda a: pl.BlockSpec(a.shape, lambda i: tuple(0 for _ in a.shape))
    return pl.pallas_call(
        _node_mlp_body,
        grid=(grid,),
        in_specs=[
            pl.BlockSpec((2, brows, 128), lambda i: (0, i, 0)),
            full(W1), full(b1), full(W2), full(b2), full(Wd), full(bd),
        ],
        out_specs=pl.BlockSpec((brows, 16), lambda i: (i, 0)),
        out_shape=jax.ShapeDtypeStruct((N // 16, 16), jnp.float32),
    )(parts, W1, b1, W2, b2, Wd, bd)


def kernel(x, edge_index, batch, node_attr, edge_attr, glob_attr,
           se_W, se_b, ne_W, ne_b, ee_W, ee_b, ge_W, ge_b,
           pe_W1, pe_b1, pe_W2, pe_b2, pe_W3, pe_b3,
           pv_W1, pv_b1, pv_W2, pv_b2, pv_W3, pv_b3,
           dec_W, dec_b):
    colp = (edge_index[1]
            .reshape(E // BE, BE // 4, 4).transpose(0, 2, 1)
            .reshape(E // BE, 16, BE // 16).transpose(0, 2, 1)
            .reshape(NW, SPW))
    cidx = jnp.pad(colp, ((0, 0), (0, SROWS * 128 - SPW)),
                   constant_values=DUMMY)
    cidx = cidx.reshape(NW, SROWS, 128)
    zeros = jnp.zeros((NP, 8), jnp.float32)

    z8 = jnp.zeros((8, pe_W1.shape[1]), jnp.float32)
    W1r = jnp.concatenate([pe_W1[0:24], z8], axis=0)
    W1c = jnp.concatenate([pe_W1[24:48], z8], axis=0)
    W1e = pe_W1[48:56]
    Wd = pv_W3 @ dec_W
    bd = (pv_b3 @ dec_W + dec_b).reshape(1, 1)

    gather_k, scatter_k = _sc_kernels()
    table = _node_encoder(x.reshape(N // 4, 4), node_attr.reshape(N // 4, 4),
                          se_W, se_b, ne_W, ne_b.reshape(1, -1))
    gath = gather_k(table.reshape(N, TW), edge_index)
    ep = _edge_mlp(gath.reshape(2, E // 4, 128),
                   edge_attr.reshape(E // 4, 4),
                   ee_W, ee_b.reshape(1, -1),
                   W1r, W1c, W1e, pe_b1.reshape(1, -1),
                   pe_W2, pe_b2.reshape(1, -1), pe_W3, pe_b3.reshape(1, -1))
    parts = scatter_k(ep.reshape(EEP, 8), cidx, zeros)
    out = _node_mlp(parts.reshape(2, NP // 16, 128), pv_W1,
                    pv_b1.reshape(1, -1), pv_W2, pv_b2.reshape(1, -1), Wd, bd)
    return out.reshape(N, 1)

# --- scband reference (transcript-rebuilt; emitter-appended) ---
"""Pipeline reference for scband-kuramoto-approximator-44298292691128 (READ-ONLY COPY).

The authoritative reference and input builder live on the scoring server;
editing this copy changes nothing except your own understanding.
"""

import jax, jax.numpy as jnp
import numpy as np

N = 50000
E = 800000
B = 4
SD = 8   # per-feature state embedding dim
ND = 8   # node attr embedding dim
ED = 8   # edge attr embedding dim
GD = 4   # glob attr embedding dim
EH = 64  # edge_hidden_dim
NH = 64  # node_hidden_dim
NODE_EMB = 2 * SD + ND      # 24
PHI_E_IN = 2 * NODE_EMB + ED  # 56


def _relu(v):
    return jnp.maximum(v, 0.0)


def setup_inputs(seed: int = 0):
    key = jax.random.key(seed)
    ks = jax.random.split(key, 32)

    def lin(k, fi, fo):
        return (jax.random.normal(k, (fi, fo), dtype=jnp.float32) / np.sqrt(fi)).astype(jnp.float32)

    inp = {}
    inp["x"] = jax.random.normal(ks[0], (N, 1), dtype=jnp.float32)
    inp["edge_index"] = jax.random.randint(ks[1], (2, E), 0, N, dtype=jnp.int32)
    inp["batch"] = jnp.sort(jax.random.randint(ks[2], (N,), 0, B, dtype=jnp.int32))
    inp["node_attr"] = jax.random.normal(ks[3], (N, 1), dtype=jnp.float32)
    inp["edge_attr"] = jax.random.normal(ks[4], (E, 1), dtype=jnp.float32)
    inp["glob_attr"] = jax.random.normal(ks[5], (B, 1), dtype=jnp.float32)
    # state encoder: per-column Linear(1, SD) for the 2 columns (sin x, cos x)
    inp["se_W"] = jax.random.normal(ks[6], (2, SD), dtype=jnp.float32)
    inp["se_b"] = jnp.zeros((2, SD), dtype=jnp.float32)
    # attribute encoders
    inp["ne_W"] = lin(ks[7], 1, ND)
    inp["ne_b"] = jnp.zeros((ND,), dtype=jnp.float32)
    inp["ee_W"] = lin(ks[8], 1, ED)
    inp["ee_b"] = jnp.zeros((ED,), dtype=jnp.float32)
    inp["ge_W"] = lin(ks[9], 1, GD)
    inp["ge_b"] = jnp.zeros((GD,), dtype=jnp.float32)
    # phi_e MLP: PHI_E_IN -> EH -> EH -> ED
    inp["pe_W1"] = lin(ks[10], PHI_E_IN, EH)
    inp["pe_b1"] = jnp.zeros((EH,), dtype=jnp.float32)
    inp["pe_W2"] = lin(ks[11], EH, EH)
    inp["pe_b2"] = jnp.zeros((EH,), dtype=jnp.float32)
    inp["pe_W3"] = lin(ks[12], EH, ED)
    inp["pe_b3"] = jnp.zeros((ED,), dtype=jnp.float32)
    # phi_v MLP: ED -> NH -> NH -> NODE_EMB
    inp["pv_W1"] = lin(ks[13], ED, NH)
    inp["pv_b1"] = jnp.zeros((NH,), dtype=jnp.float32)
    inp["pv_W2"] = lin(ks[14], NH, NH)
    inp["pv_b2"] = jnp.zeros((NH,), dtype=jnp.float32)
    inp["pv_W3"] = lin(ks[15], NH, NODE_EMB)
    inp["pv_b3"] = jnp.zeros((NODE_EMB,), dtype=jnp.float32)
    # state decoder: NODE_EMB -> state_dim (=1)
    inp["dec_W"] = lin(ks[16], NODE_EMB, 1)
    inp["dec_b"] = jnp.zeros((1,), dtype=jnp.float32)
    return inp


def reference(x, edge_index, batch, node_attr, edge_attr, glob_attr,
              se_W, se_b, ne_W, ne_b, ee_W, ee_b, ge_W, ge_b,
              pe_W1, pe_b1, pe_W2, pe_b2, pe_W3, pe_b3,
              pv_W1, pv_b1, pv_W2, pv_b2, pv_W3, pv_b3,
              dec_W, dec_b):
    row = edge_index[0]
    col = edge_index[1]
    # state encoder on cat(sin x, cos x): per-column embedding then activation
    s = jnp.concatenate([jnp.sin(x), jnp.cos(x)], axis=-1)  # (N, 2)
    state_emb = _relu(jnp.reshape(s[:, :, None] * se_W[None, :, :] + se_b[None, :, :], (s.shape[0], -1)))  # (N, 16)
    # attribute encoders
    node_emb0 = _relu(node_attr @ ne_W + ne_b)   # (N, 8)
    edge_emb = _relu(edge_attr @ ee_W + ee_b)    # (E, 8)
    glob_emb = _relu(glob_attr @ ge_W + ge_b)    # (B, 4), unused downstream
    node_emb = jnp.concatenate([state_emb, node_emb0], axis=-1)  # (N, 24)
    # edge update: gather both endpoints (memory-bound)
    e_in = jnp.concatenate([node_emb[row], node_emb[col], edge_emb], axis=-1)  # (E, 56)
    h = _relu(e_in @ pe_W1 + pe_b1)
    h = _relu(h @ pe_W2 + pe_b2)
    edge_prime = h @ pe_W3 + pe_b3  # (E, 8)
    # aggregate to destination nodes (scatter-add)
    edge_bar = jax.ops.segment_sum(edge_prime, col, num_segments=batch.shape[0])  # (N, 8)
    g = _relu(edge_bar @ pv_W1 + pv_b1)
    g = _relu(g @ pv_W2 + pv_b2)
    w = g @ pv_W3 + pv_b3  # (N, 24)
    out = w @ dec_W + dec_b  # (N, 1)
    return out

if __name__ == "__main__":
    import jax
    _d = setup_inputs()
    print(jax.jit(kernel)(*tuple(_d.values())))

</pallas_src>

<mosaic_0001>
#map = affine_map<(d0, d1) -> (0, 0)>
#map1 = affine_map<(d0, d1) -> (0, 0, 0)>
module attributes {stable_mosaic.version = 14 : i64} {
  func.func @_gather_k(%arg0: i32, %arg1: i32, %arg2: memref<50000x32xf32, #tpu.memory_space<hbm>>, %arg3: memref<2x800000xi32, #tpu.memory_space<hbm>>, %arg4: memref<2x800000x32xf32, #tpu.memory_space<hbm>>, %arg5: memref<2x1024xi32, #tpu.memory_space<vmem>>, %arg6: memref<2x1024x32xf32, #tpu.memory_space<vmem>>, %arg7: memref<!tpu.dma_semaphore, #tpu.memory_space<semaphore_mem>>, %arg8: memref<!tpu.dma_semaphore, #tpu.memory_space<semaphore_mem>>) attributes {dimension_semantics = [#tpu.dimension_semantics<core_parallel>, #tpu.dimension_semantics<subcore_parallel>], iteration_bounds = array<i64: 2, 16>, scalar_prefetch = 0 : i64, scratch_operands = 4 : i64, tpu.core_type = #tpu.core_type<sc_vector_subcore>, window_params = [{transform_indices = #map}, {transform_indices = #map}, {transform_indices = #map1}]} {
    %mul3A = arith.constant 2 : i32
    %mul3A_0 = arith.muli %arg1, %mul3A : i32
    %add3A = arith.addi %mul3A_0, %arg0 : i32
    %jit3A = arith.constant 16 : i32
    %div3A = arith.divsi %add3A, %jit3A : i32
    %sign3A = arith.constant 0 : i32
    %sign3A_1 = arith.cmpi sgt, %add3A, %sign3A : i32
    %sign3A_2 = arith.extui %sign3A_1 : i1 to i32
    %sign3A_3 = arith.constant 0 : i32
    %sign3A_4 = arith.cmpi slt, %add3A, %sign3A_3 : i32
    %sign3A_5 = arith.extui %sign3A_4 : i1 to i32
    %sign3A_6 = arith.subi %sign3A_2, %sign3A_5 : i32
    %sign3A_7 = arith.constant 0 : i32
    %sign3A_8 = arith.cmpi sgt, %jit3A, %sign3A_7 : i32
    %sign3A_9 = arith.extui %sign3A_8 : i1 to i32
    %sign3A_10 = arith.constant 0 : i32
    %sign3A_11 = arith.cmpi slt, %jit3A, %sign3A_10 : i32
    %sign3A_12 = arith.extui %sign3A_11 : i1 to i32
    %sign3A_13 = arith.subi %sign3A_9, %sign3A_12 : i32
    %ne3A = arith.cmpi ne, %sign3A_6, %sign3A_13 : i32
    %rem3A = arith.remsi %add3A, %jit3A : i32
    %ne3A_14 = arith.constant 0 : i32
    %ne3A_15 = arith.cmpi ne, %rem3A, %ne3A_14 : i32
    %and3A = arith.andi %ne3A, %ne3A_15 : i1
    %sub3A = arith.constant 1 : i32
    %sub3A_16 = arith.subi %div3A, %sub3A : i32
    %select_n3A = arith.select %and3A, %sub3A_16, %div3A : i32
    %jit3A_17 = arith.constant 16 : i32
    %eq3A = arith.constant 0 : i32
    %eq3A_18 = arith.cmpi eq, %jit3A_17, %eq3A : i32
    %jit3A_19 = arith.constant 1 : i32
    %select_n3A_20 = arith.select %eq3A_18, %jit3A_19, %jit3A_17 : i32
    %rem3A_21 = arith.remsi %add3A, %select_n3A_20 : i32
    %ne3A_22 = arith.constant 0 : i32
    %ne3A_23 = arith.cmpi ne, %rem3A_21, %ne3A_22 : i32
    %lt3A = arith.constant 0 : i32
    %lt3A_24 = arith.cmpi slt, %rem3A_21, %lt3A : i32
    %lt3A_25 = arith.constant 0 : i32
    %lt3A_26 = arith.cmpi slt, %select_n3A_20, %lt3A_25 : i32
    %ne3A_27 = arith.xori %lt3A_24, %lt3A_26 : i1
    %and3A_28 = arith.andi %ne3A_27, %ne3A_23 : i1
    %add3A_29 = arith.addi %rem3A_21, %select_n3A_20 : i32
    %select_n3A_30 = arith.select %and3A_28, %add3A_29, %rem3A_21 : i32
    %mul3A_31 = arith.constant 50000 : i32
    %mul3A_32 = arith.muli %select_n3A_30, %mul3A_31 : i32
    %add3A_33 = arith.constant 0 : i32
    %add3A_34 = arith.addi %mul3A_32, %add3A_33 : i32
    %run_scoped3A = arith.constant 0 : i32
    "tpu.region"() ({
      %run_scoped3A_242 = tpu.sem_alloc : memref<!tpu.dma_semaphore, #tpu.memory_space<semaphore_mem>>
      %dma_start3A_243 = arith.constant 0 : i32
      %dma_start3A_244 = tpu.memref_slice %arg5[%run_scoped3A, %dma_start3A_243] : memref<2x1024xi32, #tpu.memory_space<vmem>> -> memref<1x1024xi32, #tpu.memory_space<vmem>>
      %dma_start3A_245 = tpu.memref_squeeze %dma_start3A_244 : memref<1x1024xi32, #tpu.memory_space<vmem>> -> memref<1024xi32, #tpu.memory_space<vmem>>
      %dma_start3A_246 = tpu.memref_slice %arg3[%select_n3A, %add3A_34] : memref<2x800000xi32, #tpu.memory_space<hbm>> -> memref<1x1024xi32, #tpu.memory_space<hbm>>
      %dma_start3A_247 = tpu.memref_squeeze %dma_start3A_246 : memref<1x1024xi32, #tpu.memory_space<hbm>> -> memref<1024xi32, #tpu.memory_space<hbm>>
      %dma_start3A_248 = arith.constant 0 : i32
      %dma_start3A_249 = tpu.memref_slice %arg5[%run_scoped3A, %dma_start3A_248] : memref<2x1024xi32, #tpu.memory_space<vmem>> -> memref<1x1024xi32, #tpu.memory_space<vmem>>
      %dma_start3A_250 = tpu.memref_squeeze %dma_start3A_249 : memref<1x1024xi32, #tpu.memory_space<vmem>> -> memref<1024xi32, #tpu.memory_space<vmem>>
      %dma_start3A_251 = tpu.memref_slice %arg3[%select_n3A, %add3A_34] : memref<2x800000xi32, #tpu.memory_space<hbm>> -> memref<1x1024xi32, #tpu.memory_space<hbm>>
      %dma_start3A_252 = tpu.memref_squeeze %dma_start3A_251 : memref<1x1024xi32, #tpu.memory_space<hbm>> -> memref<1024xi32, #tpu.memory_space<hbm>>
      tpu.enqueue_dma source(%dma_start3A_252 : memref<1024xi32, #tpu.memory_space<hbm>>) target(%dma_start3A_250 : memref<1024xi32, #tpu.memory_space<vmem>>) target_semaphore(%run_scoped3A_242 : memref<!tpu.dma_semaphore, #tpu.memory_space<semaphore_mem>>)
      %dma_wait3A_253 = arith.constant 0 : i32
      %dma_wait3A_254 = tpu.memref_slice %arg5[%run_scoped3A, %dma_wait3A_253] : memref<2x1024xi32, #tpu.memory_space<vmem>> -> memref<1x1024xi32, #tpu.memory_space<vmem>>
      %dma_wait3A_255 = tpu.memref_squeeze %dma_wait3A_254 : memref<1x1024xi32, #tpu.memory_space<vmem>> -> memref<1024xi32, #tpu.memory_space<vmem>>
      %dma_wait3A_256 = tpu.memref_slice %arg3[%select_n3A, %add3A_34] : memref<2x800000xi32, #tpu.memory_space<hbm>> -> memref<1x1024xi32, #tpu.memory_space<hbm>>
      %dma_wait3A_257 = tpu.memref_squeeze %dma_wait3A_256 : memref<1x1024xi32, #tpu.memory_space<hbm>> -> memref<1024xi32, #tpu.memory_space<hbm>>
      %dma_wait3A_258 = arith.constant 0 : i32
      %dma_wait3A_259 = tpu.memref_slice %arg5[%run_scoped3A, %dma_wait3A_258] : memref<2x1024xi32, #tpu.memory_space<vmem>> -> memref<1x1024xi32, #tpu.memory_space<vmem>>
      %dma_wait3A_260 = tpu.memref_squeeze %dma_wait3A_259 : memref<1x1024xi32, #tpu.memory_space<vmem>> -> memref<1024xi32, #tpu.memory_space<vmem>>
      %dma_wait3A_261 = tpu.memref_slice %arg3[%select_n3A, %add3A_34] : memref<2x800000xi32, #tpu.memory_space<hbm>> -> memref<1x1024xi32, #tpu.memory_space<hbm>>
      %dma_wait3A_262 = tpu.memref_squeeze %dma_wait3A_261 : memref<1x1024xi32, #tpu.memory_space<hbm>> -> memref<1024xi32, #tpu.memory_space<hbm>>
      tpu.wait_dma2 semaphore(%run_scoped3A_242 : memref<!tpu.dma_semaphore, #tpu.memory_space<semaphore_mem>>) src(%dma_wait3A_262 : memref<1024xi32, #tpu.memory_space<hbm>>) dst(%dma_wait3A_260 : memref<1024xi32, #tpu.memory_space<vmem>>)
      tpu.yield
    }) : () -> ()
    %dma_start3A = arith.constant 0 : i32
    %dma_start3A_35 = arith.constant 0 : i32
    %dma_start3A_36 = arith.constant 0 : i32
    %dma_start3A_37 = arith.constant 0 : i32
    %dma_start3A_38 = tpu.memref_slice %arg6[%dma_start3A_35, %dma_start3A_36, %dma_start3A_37] : memref<2x1024x32xf32, #tpu.memory_space<vmem>> -> memref<1x128x32xf32, #tpu.memory_space<vmem>>
    %dma_start3A_39 = tpu.memref_squeeze %dma_start3A_38 : memref<1x128x32xf32, #tpu.memory_space<vmem>> -> memref<128x32xf32, #tpu.memory_space<vmem>>
    %dma_start3A_40 = arith.constant 0 : i32
    %dma_start3A_41 = tpu.memref_slice %arg5[%dma_start3A, %dma_start3A_40] : memref<2x1024xi32, #tpu.memory_space<vmem>> -> memref<1x128xi32, #tpu.memory_space<vmem>>
    %dma_start3A_42 = tpu.memref_squeeze %dma_start3A_41 : memref<1x128xi32, #tpu.memory_space<vmem>> -> memref<128xi32, #tpu.memory_space<vmem>>
    %dma_start3A_43 = arith.constant 0 : i32
    %dma_start3A_44 = arith.constant 0 : i32
    %dma_start3A_45 = tpu.memref_slice %arg2[%dma_start3A_43, %dma_start3A_44] : memref<50000x32xf32, #tpu.memory_space<hbm>> -> memref<50000x32xf32, #tpu.memory_space<hbm>>
    tpu.enqueue_indirect_dma source(%dma_start3A_45 : memref<50000x32xf32, #tpu.memory_space<hbm>>) target(%dma_start3A_39 : memref<128x32xf32, #tpu.memory_space<vmem>>) offsets(%dma_start3A_42 : memref<128xi32, #tpu.memory_space<vmem>>) semaphore(%arg7 : memref<!tpu.dma_semaphore, #tpu.memory_space<semaphore_mem>>)
    %dma_start3A_46 = arith.constant 0 : i32
    %dma_start3A_47 = arith.constant 0 : i32
    %dma_start3A_48 = arith.constant 128 : i32
    %dma_start3A_49 = arith.constant 0 : i32
    %dma_start3A_50 = tpu.memref_slice %arg6[%dma_start3A_47, %dma_start3A_48, %dma_start3A_49] : memref<2x1024x32xf32, #tpu.memory_space<vmem>> -> memref<1x128x32xf32, #tpu.memory_space<vmem>>
    %dma_start3A_51 = tpu.memref_squeeze %dma_start3A_50 : memref<1x128x32xf32, #tpu.memory_space<vmem>> -> memref<128x32xf32, #tpu.memory_space<vmem>>
    %dma_start3A_52 = arith.constant 128 : i32
    %dma_start3A_53 = tpu.memref_slice %arg5[%dma_start3A_46, %dma_start3A_52] : memref<2x1024xi32, #tpu.memory_space<vmem>> -> memref<1x128xi32, #tpu.memory_space<vmem>>
    %dma_start3A_54 = tpu.memref_squeeze %dma_start3A_53 : memref<1x128xi32, #tpu.memory_space<vmem>> -> memref<128xi32, #tpu.memory_space<vmem>>
    %dma_start3A_55 = arith.constant 0 : i32
    %dma_start3A_56 = arith.constant 0 : i32
    %dma_start3A_57 = tpu.memref_slice %arg2[%dma_start3A_55, %dma_start3A_56] : memref<50000x32xf32, #tpu.memory_space<hbm>> -> memref<50000x32xf32, #tpu.memory_space<hbm>>
    tpu.enqueue_indirect_dma source(%dma_start3A_57 : memref<50000x32xf32, #tpu.memory_space<hbm>>) target(%dma_start3A_51 : memref<128x32xf32, #tpu.memory_space<vmem>>) offsets(%dma_start3A_54 : memref<128xi32, #tpu.memory_space<vmem>>) semaphore(%arg7 : memref<!tpu.dma_semaphore, #tpu.memory_space<semaphore_mem>>)
    %dma_start3A_58 = arith.constant 0 : i32
    %dma_start3A_59 = arith.constant 0 : i32
    %dma_start3A_60 = arith.constant 256 : i32
    %dma_start3A_61 = arith.constant 0 : i32
    %dma_start3A_62 = tpu.memref_slice %arg6[%dma_start3A_59, %dma_start3A_60, %dma_start3A_61] : memref<2x1024x32xf32, #tpu.memory_space<vmem>> -> memref<1x128x32xf32, #tpu.memory_space<vmem>>
    %dma_start3A_63 = tpu.memref_squeeze %dma_start3A_62 : memref<1x128x32xf32, #tpu.memory_space<vmem>> -> memref<128x32xf32, #tpu.memory_space<vmem>>
    %dma_start3A_64 = arith.constant 256 : i32
    %dma_start3A_65 = tpu.memref_slice %arg5[%dma_start3A_58, %dma_start3A_64] : memref<2x1024xi32, #tpu.memory_space<vmem>> -> memref<1x128xi32, #tpu.memory_space<vmem>>
    %dma_start3A_66 = tpu.memref_squeeze %dma_start3A_65 : memref<1x128xi32, #tpu.memory_space<vmem>> -> memref<128xi32, #tpu.memory_space<vmem>>
    %dma_start3A_67 = arith.constant 0 : i32
    %dma_start3A_68 = arith.constant 0 : i32
    %dma_start3A_69 = tpu.memref_slice %arg2[%dma_start3A_67, %dma_start3A_68] : memref<50000x32xf32, #tpu.memory_space<hbm>> -> memref<50000x32xf32, #tpu.memory_space<hbm>>
    tpu.enqueue_indirect_dma source(%dma_start3A_69 : memref<50000x32xf32, #tpu.memory_space<hbm>>) target(%dma_start3A_63 : memref<128x32xf32, #tpu.memory_space<vmem>>) offsets(%dma_start3A_66 : memref<128xi32, #tpu.memory_space<vmem>>) semaphore(%arg7 : memref<!tpu.dma_semaphore, #tpu.memory_space<semaphore_mem>>)
    %dma_start3A_70 = arith.constant 0 : i32
    %dma_start3A_71 = arith.constant 0 : i32
    %dma_start3A_72 = arith.constant 384 : i32
    %dma_start3A_73 = arith.constant 0 : i32
    %dma_start3A_74 = tpu.memref_slice %arg6[%dma_start3A_71, %dma_start3A_72, %dma_start3A_73] : memref<2x1024x32xf32, #tpu.memory_space<vmem>> -> memref<1x128x32xf32, #tpu.memory_space<vmem>>
    %dma_start3A_75 = tpu.memref_squeeze %dma_start3A_74 : memref<1x128x32xf32, #tpu.memory_space<vmem>> -> memref<128x32xf32, #tpu.memory_space<vmem>>
    %dma_start3A_76 = arith.constant 384 : i32
    %dma_start3A_77 = tpu.memref_slice %arg5[%dma_start3A_70, %dma_start3A_76] : memref<2x1024xi32, #tpu.memory_space<vmem>> -> memref<1x128xi32, #tpu.memory_space<vmem>>
    %dma_start3A_78 = tpu.memref_squeeze %dma_start3A_77 : memref<1x128xi32, #tpu.memory_space<vmem>> -> memref<128xi32, #tpu.memory_space<vmem>>
    %dma_start3A_79 = arith.constant 0 : i32
    %dma_start3A_80 = arith.constant 0 : i32
    %dma_start3A_81 = tpu.memref_slice %arg2[%dma_start3A_79, %dma_start3A_80] : memref<50000x32xf32, #tpu.memory_space<hbm>> -> memref<50000x32xf32, #tpu.memory_space<hbm>>
    tpu.enqueue_indirect_dma source(%dma_start3A_81 : memref<50000x32xf32, #tpu.memory_space<hbm>>) target(%dma_start3A_75 : memref<128x32xf32, #tpu.memory_space<vmem>>) offsets(%dma_start3A_78 : memref<128xi32, #tpu.memory_space<vmem>>) semaphore(%arg7 : memref<!tpu.dma_semaphore, #tpu.memory_space<semaphore_mem>>)
    %dma_start3A_82 = arith.constant 0 : i32
    %dma_start3A_83 = arith.constant 0 : i32
    %dma_start3A_84 = arith.constant 512 : i32
    %dma_start3A_85 = arith.constant 0 : i32
    %dma_start3A_86 = tpu.memref_slice %arg6[%dma_start3A_83, %dma_start3A_84, %dma_start3A_85] : memref<2x1024x32xf32, #tpu.memory_space<vmem>> -> memref<1x128x32xf32, #tpu.memory_space<vmem>>
    %dma_start3A_87 = tpu.memref_squeeze %dma_start3A_86 : memref<1x128x32xf32, #tpu.memory_space<vmem>> -> memref<128x32xf32, #tpu.memory_space<vmem>>
    %dma_start3A_88 = arith.constant 512 : i32
    %dma_start3A_89 = tpu.memref_slice %arg5[%dma_start3A_82, %dma_start3A_88] : memref<2x1024xi32, #tpu.memory_space<vmem>> -> memref<1x128xi32, #tpu.memory_space<vmem>>
    %dma_start3A_90 = tpu.memref_squeeze %dma_start3A_89 : memref<1x128xi32, #tpu.memory_space<vmem>> -> memref<128xi32, #tpu.memory_space<vmem>>
    %dma_start3A_91 = arith.constant 0 : i32
    %dma_start3A_92 = arith.constant 0 : i32
    %dma_start3A_93 = tpu.memref_slice %arg2[%dma_start3A_91, %dma_start3A_92] : memref<50000x32xf32, #tpu.memory_space<hbm>> -> memref<50000x32xf32, #tpu.memory_space<hbm>>
    tpu.enqueue_indirect_dma source(%dma_start3A_93 : memref<50000x32xf32, #tpu.memory_space<hbm>>) target(%dma_start3A_87 : memref<128x32xf32, #tpu.memory_space<vmem>>) offsets(%dma_start3A_90 : memref<128xi32, #tpu.memory_space<vmem>>) semaphore(%arg7 : memref<!tpu.dma_semaphore, #tpu.memory_space<semaphore_mem>>)
    %dma_start3A_94 = arith.constant 0 : i32
    %dma_start3A_95 = arith.constant 0 : i32
    %dma_start3A_96 = arith.constant 640 : i32
    %dma_start3A_97 = arith.constant 0 : i32
    %dma_start3A_98 = tpu.memref_slice %arg6[%dma_start3A_95, %dma_start3A_96, %dma_start3A_97] : memref<2x1024x32xf32, #tpu.memory_space<vmem>> -> memref<1x128x32xf32, #tpu.memory_space<vmem>>
    %dma_start3A_99 = tpu.memref_squeeze %dma_start3A_98 : memref<1x128x32xf32, #tpu.memory_space<vmem>> -> memref<128x32xf32, #tpu.memory_space<vmem>>
    %dma_start3A_100 = arith.constant 640 : i32
    %dma_start3A_101 = tpu.memref_slice %arg5[%dma_start3A_94, %dma_start3A_100] : memref<2x1024xi32, #tpu.memory_space<vmem>> -> memref<1x128xi32, #tpu.memory_space<vmem>>
    %dma_start3A_102 = tpu.memref_squeeze %dma_start3A_101 : memref<1x128xi32, #tpu.memory_space<vmem>> -> memref<128xi32, #tpu.memory_space<vmem>>
    %dma_start3A_103 = arith.constant 0 : i32
    %dma_start3A_104 = arith.constant 0 : i32
    %dma_start3A_105 = tpu.memref_slice %arg2[%dma_start3A_103, %dma_start3A_104] : memref<50000x32xf32, #tpu.memory_space<hbm>> -> memref<50000x32xf32, #tpu.memory_space<hbm>>
    tpu.enqueue_indirect_dma source(%dma_start3A_105 : memref<50000x32xf32, #tpu.memory_space<hbm>>) target(%dma_start3A_99 : memref<128x32xf32, #tpu.memory_space<vmem>>) offsets(%dma_start3A_102 : memref<128xi32, #tpu.memory_space<vmem>>) semaphore(%arg7 : memref<!tpu.dma_semaphore, #tpu.memory_space<semaphore_mem>>)
    %dma_start3A_106 = arith.constant 0 : i32
    %dma_start3A_107 = arith.constant 0 : i32
    %dma_start3A_108 = arith.constant 768 : i32
    %dma_start3A_109 = arith.constant 0 : i32
    %dma_start3A_110 = tpu.memref_slice %arg6[%dma_start3A_107, %dma_start3A_108, %dma_start3A_109] : memref<2x1024x32xf32, #tpu.memory_space<vmem>> -> memref<1x128x32xf32, #tpu.memory_space<vmem>>
    %dma_start3A_111 = tpu.memref_squeeze %dma_start3A_110 : memref<1x128x32xf32, #tpu.memory_space<vmem>> -> memref<128x32xf32, #tpu.memory_space<vmem>>
    %dma_start3A_112 = arith.constant 768 : i32
    %dma_start3A_113 = tpu.memref_slice %arg5[%dma_start3A_106, %dma_start3A_112] : memref<2x1024xi32, #tpu.memory_space<vmem>> -> memref<1x128xi32, #tpu.memory_space<vmem>>
    %dma_start3A_114 = tpu.memref_squeeze %dma_start3A_113 : memref<1x128xi32, #tpu.memory_space<vmem>> -> memref<128xi32, #tpu.memory_space<vmem>>
    %dma_start3A_115 = arith.constant 0 : i32
    %dma_start3A_116 = arith.constant 0 : i32
    %dma_start3A_117 = tpu.memref_slice %arg2[%dma_start3A_115, %dma_start3A_116] : memref<50000x32xf32, #tpu.memory_space<hbm>> -> memref<50000x32xf32, #tpu.memory_space<hbm>>
    tpu.enqueue_indirect_dma source(%dma_start3A_117 : memref<50000x32xf32, #tpu.memory_space<hbm>>) target(%dma_start3A_111 : memref<128x32xf32, #tpu.memory_space<vmem>>) offsets(%dma_start3A_114 : memref<128xi32, #tpu.memory_space<vmem>>) semaphore(%arg7 : memref<!tpu.dma_semaphore, #tpu.memory_space<semaphore_mem>>)
    %dma_start3A_118 = arith.constant 0 : i32
    %dma_start3A_119 = arith.constant 0 : i32
    %dma_start3A_120 = arith.constant 896 : i32
    %dma_start3A_121 = arith.constant 0 : i32
    %dma_start3A_122 = tpu.memref_slice %arg6[%dma_start3A_119, %dma_start3A_120, %dma_start3A_121] : memref<2x1024x32xf32, #tpu.memory_space<vmem>> -> memref<1x128x32xf32, #tpu.memory_space<vmem>>
    %dma_start3A_123 = tpu.memref_squeeze %dma_start3A_122 : memref<1x128x32xf32, #tpu.memory_space<vmem>> -> memref<128x32xf32, #tpu.memory_space<vmem>>
    %dma_start3A_124 = arith.constant 896 : i32
    %dma_start3A_125 = tpu.memref_slice %arg5[%dma_start3A_118, %dma_start3A_124] : memref<2x1024xi32, #tpu.memory_space<vmem>> -> memref<1x128xi32, #tpu.memory_space<vmem>>
    %dma_start3A_126 = tpu.memref_squeeze %dma_start3A_125 : memref<1x128xi32, #tpu.memory_space<vmem>> -> memref<128xi32, #tpu.memory_space<vmem>>
    %dma_start3A_127 = arith.constant 0 : i32
    %dma_start3A_128 = arith.constant 0 : i32
    %dma_start3A_129 = tpu.memref_slice %arg2[%dma_start3A_127, %dma_start3A_128] : memref<50000x32xf32, #tpu.memory_space<hbm>> -> memref<50000x32xf32, #tpu.memory_space<hbm>>
    tpu.enqueue_indirect_dma source(%dma_start3A_129 : memref<50000x32xf32, #tpu.memory_space<hbm>>) target(%dma_start3A_123 : memref<128x32xf32, #tpu.memory_space<vmem>>) offsets(%dma_start3A_126 : memref<128xi32, #tpu.memory_space<vmem>>) semaphore(%arg7 : memref<!tpu.dma_semaphore, #tpu.memory_space<semaphore_mem>>)
    %scan3A = arith.constant 0 : i32
    %scan3A_130 = arith.constant 0 : i32
    %scan3A_131 = arith.constant 24 : i32
    %scan3A_132 = arith.addi %scan3A_130, %scan3A_131 : i32
    %scan3A_133 = arith.constant 1 : i32
    scf.for %scan3A_242 = %scan3A_130 to %scan3A_132 step %scan3A_133  : i32 {
      %mul3A_243 = arith.constant 2 : i32
      %mul3A_244 = arith.muli %mul3A_243, %scan3A_242 : i32
      %add3A_245 = arith.constant 1 : i32
      %add3A_246 = arith.addi %mul3A_244, %add3A_245 : i32
      %mul3A_247 = arith.constant 1024 : i32
      %mul3A_248 = arith.muli %add3A_246, %mul3A_247 : i32
      %add3A_249 = arith.addi %mul3A_32, %mul3A_248 : i32
      %run_scoped3A_250 = arith.constant 1 : i32
      "tpu.region"() ({
        %run_scoped3A_398 = tpu.sem_alloc : memref<!tpu.dma_semaphore, #tpu.memory_space<semaphore_mem>>
        %dma_start3A_399 = arith.constant 0 : i32
        %dma_start3A_400 = tpu.memref_slice %arg5[%run_scoped3A_250, %dma_start3A_399] : memref<2x1024xi32, #tpu.memory_space<vmem>> -> memref<1x1024xi32, #tpu.memory_space<vmem>>
        %dma_start3A_401 = tpu.memref_squeeze %dma_start3A_400 : memref<1x1024xi32, #tpu.memory_space<vmem>> -> memref<1024xi32, #tpu.memory_space<vmem>>
        %dma_start3A_402 = tpu.memref_slice %arg3[%select_n3A, %add3A_249] : memref<2x800000xi32, #tpu.memory_space<hbm>> -> memref<1x1024xi32, #tpu.memory_space<hbm>>
        %dma_start3A_403 = tpu.memref_squeeze %dma_start3A_402 : memref<1x1024xi32, #tpu.memory_space<hbm>> -> memref<1024xi32, #tpu.memory_space<hbm>>
        %dma_start3A_404 = arith.constant 0 : i32
        %dma_start3A_405 = tpu.memref_slice %arg5[%run_scoped3A_250, %dma_start3A_404] : memref<2x1024xi32, #tpu.memory_space<vmem>> -> memref<1x1024xi32, #tpu.memory_space<vmem>>
        %dma_start3A_406 = tpu.memref_squeeze %dma_start3A_405 : memref<1x1024xi32, #tpu.memory_space<vmem>> -> memref<1024xi32, #tpu.memory_space<vmem>>
        %dma_start3A_407 = tpu.memref_slice %arg3[%select_n3A, %add3A_249] : memref<2x800000xi32, #tpu.memory_space<hbm>> -> memref<1x1024xi32, #tpu.memory_space<hbm>>
        %dma_start3A_408 = tpu.memref_squeeze %dma_start3A_407 : memref<1x1024xi32, #tpu.memory_space<hbm>> -> memref<1024xi32, #tpu.memory_space<hbm>>
        tpu.enqueue_dma source(%dma_start3A_408 : memref<1024xi32, #tpu.memory_space<hbm>>) target(%dma_start3A_406 : memref<1024xi32, #tpu.memory_space<vmem>>) target_semaphore(%run_scoped3A_398 : memref<!tpu.dma_semaphore, #tpu.memory_space<semaphore_mem>>)
        %dma_wait3A_409 = arith.constant 0 : i32
        %dma_wait3A_410 = tpu.memref_slice %arg5[%run_scoped3A_250, %dma_wait3A_409] : memref<2x1024xi32, #tpu.memory_space<vmem>> -> memref<1x1024xi32, #tpu.memory_space<vmem>>
        %dma_wait3A_411 = tpu.memref_squeeze %dma_wait3A_410 : memref<1x1024xi32, #tpu.memory_space<vmem>> -> memref<1024xi32, #tpu.memory_space<vmem>>
        %dma_wait3A_412 = tpu.memref_slice %arg3[%select_n3A, %add3A_249] : memref<2x800000xi32, #tpu.memory_space<hbm>> -> memref<1x1024xi32, #tpu.memory_space<hbm>>
        %dma_wait3A_413 = tpu.memref_squeeze %dma_wait3A_412 : memref<1x1024xi32, #tpu.memory_space<hbm>> -> memref<1024xi32, #tpu.memory_space<hbm>>
        %dma_wait3A_414 = arith.constant 0 : i32
        %dma_wait3A_415 = tpu.memref_slice %arg5[%run_scoped3A_250, %dma_wait3A_414] : memref<2x1024xi32, #tpu.memory_space<vmem>> -> memref<1x1024xi32, #tpu.memory_space<vmem>>
        %dma_wait3A_416 = tpu.memref_squeeze %dma_wait3A_415 : memref<1x1024xi32, #tpu.memory_space<vmem>> -> memref<1024xi32, #tpu.memory_space<vmem>>
        %dma_wait3A_417 = tpu.memref_slice %arg3[%select_n3A, %add3A_249] : memref<2x800000xi32, #tpu.memory_space<hbm>> -> memref<1x1024xi32, #tpu.memory_space<hbm>>
        %dma_wait3A_418 = tpu.memref_squeeze %dma_wait3A_417 : memref<1x1024xi32, #tpu.memory_space<hbm>> -> memref<1024xi32, #tpu.memory_space<hbm>>
        tpu.wait_dma2 semaphore(%run_scoped3A_398 : memref<!tpu.dma_semaphore, #tpu.memory_space<semaphore_mem>>) src(%dma_wait3A_418 : memref<1024xi32, #tpu.memory_space<hbm>>) dst(%dma_wait3A_416 : memref<1024xi32, #tpu.memory_space<vmem>>)
        tpu.yield
      }) : () -> ()
      %dma_start3A_251 = arith.constant 1 : i32
      %dma_start3A_252 = arith.constant 1 : i32
      %dma_start3A_253 = arith.constant 0 : i32
      %dma_start3A_254 = arith.constant 0 : i32
      %dma_start3A_255 = tpu.memref_slice %arg6[%dma_start3A_252, %dma_start3A_253, %dma_start3A_254] : memref<2x1024x32xf32, #tpu.memory_space<vmem>> -> memref<1x128x32xf32, #tpu.memory_space<vmem>>
      %dma_start3A_256 = tpu.memref_squeeze %dma_start3A_255 : memref<1x128x32xf32, #tpu.memory_space<vmem>> -> memref<128x32xf32, #tpu.memory_space<vmem>>
      %dma_start3A_257 = arith.constant 0 : i32
      %dma_start3A_258 = tpu.memref_slice %arg5[%dma_start3A_251, %dma_start3A_257] : memref<2x1024xi32, #tpu.memory_space<vmem>> -> memref<1x128xi32, #tpu.memory_space<vmem>>
      %dma_start3A_259 = tpu.memref_squeeze %dma_start3A_258 : memref<1x128xi32, #tpu.memory_space<vmem>> -> memref<128xi32, #tpu.memory_space<vmem>>
      %dma_start3A_260 = arith.constant 0 : i32
      %dma_start3A_261 = arith.constant 0 : i32
      %dma_start3A_262 = tpu.memref_slice %arg2[%dma_start3A_260, %dma_start3A_261] : memref<50000x32xf32, #tpu.memory_space<hbm>> -> memref<50000x32xf32, #tpu.memory_space<hbm>>
      tpu.enqueue_indirect_dma source(%dma_start3A_262 : memref<50000x32xf32, #tpu.memory_space<hbm>>) target(%dma_start3A_256 : memref<128x32xf32, #tpu.memory_space<vmem>>) offsets(%dma_start3A_259 : memref<128xi32, #tpu.memory_space<vmem>>) semaphore(%arg8 : memref<!tpu.dma_semaphore, #tpu.memory_space<semaphore_mem>>)
      %dma_start3A_263 = arith.constant 1 : i32
      %dma_start3A_264 = arith.constant 1 : i32
      %dma_start3A_265 = arith.constant 128 : i32
      %dma_start3A_266 = arith.constant 0 : i32
      %dma_start3A_267 = tpu.memref_slice %arg6[%dma_start3A_264, %dma_start3A_265, %dma_start3A_266] : memref<2x1024x32xf32, #tpu.memory_space<vmem>> -> memref<1x128x32xf32, #tpu.memory_space<vmem>>
      %dma_start3A_268 = tpu.memref_squeeze %dma_start3A_267 : memref<1x128x32xf32, #tpu.memory_space<vmem>> -> memref<128x32xf32, #tpu.memory_space<vmem>>
      %dma_start3A_269 = arith.constant 128 : i32
      %dma_start3A_270 = tpu.memref_slice %arg5[%dma_start3A_263, %dma_start3A_269] : memref<2x1024xi32, #tpu.memory_space<vmem>> -> memref<1x128xi32, #tpu.memory_space<vmem>>
      %dma_start3A_271 = tpu.memref_squeeze %dma_start3A_270 : memref<1x128xi32, #tpu.memory_space<vmem>> -> memref<128xi32, #tpu.memory_space<vmem>>
      %dma_start3A_272 = arith.constant 0 : i32
      %dma_start3A_273 = arith.constant 0 : i32
      %dma_start3A_274 = tpu.memref_slice %arg2[%dma_start3A_272, %dma_start3A_273] : memref<50000x32xf32, #tpu.memory_space<hbm>> -> memref<50000x32xf32, #tpu.memory_space<hbm>>
      tpu.enqueue_indirect_dma source(%dma_start3A_274 : memref<50000x32xf32, #tpu.memory_space<hbm>>) target(%dma_start3A_268 : memref<128x32xf32, #tpu.memory_space<vmem>>) offsets(%dma_start3A_271 : memref<128xi32, #tpu.memory_space<vmem>>) semaphore(%arg8 : memref<!tpu.dma_semaphore, #tpu.memory_space<semaphore_mem>>)
      %dma_start3A_275 = arith.constant 1 : i32
      %dma_start3A_276 = arith.constant 1 : i32
      %dma_start3A_277 = arith.constant 256 : i32
      %dma_start3A_278 = arith.constant 0 : i32
      %dma_start3A_279 = tpu.memref_slice %arg6[%dma_start3A_276, %dma_start3A_277, %dma_start3A_278] : memref<2x1024x32xf32, #tpu.memory_space<vmem>> -> memref<1x128x32xf32, #tpu.memory_space<vmem>>
      %dma_start3A_280 = tpu.memref_squeeze %dma_start3A_279 : memref<1x128x32xf32, #tpu.memory_space<vmem>> -> memref<128x32xf32, #tpu.memory_space<vmem>>
      %dma_start3A_281 = arith.constant 256 : i32
      %dma_start3A_282 = tpu.memref_slice %arg5[%dma_start3A_275, %dma_start3A_281] : memref<2x1024xi32, #tpu.memory_space<vmem>> -> memref<1x128xi32, #tpu.memory_space<vmem>>
      %dma_start3A_283 = tpu.memref_squeeze %dma_start3A_282 : memref<1x128xi32, #tpu.memory_space<vmem>> -> memref<128xi32, #tpu.memory_space<vmem>>
      %dma_start3A_284 = arith.constant 0 : i32
      %dma_start3A_285 = arith.constant 0 : i32
      %dma_start3A_286 = tpu.memref_slice %arg2[%dma_start3A_284, %dma_start3A_285] : memref<50000x32xf32, #tpu.memory_space<hbm>> -> memref<50000x32xf32, #tpu.memory_space<hbm>>
      tpu.enqueue_indirect_dma source(%dma_start3A_286 : memref<50000x32xf32, #tpu.memory_space<hbm>>) target(%dma_start3A_280 : memref<128x32xf32, #tpu.memory_space<vmem>>) offsets(%dma_start3A_283 : memref<128xi32, #tpu.memory_space<vmem>>) semaphore(%arg8 : memref<!tpu.dma_semaphore, #tpu.memory_space<semaphore_mem>>)
      %dma_start3A_287 = arith.constant 1 : i32
      %dma_start3A_288 = arith.constant 1 : i32
      %dma_start3A_289 = arith.constant 384 : i32
      %dma_start3A_290 = arith.constant 0 : i32
      %dma_start3A_291 = tpu.memref_slice %arg6[%dma_start3A_288, %dma_start3A_289, %dma_start3A_290] : memref<2x1024x32xf32, #tpu.memory_space<vmem>> -> memref<1x128x32xf32, #tpu.memory_space<vmem>>
      %dma_start3A_292 = tpu.memref_squeeze %dma_start3A_291 : memref<1x128x32xf32, #tpu.memory_space<vmem>> -> memref<128x32xf32, #tpu.memory_space<vmem>>
      %dma_start3A_293 = arith.constant 384 : i32
      %dma_start3A_294 = tpu.memref_slice %arg5[%dma_start3A_287, %dma_start3A_293] : memref<2x1024xi32, #tpu.memory_space<vmem>> -> memref<1x128xi32, #tpu.memory_space<vmem>>
      %dma_start3A_295 = tpu.memref_squeeze %dma_start3A_294 : memref<1x128xi32, #tpu.memory_space<vmem>> -> memref<128xi32, #tpu.memory_space<vmem>>
      %dma_start3A_296 = arith.constant 0 : i32
      %dma_start3A_297 = arith.constant 0 : i32
      %dma_start3A_298 = tpu.memref_slice %arg2[%dma_start3A_296, %dma_start3A_297] : memref<50000x32xf32, #tpu.memory_space<hbm>> -> memref<50000x32xf32, #tpu.memory_space<hbm>>
      tpu.enqueue_indirect_dma source(%dma_start3A_298 : memref<50000x32xf32, #tpu.memory_space<hbm>>) target(%dma_start3A_292 : memref<128x32xf32, #tpu.memory_space<vmem>>) offsets(%dma_start3A_295 : memref<128xi32, #tpu.memory_space<vmem>>) semaphore(%arg8 : memref<!tpu.dma_semaphore, #tpu.memory_space<semaphore_mem>>)
      %dma_start3A_299 = arith.constant 1 : i32
      %dma_start3A_300 = arith.constant 1 : i32
      %dma_start3A_301 = arith.constant 512 : i32
      %dma_start3A_302 = arith.constant 0 : i32
      %dma_start3A_303 = tpu.memref_slice %arg6[%dma_start3A_300, %dma_start3A_301, %dma_start3A_302] : memref<2x1024x32xf32, #tpu.memory_space<vmem>> -> memref<1x128x32xf32, #tpu.memory_space<vmem>>
      %dma_start3A_304 = tpu.memref_squeeze %dma_start3A_303 : memref<1x128x32xf32, #tpu.memory_space<vmem>> -> memref<128x32xf32, #tpu.memory_space<vmem>>
      %dma_start3A_305 = arith.constant 512 : i32
      %dma_start3A_306 = tpu.memref_slice %arg5[%dma_start3A_299, %dma_start3A_305] : memref<2x1024xi32, #tpu.memory_space<vmem>> -> memref<1x128xi32, #tpu.memory_space<vmem>>
      %dma_start3A_307 = tpu.memref_squeeze %dma_start3A_306 : memref<1x128xi32, #tpu.memory_space<vmem>> -> memref<128xi32, #tpu.memory_space<vmem>>
      %dma_start3A_308 = arith.constant 0 : i32
      %dma_start3A_309 = arith.constant 0 : i32
      %dma_start3A_310 = tpu.memref_slice %arg2[%dma_start3A_308, %dma_start3A_309] : memref<50000x32xf32, #tpu.memory_space<hbm>> -> memref<50000x32xf32, #tpu.memory_space<hbm>>
      tpu.enqueue_indirect_dma source(%dma_start3A_310 : memref<50000x32xf32, #tpu.memory_space<hbm>>) target(%dma_start3A_304 : memref<128x32xf32, #tpu.memory_space<vmem>>) offsets(%dma_start3A_307 : memref<128xi32, #tpu.memory_space<vmem>>) semaphore(%arg8 : memref<!tpu.dma_semaphore, #tpu.memory_space<semaphore_mem>>)
      %dma_start3A_311 = arith.constant 1 : i32
      %dma_start3A_312 = arith.constant 1 : i32
      %dma_start3A_313 = arith.constant 640 : i32
      %dma_start3A_314 = arith.constant 0 : i32
      %dma_start3A_315 = tpu.memref_slice %arg6[%dma_start3A_312, %dma_start3A_313, %dma_start3A_314] : memref<2x1024x32xf32, #tpu.memory_space<vmem>> -> memref<1x128x32xf32, #tpu.memory_space<vmem>>
      %dma_start3A_316 = tpu.memref_squeeze %dma_start3A_315 : memref<1x128x32xf32, #tpu.memory_space<vmem>> -> memref<128x32xf32, #tpu.memory_space<vmem>>
      %dma_start3A_317 = arith.constant 640 : i32
      %dma_start3A_318 = tpu.memref_slice %arg5[%dma_start3A_311, %dma_start3A_317] : memref<2x1024xi32, #tpu.memory_space<vmem>> -> memref<1x128xi32, #tpu.memory_space<vmem>>
      %dma_start3A_319 = tpu.memref_squeeze %dma_start3A_318 : memref<1x128xi32, #tpu.memory_space<vmem>> -> memref<128xi32, #tpu.memory_space<vmem>>
      %dma_start3A_320 = arith.constant 0 : i32
      %dma_start3A_321 = arith.constant 0 : i32
      %dma_start3A_322 = tpu.memref_slice %arg2[%dma_start3A_320, %dma_start3A_321] : memref<50000x32xf32, #tpu.memory_space<hbm>> -> memref<50000x32xf32, #tpu.memory_space<hbm>>
      tpu.enqueue_indirect_dma source(%dma_start3A_322 : memref<50000x32xf32, #tpu.memory_space<hbm>>) target(%dma_start3A_316 : memref<128x32xf32, #tpu.memory_space<vmem>>) offsets(%dma_start3A_319 : memref<128xi32, #tpu.memory_space<vmem>>) semaphore(%arg8 : memref<!tpu.dma_semaphore, #tpu.memory_space<semaphore_mem>>)
      %dma_start3A_323 = arith.constant 1 : i32
      %dma_start3A_324 = arith.constant 1 : i32
      %dma_start3A_325 = arith.constant 768 : i32
      %dma_start3A_326 = arith.constant 0 : i32
      %dma_start3A_327 = tpu.memref_slice %arg6[%dma_start3A_324, %dma_start3A_325, %dma_start3A_326] : memref<2x1024x32xf32, #tpu.memory_space<vmem>> -> memref<1x128x32xf32, #tpu.memory_space<vmem>>
      %dma_start3A_328 = tpu.memref_squeeze %dma_start3A_327 : memref<1x128x32xf32, #tpu.memory_space<vmem>> -> memref<128x32xf32, #tpu.memory_space<vmem>>
      %dma_start3A_329 = arith.constant 768 : i32
      %dma_start3A_330 = tpu.memref_slice %arg5[%dma_start3A_323, %dma_start3A_329] : memref<2x1024xi32, #tpu.memory_space<vmem>> -> memref<1x128xi32, #tpu.memory_space<vmem>>
      %dma_start3A_331 = tpu.memref_squeeze %dma_start3A_330 : memref<1x128xi32, #tpu.memory_space<vmem>> -> memref<128xi32, #tpu.memory_space<vmem>>
      %dma_start3A_332 = arith.constant 0 : i32
      %dma_start3A_333 = arith.constant 0 : i32
      %dma_start3A_334 = tpu.memref_slice %arg2[%dma_start3A_332, %dma_start3A_333] : memref<50000x32xf32, #tpu.memory_space<hbm>> -> memref<50000x32xf32, #tpu.memory_space<hbm>>
      tpu.enqueue_indirect_dma source(%dma_start3A_334 : memref<50000x32xf32, #tpu.memory_space<hbm>>) target(%dma_start3A_328 : memref<128x32xf32, #tpu.memory_space<vmem>>) offsets(%dma_start3A_331 : memref<128xi32, #tpu.memory_space<vmem>>) semaphore(%arg8 : memref<!tpu.dma_semaphore, #tpu.memory_space<semaphore_mem>>)
      %dma_start3A_335 = arith.constant 1 : i32
      %dma_start3A_336 = arith.constant 1 : i32
      %dma_start3A_337 = arith.constant 896 : i32
      %dma_start3A_338 = arith.constant 0 : i32
      %dma_start3A_339 = tpu.memref_slice %arg6[%dma_start3A_336, %dma_start3A_337, %dma_start3A_338] : memref<2x1024x32xf32, #tpu.memory_space<vmem>> -> memref<1x128x32xf32, #tpu.memory_space<vmem>>
      %dma_start3A_340 = tpu.memref_squeeze %dma_start3A_339 : memref<1x128x32xf32, #tpu.memory_space<vmem>> -> memref<128x32xf32, #tpu.memory_space<vmem>>
      %dma_start3A_341 = arith.constant 896 : i32
      %dma_start3A_342 = tpu.memref_slice %arg5[%dma_start3A_335, %dma_start3A_341] : memref<2x1024xi32, #tpu.memory_space<vmem>> -> memref<1x128xi32, #tpu.memory_space<vmem>>
      %dma_start3A_343 = tpu.memref_squeeze %dma_start3A_342 : memref<1x128xi32, #tpu.memory_space<vmem>> -> memref<128xi32, #tpu.memory_space<vmem>>
      %dma_start3A_344 = arith.constant 0 : i32
      %dma_start3A_345 = arith.constant 0 : i32
      %dma_start3A_346 = tpu.memref_slice %arg2[%dma_start3A_344, %dma_start3A_345] : memref<50000x32xf32, #tpu.memory_space<hbm>> -> memref<50000x32xf32, #tpu.memory_space<hbm>>
      tpu.enqueue_indirect_dma source(%dma_start3A_346 : memref<50000x32xf32, #tpu.memory_space<hbm>>) target(%dma_start3A_340 : memref<128x32xf32, #tpu.memory_space<vmem>>) offsets(%dma_start3A_343 : memref<128xi32, #tpu.memory_space<vmem>>) semaphore(%arg8 : memref<!tpu.dma_semaphore, #tpu.memory_space<semaphore_mem>>)
      %dma_wait3A_347 = arith.constant 0 : i32
      %dma_wait3A_348 = arith.constant 0 : i32
      %dma_wait3A_349 = arith.constant 0 : i32
      %dma_wait3A_350 = arith.constant 0 : i32
      %dma_wait3A_351 = tpu.memref_slice %arg6[%dma_wait3A_348, %dma_wait3A_349, %dma_wait3A_350] : memref<2x1024x32xf32, #tpu.memory_space<vmem>> -> memref<1x1024x32xf32, #tpu.memory_space<vmem>>
      %dma_wait3A_352 = tpu.memref_squeeze %dma_wait3A_351 : memref<1x1024x32xf32, #tpu.memory_space<vmem>> -> memref<1024x32xf32, #tpu.memory_space<vmem>>
      %dma_wait3A_353 = arith.constant 0 : i32
      %dma_wait3A_354 = arith.constant 0 : i32
      %dma_wait3A_355 = tpu.memref_slice %arg4[%dma_wait3A_347, %dma_wait3A_353, %dma_wait3A_354] : memref<2x800000x32xf32, #tpu.memory_space<hbm>> -> memref<1x1024x32xf32, #tpu.memory_space<hbm>>
      %dma_wait3A_356 = tpu.memref_squeeze %dma_wait3A_355 : memref<1x1024x32xf32, #tpu.memory_space<hbm>> -> memref<1024x32xf32, #tpu.memory_space<hbm>>
      %dma_wait3A_357 = arith.constant 0 : i32
      %dma_wait3A_358 = arith.constant 0 : i32
      %dma_wait3A_359 = tpu.memref_slice %arg6[%dma_wait3A_348, %dma_wait3A_357, %dma_wait3A_358] : memref<2x1024x32xf32, #tpu.memory_space<vmem>> -> memref<1x1024x32xf32, #tpu.memory_space<vmem>>
      %dma_wait3A_360 = tpu.memref_squeeze %dma_wait3A_359 : memref<1x1024x32xf32, #tpu.memory_space<vmem>> -> memref<1024x32xf32, #tpu.memory_space<vmem>>
      %dma_wait3A_361 = arith.constant 0 : i32
      %dma_wait3A_362 = arith.constant 0 : i32
      %dma_wait3A_363 = tpu.memref_slice %arg4[%dma_wait3A_347, %dma_wait3A_361, %dma_wait3A_362] : memref<2x800000x32xf32, #tpu.memory_space<hbm>> -> memref<1x1024x32xf32, #tpu.memory_space<hbm>>
      %dma_wait3A_364 = tpu.memref_squeeze %dma_wait3A_363 : memref<1x1024x32xf32, #tpu.memory_space<hbm>> -> memref<1024x32xf32, #tpu.memory_space<hbm>>
      tpu.wait_dma2 semaphore(%arg7 : memref<!tpu.dma_semaphore, #tpu.memory_space<semaphore_mem>>) src(%dma_wait3A_364 : memref<1024x32xf32, #tpu.memory_space<hbm>>) dst(%dma_wait3A_360 : memref<1024x32xf32, #tpu.memory_space<vmem>>)
      %mul3A_365 = arith.constant 1024 : i32
      %mul3A_366 = arith.muli %mul3A_244, %mul3A_365 : i32
      %add3A_367 = arith.addi %mul3A_32, %mul3A_366 : i32
      %run_scoped3A_368 = arith.constant 0 : i32
      "tpu.region"() ({
        %run_scoped3A_398 = tpu.sem_alloc : memref<!tpu.dma_semaphore, #tpu.memory_space<semaphore_mem>>
        %dma_start3A_399 = arith.constant 0 : i32
        %dma_start3A_400 = arith.constant 0 : i32
        %dma_start3A_401 = tpu.memref_slice %arg6[%run_scoped3A_368, %dma_start3A_399, %dma_start3A_400] : memref<2x1024x32xf32, #tpu.memory_space<vmem>> -> memref<1x1024x32xf32, #tpu.memory_space<vmem>>
        %dma_start3A_402 = tpu.memref_squeeze %dma_start3A_401 : memref<1x1024x32xf32, #tpu.memory_space<vmem>> -> memref<1024x32xf32, #tpu.memory_space<vmem>>
        %dma_start3A_403 = arith.constant 0 : i32
        %dma_start3A_404 = tpu.memref_slice %arg4[%select_n3A, %add3A_367, %dma_start3A_403] : memref<2x800000x32xf32, #tpu.memory_space<hbm>> -> memref<1x1024x32xf32, #tpu.memory_space<hbm>>
        %dma_start3A_405 = tpu.memref_squeeze %dma_start3A_404 : memref<1x1024x32xf32, #tpu.memory_space<hbm>> -> memref<1024x32xf32, #tpu.memory_space<hbm>>
        %dma_start3A_406 = arith.constant 0 : i32
        %dma_start3A_407 = tpu.memref_slice %arg4[%select_n3A, %add3A_367, %dma_start3A_406] : memref<2x800000x32xf32, #tpu.memory_space<hbm>> -> memref<1x1024x32xf32, #tpu.memory_space<hbm>>
        %dma_start3A_408 = tpu.memref_squeeze %dma_start3A_407 : memref<1x1024x32xf32, #tpu.memory_space<hbm>> -> memref<1024x32xf32, #tpu.memory_space<hbm>>
        %dma_start3A_409 = arith.constant 0 : i32
        %dma_start3A_410 = arith.constant 0 : i32
        %dma_start3A_411 = tpu.memref_slice %arg6[%run_scoped3A_368, %dma_start3A_409, %dma_start3A_410] : memref<2x1024x32xf32, #tpu.memory_space<vmem>> -> memref<1x1024x32xf32, #tpu.memory_space<vmem>>
        %dma_start3A_412 = tpu.memref_squeeze %dma_start3A_411 : memref<1x1024x32xf32, #tpu.memory_space<vmem>> -> memref<1024x32xf32, #tpu.memory_space<vmem>>
        tpu.enqueue_dma source(%dma_start3A_412 : memref<1024x32xf32, #tpu.memory_space<vmem>>) target(%dma_start3A_408 : memref<1024x32xf32, #tpu.memory_space<hbm>>) target_semaphore(%run_scoped3A_398 : memref<!tpu.dma_semaphore, #tpu.memory_space<semaphore_mem>>)
        %dma_wait3A_413 = arith.constant 0 : i32
        %dma_wait3A_414 = arith.constant 0 : i32
        %dma_wait3A_415 = tpu.memref_slice %arg6[%run_scoped3A_368, %dma_wait3A_413, %dma_wait3A_414] : memref<2x1024x32xf32, #tpu.memory_space<vmem>> -> memref<1x1024x32xf32, #tpu.memory_space<vmem>>
        %dma_wait3A_416 = tpu.memref_squeeze %dma_wait3A_415 : memref<1x1024x32xf32, #tpu.memory_space<vmem>> -> memref<1024x32xf32, #tpu.memory_space<vmem>>
        %dma_wait3A_417 = arith.constant 0 : i32
        %dma_wait3A_418 = tpu.memref_slice %arg4[%select_n3A, %add3A_367, %dma_wait3A_417] : memref<2x800000x32xf32, #tpu.memory_space<hbm>> -> memref<1x1024x32xf32, #tpu.memory_space<hbm>>
        %dma_wait3A_419 = tpu.memref_squeeze %dma_wait3A_418 : memref<1x1024x32xf32, #tpu.memory_space<hbm>> -> memref<1024x32xf32, #tpu.memory_space<hbm>>
        %dma_wait3A_420 = arith.constant 0 : i32
        %dma_wait3A_421 = tpu.memref_slice %arg4[%select_n3A, %add3A_367, %dma_wait3A_420] : memref<2x800000x32xf32, #tpu.memory_space<hbm>> -> memref<1x1024x32xf32, #tpu.memory_space<hbm>>
        %dma_wait3A_422 = tpu.memref_squeeze %dma_wait3A_421 : memref<1x1024x32xf32, #tpu.memory_space<hbm>> -> memref<1024x32xf32, #tpu.memory_space<hbm>>
        %dma_wait3A_423 = arith.constant 0 : i32
        %dma_wait3A_424 = arith.constant 0 : i32
        %dma_wait3A_425 = tpu.memref_slice %arg6[%run_scoped3A_368, %dma_wait3A_423, %dma_wait3A_424] : memref<2x1024x32xf32, #tpu.memory_space<vmem>> -> memref<1x1024x32xf32, #tpu.memory_space<vmem>>
        %dma_wait3A_426 = tpu.memref_squeeze %dma_wait3A_425 : memref<1x1024x32xf32, #tpu.memory_space<vmem>> -> memref<1024x32xf32, #tpu.memory_space<vmem>>
        tpu.wait_dma2 semaphore(%run_scoped3A_398 : memref<!tpu.dma_semaphore, #tpu.memory_space<semaphore_mem>>) src(%dma_wait3A_426 : memref<1024x32xf32, #tpu.memory_space<vmem>>) dst(%dma_wait3A_422 : memref<1024x32xf32, #tpu.memory_space<hbm>>)
        tpu.yield
      }) : () -> ()
      %add3A_369 = arith.constant 2 : i32
      %add3A_370 = arith.addi %mul3A_244, %add3A_369 : i32
      %lt3A_371 = arith.constant 48 : i32
      %lt3A_372 = arith.cmpi slt, %add3A_370, %lt3A_371 : i32
      %convert_element_type3A = arith.extui %lt3A_372 : i1 to i32
      %cond3A = arith.constant 0 : i32
      %cond3A_373 = arith.cmpi ne, %convert_element_type3A, %cond3A : i32
      scf.if %cond3A_373 {
        %add3A_398 = arith.constant 2 : i32
        %add3A_399 = arith.addi %mul3A_244, %add3A_398 : i32
        %mul3A_400 = arith.constant 1024 : i32
        %mul3A_401 = arith.muli %add3A_399, %mul3A_400 : i32
        %add3A_402 = arith.addi %mul3A_32, %mul3A_401 : i32
        %run_scoped3A_403 = arith.constant 0 : i32
        "tpu.region"() ({
          %run_scoped3A_500 = tpu.sem_alloc : memref<!tpu.dma_semaphore, #tpu.memory_space<semaphore_mem>>
          %dma_start3A_501 = arith.constant 0 : i32
          %dma_start3A_502 = tpu.memref_slice %arg5[%run_scoped3A_403, %dma_start3A_501] : memref<2x1024xi32, #tpu.memory_space<vmem>> -> memref<1x1024xi32, #tpu.memory_space<vmem>>
          %dma_start3A_503 = tpu.memref_squeeze %dma_start3A_502 : memref<1x1024xi32, #tpu.memory_space<vmem>> -> memref<1024xi32, #tpu.memory_space<vmem>>
          %dma_start3A_504 = tpu.memref_slice %arg3[%select_n3A, %add3A_402] : memref<2x800000xi32, #tpu.memory_space<hbm>> -> memref<1x1024xi32, #tpu.memory_space<hbm>>
          %dma_start3A_505 = tpu.memref_squeeze %dma_start3A_504 : memref<1x1024xi32, #tpu.memory_space<hbm>> -> memref<1024xi32, #tpu.memory_space<hbm>>
          %dma_start3A_506 = arith.constant 0 : i32
          %dma_start3A_507 = tpu.memref_slice %arg5[%run_scoped3A_403, %dma_start3A_506] : memref<2x1024xi32, #tpu.memory_space<vmem>> -> memref<1x1024xi32, #tpu.memory_space<vmem>>
          %dma_start3A_508 = tpu.memref_squeeze %dma_start3A_507 : memref<1x1024xi32, #tpu.memory_space<vmem>> -> memref<1024xi32, #tpu.memory_space<vmem>>
          %dma_start3A_509 = tpu.memref_slice %arg3[%select_n3A, %add3A_402] : memref<2x800000xi32, #tpu.memory_space<hbm>> -> memref<1x1024xi32, #tpu.memory_space<hbm>>
          %dma_start3A_510 = tpu.memref_squeeze %dma_start3A_509 : memref<1x1024xi32, #tpu.memory_space<hbm>> -> memref<1024xi32, #tpu.memory_space<hbm>>
          tpu.enqueue_dma source(%dma_start3A_510 : memref<1024xi32, #tpu.memory_space<hbm>>) target(%dma_start3A_508 : memref<1024xi32, #tpu.memory_space<vmem>>) target_semaphore(%run_scoped3A_500 : memref<!tpu.dma_semaphore, #tpu.memory_space<semaphore_mem>>)
          %dma_wait3A_511 = arith.constant 0 : i32
          %dma_wait3A_512 = tpu.memref_slice %arg5[%run_scoped3A_403, %dma_wait3A_511] : memref<2x1024xi32, #tpu.memory_space<vmem>> -> memref<1x1024xi32, #tpu.memory_space<vmem>>
          %dma_wait3A_513 = tpu.memref_squeeze %dma_wait3A_512 : memref<1x1024xi32, #tpu.memory_space<vmem>> -> memref<1024xi32, #tpu.memory_space<vmem>>
          %dma_wait3A_514 = tpu.memref_slice %arg3[%select_n3A, %add3A_402] : memref<2x800000xi32, #tpu.memory_space<hbm>> -> memref<1x1024xi32, #tpu.memory_space<hbm>>
          %dma_wait3A_515 = tpu.memref_squeeze %dma_wait3A_514 : memref<1x1024xi32, #tpu.memory_space<hbm>> -> memref<1024xi32, #tpu.memory_space<hbm>>
          %dma_wait3A_516 = arith.constant 0 : i32
          %dma_wait3A_517 = tpu.memref_slice %arg5[%run_scoped3A_403, %dma_wait3A_516] : memref<2x1024xi32, #tpu.memory_space<vmem>> -> memref<1x1024xi32, #tpu.memory_space<vmem>>
          %dma_wait3A_518 = tpu.memref_squeeze %dma_wait3A_517 : memref<1x1024xi32, #tpu.memory_space<vmem>> -> memref<1024xi32, #tpu.memory_space<vmem>>
          %dma_wait3A_519 = tpu.memref_slice %arg3[%select_n3A, %add3A_402] : memref<2x800000xi32, #tpu.memory_space<hbm>> -> memref<1x1024xi32, #tpu.memory_space<hbm>>
          %dma_wait3A_520 = tpu.memref_squeeze %dma_wait3A_519 : memref<1x1024xi32, #tpu.memory_space<hbm>> -> memref<1024xi32, #tpu.memory_space<hbm>>
          tpu.wait_dma2 semaphore(%run_scoped3A_500 : memref<!tpu.dma_semaphore, #tpu.memory_space<semaphore_mem>>) src(%dma_wait3A_520 : memref<1024xi32, #tpu.memory_space<hbm>>) dst(%dma_wait3A_518 : memref<1024xi32, #tpu.memory_space<vmem>>)
          tpu.yield
        }) : () -> ()
        %dma_start3A_404 = arith.constant 0 : i32
        %dma_start3A_405 = arith.constant 0 : i32
        %dma_start3A_406 = arith.constant 0 : i32
        %dma_start3A_407 = arith.constant 0 : i32
        %dma_start3A_408 = tpu.memref_slice %arg6[%dma_start3A_405, %dma_start3A_406, %dma_start3A_407] : memref<2x1024x32xf32, #tpu.memory_space<vmem>> -> memref<1x128x32xf32, #tpu.memory_space<vmem>>
        %dma_start3A_409 = tpu.memref_squeeze %dma_start3A_408 : memref<1x128x32xf32, #tpu.memory_space<vmem>> -> memref<128x32xf32, #tpu.memory_space<vmem>>
        %dma_start3A_410 = arith.constant 0 : i32
        %dma_start3A_411 = tpu.memref_slice %arg5[%dma_start3A_404, %dma_start3A_410] : memref<2x1024xi32, #tpu.memory_space<vmem>> -> memref<1x128xi32, #tpu.memory_space<vmem>>
        %dma_start3A_412 = tpu.memref_squeeze %dma_start3A_411 : memref<1x128xi32, #tpu.memory_space<vmem>> -> memref<128xi32, #tpu.memory_space<vmem>>
        %dma_start3A_413 = arith.constant 0 : i32
        %dma_start3A_414 = arith.constant 0 : i32
        %dma_start3A_415 = tpu.memref_slice %arg2[%dma_start3A_413, %dma_start3A_414] : memref<50000x32xf32, #tpu.memory_space<hbm>> -> memref<50000x32xf32, #tpu.memory_space<hbm>>
        tpu.enqueue_indirect_dma source(%dma_start3A_415 : memref<50000x32xf32, #tpu.memory_space<hbm>>) target(%dma_start3A_409 : memref<128x32xf32, #tpu.memory_space<vmem>>) offsets(%dma_start3A_412 : memref<128xi32, #tpu.memory_space<vmem>>) semaphore(%arg7 : memref<!tpu.dma_semaphore, #tpu.memory_space<semaphore_mem>>)
        %dma_start3A_416 = arith.constant 0 : i32
        %dma_start3A_417 = arith.constant 0 : i32
        %dma_start3A_418 = arith.constant 128 : i32
        %dma_start3A_419 = arith.constant 0 : i32
        %dma_start3A_420 = tpu.memref_slice %arg6[%dma_start3A_417, %dma_start3A_418, %dma_start3A_419] : memref<2x1024x32xf32, #tpu.memory_space<vmem>> -> memref<1x128x32xf32, #tpu.memory_space<vmem>>
        %dma_start3A_421 = tpu.memref_squeeze %dma_start3A_420 : memref<1x128x32xf32, #tpu.memory_space<vmem>> -> memref<128x32xf32, #tpu.memory_space<vmem>>
        %dma_start3A_422 = arith.constant 128 : i32
        %dma_start3A_423 = tpu.memref_slice %arg5[%dma_start3A_416, %dma_start3A_422] : memref<2x1024xi32, #tpu.memory_space<vmem>> -> memref<1x128xi32, #tpu.memory_space<vmem>>
        %dma_start3A_424 = tpu.memref_squeeze %dma_start3A_423 : memref<1x128xi32, #tpu.memory_space<vmem>> -> memref<128xi32, #tpu.memory_space<vmem>>
        %dma_start3A_425 = arith.constant 0 : i32
        %dma_start3A_426 = arith.constant 0 : i32
        %dma_start3A_427 = tpu.memref_slice %arg2[%dma_start3A_425, %dma_start3A_426] : memref<50000x32xf32, #tpu.memory_space<hbm>> -> memref<50000x32xf32, #tpu.memory_space<hbm>>
        tpu.enqueue_indirect_dma source(%dma_start3A_427 : memref<50000x32xf32, #tpu.memory_space<hbm>>) target(%dma_start3A_421 : memref<128x32xf32, #tpu.memory_space<vmem>>) offsets(%dma_start3A_424 : memref<128xi32, #tpu.memory_space<vmem>>) semaphore(%arg7 : memref<!tpu.dma_semaphore, #tpu.memory_space<semaphore_mem>>)
        %dma_start3A_428 = arith.constant 0 : i32
        %dma_start3A_429 = arith.constant 0 : i32
        %dma_start3A_430 = arith.constant 256 : i32
        %dma_start3A_431 = arith.constant 0 : i32
        %dma_start3A_432 = tpu.memref_slice %arg6[%dma_start3A_429, %dma_start3A_430, %dma_start3A_431] : memref<2x1024x32xf32, #tpu.memory_space<vmem>> -> memref<1x128x32xf32, #tpu.memory_space<vmem>>
        %dma_start3A_433 = tpu.memref_squeeze %dma_start3A_432 : memref<1x128x32xf32, #tpu.memory_space<vmem>> -> memref<128x32xf32, #tpu.memory_space<vmem>>
        %dma_start3A_434 = arith.constant 256 : i32
        %dma_start3A_435 = tpu.memref_slice %arg5[%dma_start3A_428, %dma_start3A_434] : memref<2x1024xi32, #tpu.memory_space<vmem>> -> memref<1x128xi32, #tpu.memory_space<vmem>>
        %dma_start3A_436 = tpu.memref_squeeze %dma_start3A_435 : memref<1x128xi32, #tpu.memory_space<vmem>> -> memref<128xi32, #tpu.memory_space<vmem>>
        %dma_start3A_437 = arith.constant 0 : i32
        %dma_start3A_438 = arith.constant 0 : i32
        %dma_start3A_439 = tpu.memref_slice %arg2[%dma_start3A_437, %dma_start3A_438] : memref<50000x32xf32, #tpu.memory_space<hbm>> -> memref<50000x32xf32, #tpu.memory_space<hbm>>
        tpu.enqueue_indirect_dma source(%dma_start3A_439 : memref<50000x32xf32, #tpu.memory_space<hbm>>) target(%dma_start3A_433 : memref<128x32xf32, #tpu.memory_space<vmem>>) offsets(%dma_start3A_436 : memref<128xi32, #tpu.memory_space<vmem>>) semaphore(%arg7 : memref<!tpu.dma_semaphore, #tpu.memory_space<semaphore_mem>>)
        %dma_start3A_440 = arith.constant 0 : i32
        %dma_start3A_441 = arith.constant 0 : i32
        %dma_start3A_442 = arith.constant 384 : i32
        %dma_start3A_443 = arith.constant 0 : i32
        %dma_start3A_444 = tpu.memref_slice %arg6[%dma_start3A_441, %dma_start3A_442, %dma_start3A_443] : memref<2x1024x32xf32, #tpu.memory_space<vmem>> -> memref<1x128x32xf32, #tpu.memory_space<vmem>>
        %dma_start3A_445 = tpu.memref_squeeze %dma_start3A_444 : memref<1x128x32xf32, #tpu.memory_space<vmem>> -> memref<128x32xf32, #tpu.memory_space<vmem>>
        %dma_start3A_446 = arith.constant 384 : i32
        %dma_start3A_447 = tpu.memref_slice %arg5[%dma_start3A_440, %dma_start3A_446] : memref<2x1024xi32, #tpu.memory_space<vmem>> -> memref<1x128xi32, #tpu.memory_space<vmem>>
        %dma_start3A_448 = tpu.memref_squeeze %dma_start3A_447 : memref<1x128xi32, #tpu.memory_space<vmem>> -> memref<128xi32, #tpu.memory_space<vmem>>
        %dma_start3A_449 = arith.constant 0 : i32
        %dma_start3A_450 = arith.constant 0 : i32
        %dma_start3A_451 = tpu.memref_slice %arg2[%dma_start3A_449, %dma_start3A_450] : memref<50000x32xf32, #tpu.memory_space<hbm>> -> memref<50000x32xf32, #tpu.memory_space<hbm>>
        tpu.enqueue_indirect_dma source(%dma_start3A_451 : memref<50000x32xf32, #tpu.memory_space<hbm>>) target(%dma_start3A_445 : memref<128x32xf32, #tpu.memory_space<vmem>>) offsets(%dma_start3A_448 : memref<128xi32, #tpu.memory_space<vmem>>) semaphore(%arg7 : memref<!tpu.dma_semaphore, #tpu.memory_space<semaphore_mem>>)
        %dma_start3A_452 = arith.constant 0 : i32
        %dma_start3A_453 = arith.constant 0 : i32
        %dma_start3A_454 = arith.constant 512 : i32
        %dma_start3A_455 = arith.constant 0 : i32
        %dma_start3A_456 = tpu.memref_slice %arg6[%dma_start3A_453, %dma_start3A_454, %dma_start3A_455] : memref<2x1024x32xf32, #tpu.memory_space<vmem>> -> memref<1x128x32xf32, #tpu.memory_space<vmem>>
        %dma_start3A_457 = tpu.memref_squeeze %dma_start3A_456 : memref<1x128x32xf32, #tpu.memory_space<vmem>> -> memref<128x32xf32, #tpu.memory_space<vmem>>
        %dma_start3A_458 = arith.constant 512 : i32
        %dma_start3A_459 = tpu.memref_slice %arg5[%dma_start3A_452, %dma_start3A_458] : memref<2x1024xi32, #tpu.memory_space<vmem>> -> memref<1x128xi32, #tpu.memory_space<vmem>>
        %dma_start3A_460 = tpu.memref_squeeze %dma_start3A_459 : memref<1x128xi32, #tpu.memory_space<vmem>> -> memref<128xi32, #tpu.memory_space<vmem>>
        %dma_start3A_461 = arith.constant 0 : i32
        %dma_start3A_462 = arith.constant 0 : i32
        %dma_start3A_463 = tpu.memref_slice %arg2[%dma_start3A_461, %dma_start3A_462] : memref<50000x32xf32, #tpu.memory_space<hbm>> -> memref<50000x32xf32, #tpu.memory_space<hbm>>
        tpu.enqueue_indirect_dma source(%dma_start3A_463 : memref<50000x32xf32, #tpu.memory_space<hbm>>) target(%dma_start3A_457 : memref<128x32xf32, #tpu.memory_space<vmem>>) offsets(%dma_start3A_460 : memref<128xi32, #tpu.memory_space<vmem>>) semaphore(%arg7 : memref<!tpu.dma_semaphore, #tpu.memory_space<semaphore_mem>>)
        %dma_start3A_464 = arith.constant 0 : i32
        %dma_start3A_465 = arith.constant 0 : i32
        %dma_start3A_466 = arith.constant 640 : i32
        %dma_start3A_467 = arith.constant 0 : i32
        %dma_start3A_468 = tpu.memref_slice %arg6[%dma_start3A_465, %dma_start3A_466, %dma_start3A_467] : memref<2x1024x32xf32, #tpu.memory_space<vmem>> -> memref<1x128x32xf32, #tpu.memory_space<vmem>>
        %dma_start3A_469 = tpu.memref_squeeze %dma_start3A_468 : memref<1x128x32xf32, #tpu.memory_space<vmem>> -> memref<128x32xf32, #tpu.memory_space<vmem>>
        %dma_start3A_470 = arith.constant 640 : i32
        %dma_start3A_471 = tpu.memref_slice %arg5[%dma_start3A_464, %dma_start3A_470] : memref<2x1024xi32, #tpu.memory_space<vmem>> -> memref<1x128xi32, #tpu.memory_space<vmem>>
        %dma_start3A_472 = tpu.memref_squeeze %dma_start3A_471 : memref<1x128xi32, #tpu.memory_space<vmem>> -> memref<128xi32, #tpu.memory_space<vmem>>
        %dma_start3A_473 = arith.constant 0 : i32
        %dma_start3A_474 = arith.constant 0 : i32
        %dma_start3A_475 = tpu.memref_slice %arg2[%dma_start3A_473, %dma_start3A_474] : memref<50000x32xf32, #tpu.memory_space<hbm>> -> memref<50000x32xf32, #tpu.memory_space<hbm>>
        tpu.enqueue_indirect_dma source(%dma_start3A_475 : memref<50000x32xf32, #tpu.memory_space<hbm>>) target(%dma_start3A_469 : memref<128x32xf32, #tpu.memory_space<vmem>>) offsets(%dma_start3A_472 : memref<128xi32, #tpu.memory_space<vmem>>) semaphore(%arg7 : memref<!tpu.dma_semaphore, #tpu.memory_space<semaphore_mem>>)
        %dma_start3A_476 = arith.constant 0 : i32
        %dma_start3A_477 = arith.constant 0 : i32
        %dma_start3A_478 = arith.constant 768 : i32
        %dma_start3A_479 = arith.constant 0 : i32
        %dma_start3A_480 = tpu.memref_slice %arg6[%dma_start3A_477, %dma_start3A_478, %dma_start3A_479] : memref<2x1024x32xf32, #tpu.memory_space<vmem>> -> memref<1x128x32xf32, #tpu.memory_space<vmem>>
        %dma_start3A_481 = tpu.memref_squeeze %dma_start3A_480 : memref<1x128x32xf32, #tpu.memory_space<vmem>> -> memref<128x32xf32, #tpu.memory_space<vmem>>
        %dma_start3A_482 = arith.constant 768 : i32
        %dma_start3A_483 = tpu.memref_slice %arg5[%dma_start3A_476, %dma_start3A_482] : memref<2x1024xi32, #tpu.memory_space<vmem>> -> memref<1x128xi32, #tpu.memory_space<vmem>>
        %dma_start3A_484 = tpu.memref_squeeze %dma_start3A_483 : memref<1x128xi32, #tpu.memory_space<vmem>> -> memref<128xi32, #tpu.memory_space<vmem>>
        %dma_start3A_485 = arith.constant 0 : i32
        %dma_start3A_486 = arith.constant 0 : i32
        %dma_start3A_487 = tpu.memref_slice %arg2[%dma_start3A_485, %dma_start3A_486] : memref<50000x32xf32, #tpu.memory_space<hbm>> -> memref<50000x32xf32, #tpu.memory_space<hbm>>
        tpu.enqueue_indirect_dma source(%dma_start3A_487 : memref<50000x32xf32, #tpu.memory_space<hbm>>) target(%dma_start3A_481 : memref<128x32xf32, #tpu.memory_space<vmem>>) offsets(%dma_start3A_484 : memref<128xi32, #tpu.memory_space<vmem>>) semaphore(%arg7 : memref<!tpu.dma_semaphore, #tpu.memory_space<semaphore_mem>>)
        %dma_start3A_488 = arith.constant 0 : i32
        %dma_start3A_489 = arith.constant 0 : i32
        %dma_start3A_490 = arith.constant 896 : i32
        %dma_start3A_491 = arith.constant 0 : i32
        %dma_start3A_492 = tpu.memref_slice %arg6[%dma_start3A_489, %dma_start3A_490, %dma_start3A_491] : memref<2x1024x32xf32, #tpu.memory_space<vmem>> -> memref<1x128x32xf32, #tpu.memory_space<vmem>>
        %dma_start3A_493 = tpu.memref_squeeze %dma_start3A_492 : memref<1x128x32xf32, #tpu.memory_space<vmem>> -> memref<128x32xf32, #tpu.memory_space<vmem>>
        %dma_start3A_494 = arith.constant 896 : i32
        %dma_start3A_495 = tpu.memref_slice %arg5[%dma_start3A_488, %dma_start3A_494] : memref<2x1024xi32, #tpu.memory_space<vmem>> -> memref<1x128xi32, #tpu.memory_space<vmem>>
        %dma_start3A_496 = tpu.memref_squeeze %dma_start3A_495 : memref<1x128xi32, #tpu.memory_space<vmem>> -> memref<128xi32, #tpu.memory_space<vmem>>
        %dma_start3A_497 = arith.constant 0 : i32
        %dma_start3A_498 = arith.constant 0 : i32
        %dma_start3A_499 = tpu.memref_slice %arg2[%dma_start3A_497, %dma_start3A_498] : memref<50000x32xf32, #tpu.memory_space<hbm>> -> memref<50000x32xf32, #tpu.memory_space<hbm>>
        tpu.enqueue_indirect_dma source(%dma_start3A_499 : memref<50000x32xf32, #tpu.memory_space<hbm>>) target(%dma_start3A_493 : memref<128x32xf32, #tpu.memory_space<vmem>>) offsets(%dma_start3A_496 : memref<128xi32, #tpu.memory_space<vmem>>) semaphore(%arg7 : memref<!tpu.dma_semaphore, #tpu.memory_space<semaphore_mem>>)
      } else {
      }
      %dma_wait3A_374 = arith.constant 0 : i32
      %dma_wait3A_375 = arith.constant 1 : i32
      %dma_wait3A_376 = arith.constant 0 : i32
      %dma_wait3A_377 = arith.constant 0 : i32
      %dma_wait3A_378 = tpu.memref_slice %arg6[%dma_wait3A_375, %dma_wait3A_376, %dma_wait3A_377] : memref<2x1024x32xf32, #tpu.memory_space<vmem>> -> memref<1x1024x32xf32, #tpu.memory_space<vmem>>
      %dma_wait3A_379 = tpu.memref_squeeze %dma_wait3A_378 : memref<1x1024x32xf32, #tpu.memory_space<vmem>> -> memref<1024x32xf32, #tpu.memory_space<vmem>>
      %dma_wait3A_380 = arith.constant 0 : i32
      %dma_wait3A_381 = arith.constant 0 : i32
      %dma_wait3A_382 = tpu.memref_slice %arg4[%dma_wait3A_374, %dma_wait3A_380, %dma_wait3A_381] : memref<2x800000x32xf32, #tpu.memory_space<hbm>> -> memref<1x1024x32xf32, #tpu.memory_space<hbm>>
      %dma_wait3A_383 = tpu.memref_squeeze %dma_wait3A_382 : memref<1x1024x32xf32, #tpu.memory_space<hbm>> -> memref<1024x32xf32, #tpu.memory_space<hbm>>
      %dma_wait3A_384 = arith.constant 0 : i32
      %dma_wait3A_385 = arith.constant 0 : i32
      %dma_wait3A_386 = tpu.memref_slice %arg6[%dma_wait3A_375, %dma_wait3A_384, %dma_wait3A_385] : memref<2x1024x32xf32, #tpu.memory_space<vmem>> -> memref<1x1024x32xf32, #tpu.memory_space<vmem>>
      %dma_wait3A_387 = tpu.memref_squeeze %dma_wait3A_386 : memref<1x1024x32xf32, #tpu.memory_space<vmem>> -> memref<1024x32xf32, #tpu.memory_space<vmem>>
      %dma_wait3A_388 = arith.constant 0 : i32
      %dma_wait3A_389 = arith.constant 0 : i32
      %dma_wait3A_390 = tpu.memref_slice %arg4[%dma_wait3A_374, %dma_wait3A_388, %dma_wait3A_389] : memref<2x800000x32xf32, #tpu.memory_space<hbm>> -> memref<1x1024x32xf32, #tpu.memory_space<hbm>>
      %dma_wait3A_391 = tpu.memref_squeeze %dma_wait3A_390 : memref<1x1024x32xf32, #tpu.memory_space<hbm>> -> memref<1024x32xf32, #tpu.memory_space<hbm>>
      tpu.wait_dma2 semaphore(%arg8 : memref<!tpu.dma_semaphore, #tpu.memory_space<semaphore_mem>>) src(%dma_wait3A_391 : memref<1024x32xf32, #tpu.memory_space<hbm>>) dst(%dma_wait3A_387 : memref<1024x32xf32, #tpu.memory_space<vmem>>)
      %add3A_392 = arith.constant 1 : i32
      %add3A_393 = arith.addi %mul3A_244, %add3A_392 : i32
      %mul3A_394 = arith.constant 1024 : i32
      %mul3A_395 = arith.muli %add3A_393, %mul3A_394 : i32
      %add3A_396 = arith.addi %mul3A_32, %mul3A_395 : i32
      %run_scoped3A_397 = arith.constant 1 : i32
      "tpu.region"() ({
        %run_scoped3A_398 = tpu.sem_alloc : memref<!tpu.dma_semaphore, #tpu.memory_space<semaphore_mem>>
        %dma_start3A_399 = arith.constant 0 : i32
        %dma_start3A_400 = arith.constant 0 : i32
        %dma_start3A_401 = tpu.memref_slice %arg6[%run_scoped3A_397, %dma_start3A_399, %dma_start3A_400] : memref<2x1024x32xf32, #tpu.memory_space<vmem>> -> memref<1x1024x32xf32, #tpu.memory_space<vmem>>
        %dma_start3A_402 = tpu.memref_squeeze %dma_start3A_401 : memref<1x1024x32xf32, #tpu.memory_space<vmem>> -> memref<1024x32xf32, #tpu.memory_space<vmem>>
        %dma_start3A_403 = arith.constant 0 : i32
        %dma_start3A_404 = tpu.memref_slice %arg4[%select_n3A, %add3A_396, %dma_start3A_403] : memref<2x800000x32xf32, #tpu.memory_space<hbm>> -> memref<1x1024x32xf32, #tpu.memory_space<hbm>>
        %dma_start3A_405 = tpu.memref_squeeze %dma_start3A_404 : memref<1x1024x32xf32, #tpu.memory_space<hbm>> -> memref<1024x32xf32, #tpu.memory_space<hbm>>
        %dma_start3A_406 = arith.constant 0 : i32
        %dma_start3A_407 = tpu.memref_slice %arg4[%select_n3A, %add3A_396, %dma_start3A_406] : memref<2x800000x32xf32, #tpu.memory_space<hbm>> -> memref<1x1024x32xf32, #tpu.memory_space<hbm>>
        %dma_start3A_408 = tpu.memref_squeeze %dma_start3A_407 : memref<1x1024x32xf32, #tpu.memory_space<hbm>> -> memref<1024x32xf32, #tpu.memory_space<hbm>>
        %dma_start3A_409 = arith.constant 0 : i32
        %dma_start3A_410 = arith.constant 0 : i32
        %dma_start3A_411 = tpu.memref_slice %arg6[%run_scoped3A_397, %dma_start3A_409, %dma_start3A_410] : memref<2x1024x32xf32, #tpu.memory_space<vmem>> -> memref<1x1024x32xf32, #tpu.memory_space<vmem>>
        %dma_start3A_412 = tpu.memref_squeeze %dma_start3A_411 : memref<1x1024x32xf32, #tpu.memory_space<vmem>> -> memref<1024x32xf32, #tpu.memory_space<vmem>>
        tpu.enqueue_dma source(%dma_start3A_412 : memref<1024x32xf32, #tpu.memory_space<vmem>>) target(%dma_start3A_408 : memref<1024x32xf32, #tpu.memory_space<hbm>>) target_semaphore(%run_scoped3A_398 : memref<!tpu.dma_semaphore, #tpu.memory_space<semaphore_mem>>)
        %dma_wait3A_413 = arith.constant 0 : i32
        %dma_wait3A_414 = arith.constant 0 : i32
        %dma_wait3A_415 = tpu.memref_slice %arg6[%run_scoped3A_397, %dma_wait3A_413, %dma_wait3A_414] : memref<2x1024x32xf32, #tpu.memory_space<vmem>> -> memref<1x1024x32xf32, #tpu.memory_space<vmem>>
        %dma_wait3A_416 = tpu.memref_squeeze %dma_wait3A_415 : memref<1x1024x32xf32, #tpu.memory_space<vmem>> -> memref<1024x32xf32, #tpu.memory_space<vmem>>
        %dma_wait3A_417 = arith.constant 0 : i32
        %dma_wait3A_418 = tpu.memref_slice %arg4[%select_n3A, %add3A_396, %dma_wait3A_417] : memref<2x800000x32xf32, #tpu.memory_space<hbm>> -> memref<1x1024x32xf32, #tpu.memory_space<hbm>>
        %dma_wait3A_419 = tpu.memref_squeeze %dma_wait3A_418 : memref<1x1024x32xf32, #tpu.memory_space<hbm>> -> memref<1024x32xf32, #tpu.memory_space<hbm>>
        %dma_wait3A_420 = arith.constant 0 : i32
        %dma_wait3A_421 = tpu.memref_slice %arg4[%select_n3A, %add3A_396, %dma_wait3A_420] : memref<2x800000x32xf32, #tpu.memory_space<hbm>> -> memref<1x1024x32xf32, #tpu.memory_space<hbm>>
        %dma_wait3A_422 = tpu.memref_squeeze %dma_wait3A_421 : memref<1x1024x32xf32, #tpu.memory_space<hbm>> -> memref<1024x32xf32, #tpu.memory_space<hbm>>
        %dma_wait3A_423 = arith.constant 0 : i32
        %dma_wait3A_424 = arith.constant 0 : i32
        %dma_wait3A_425 = tpu.memref_slice %arg6[%run_scoped3A_397, %dma_wait3A_423, %dma_wait3A_424] : memref<2x1024x32xf32, #tpu.memory_space<vmem>> -> memref<1x1024x32xf32, #tpu.memory_space<vmem>>
        %dma_wait3A_426 = tpu.memref_squeeze %dma_wait3A_425 : memref<1x1024x32xf32, #tpu.memory_space<vmem>> -> memref<1024x32xf32, #tpu.memory_space<vmem>>
        tpu.wait_dma2 semaphore(%run_scoped3A_398 : memref<!tpu.dma_semaphore, #tpu.memory_space<semaphore_mem>>) src(%dma_wait3A_426 : memref<1024x32xf32, #tpu.memory_space<vmem>>) dst(%dma_wait3A_422 : memref<1024x32xf32, #tpu.memory_space<hbm>>)
        tpu.yield
      }) : () -> ()
    }
    %scan3A_134 = arith.constant 24 : i32
    %add3A_135 = arith.constant 49152 : i32
    %add3A_136 = arith.addi %mul3A_32, %add3A_135 : i32
    %run_scoped3A_137 = arith.constant 0 : i32
    "tpu.region"() ({
      %run_scoped3A_242 = tpu.sem_alloc : memref<!tpu.dma_semaphore, #tpu.memory_space<semaphore_mem>>
      %dma_start3A_243 = arith.constant 0 : i32
      %dma_start3A_244 = tpu.memref_slice %arg5[%run_scoped3A_137, %dma_start3A_243] : memref<2x1024xi32, #tpu.memory_space<vmem>> -> memref<1x848xi32, #tpu.memory_space<vmem>>
      %dma_start3A_245 = tpu.memref_squeeze %dma_start3A_244 : memref<1x848xi32, #tpu.memory_space<vmem>> -> memref<848xi32, #tpu.memory_space<vmem>>
      %dma_start3A_246 = tpu.memref_slice %arg3[%select_n3A, %add3A_136] : memref<2x800000xi32, #tpu.memory_space<hbm>> -> memref<1x848xi32, #tpu.memory_space<hbm>>
      %dma_start3A_247 = tpu.memref_squeeze %dma_start3A_246 : memref<1x848xi32, #tpu.memory_space<hbm>> -> memref<848xi32, #tpu.memory_space<hbm>>
      %dma_start3A_248 = arith.constant 0 : i32
      %dma_start3A_249 = tpu.memref_slice %arg5[%run_scoped3A_137, %dma_start3A_248] : memref<2x1024xi32, #tpu.memory_space<vmem>> -> memref<1x848xi32, #tpu.memory_space<vmem>>
      %dma_start3A_250 = tpu.memref_squeeze %dma_start3A_249 : memref<1x848xi32, #tpu.memory_space<vmem>> -> memref<848xi32, #tpu.memory_space<vmem>>
      %dma_start3A_251 = tpu.memref_slice %arg3[%select_n3A, %add3A_136] : memref<2x800000xi32, #tpu.memory_space<hbm>> -> memref<1x848xi32, #tpu.memory_space<hbm>>
      %dma_start3A_252 = tpu.memref_squeeze %dma_start3A_251 : memref<1x848xi32, #tpu.memory_space<hbm>> -> memref<848xi32, #tpu.memory_space<hbm>>
      tpu.enqueue_dma source(%dma_start3A_252 : memref<848xi32, #tpu.memory_space<hbm>>) target(%dma_start3A_250 : memref<848xi32, #tpu.memory_space<vmem>>) target_semaphore(%run_scoped3A_242 : memref<!tpu.dma_semaphore, #tpu.memory_space<semaphore_mem>>)
      %dma_wait3A_253 = arith.constant 0 : i32
      %dma_wait3A_254 = tpu.memref_slice %arg5[%run_scoped3A_137, %dma_wait3A_253] : memref<2x1024xi32, #tpu.memory_space<vmem>> -> memref<1x848xi32, #tpu.memory_space<vmem>>
      %dma_wait3A_255 = tpu.memref_squeeze %dma_wait3A_254 : memref<1x848xi32, #tpu.memory_space<vmem>> -> memref<848xi32, #tpu.memory_space<vmem>>
      %dma_wait3A_256 = tpu.memref_slice %arg3[%select_n3A, %add3A_136] : memref<2x800000xi32, #tpu.memory_space<hbm>> -> memref<1x848xi32, #tpu.memory_space<hbm>>
      %dma_wait3A_257 = tpu.memref_squeeze %dma_wait3A_256 : memref<1x848xi32, #tpu.memory_space<hbm>> -> memref<848xi32, #tpu.memory_space<hbm>>
      %dma_wait3A_258 = arith.constant 0 : i32
      %dma_wait3A_259 = tpu.memref_slice %arg5[%run_scoped3A_137, %dma_wait3A_258] : memref<2x1024xi32, #tpu.memory_space<vmem>> -> memref<1x848xi32, #tpu.memory_space<vmem>>
      %dma_wait3A_260 = tpu.memref_squeeze %dma_wait3A_259 : memref<1x848xi32, #tpu.memory_space<vmem>> -> memref<848xi32, #tpu.memory_space<vmem>>
      %dma_wait3A_261 = tpu.memref_slice %arg3[%select_n3A, %add3A_136] : memref<2x800000xi32, #tpu.memory_space<hbm>> -> memref<1x848xi32, #tpu.memory_space<hbm>>
      %dma_wait3A_262 = tpu.memref_squeeze %dma_wait3A_261 : memref<1x848xi32, #tpu.memory_space<hbm>> -> memref<848xi32, #tpu.memory_space<hbm>>
      tpu.wait_dma2 semaphore(%run_scoped3A_242 : memref<!tpu.dma_semaphore, #tpu.memory_space<semaphore_mem>>) src(%dma_wait3A_262 : memref<848xi32, #tpu.memory_space<hbm>>) dst(%dma_wait3A_260 : memref<848xi32, #tpu.memory_space<vmem>>)
      tpu.yield
    }) : () -> ()
    %dma_start3A_138 = arith.constant 0 : i32
    %dma_start3A_139 = arith.constant 0 : i32
    %dma_start3A_140 = arith.constant 0 : i32
    %dma_start3A_141 = arith.constant 0 : i32
    %dma_start3A_142 = tpu.memref_slice %arg6[%dma_start3A_139, %dma_start3A_140, %dma_start3A_141] : memref<2x1024x32xf32, #tpu.memory_space<vmem>> -> memref<1x128x32xf32, #tpu.memory_space<vmem>>
    %dma_start3A_143 = tpu.memref_squeeze %dma_start3A_142 : memref<1x128x32xf32, #tpu.memory_space<vmem>> -> memref<128x32xf32, #tpu.memory_space<vmem>>
    %dma_start3A_144 = arith.constant 0 : i32
    %dma_start3A_145 = tpu.memref_slice %arg5[%dma_start3A_138, %dma_start3A_144] : memref<2x1024xi32, #tpu.memory_space<vmem>> -> memref<1x128xi32, #tpu.memory_space<vmem>>
    %dma_start3A_146 = tpu.memref_squeeze %dma_start3A_145 : memref<1x128xi32, #tpu.memory_space<vmem>> -> memref<128xi32, #tpu.memory_space<vmem>>
    %dma_start3A_147 = arith.constant 0 : i32
    %dma_start3A_148 = arith.constant 0 : i32
    %dma_start3A_149 = tpu.memref_slice %arg2[%dma_start3A_147, %dma_start3A_148] : memref<50000x32xf32, #tpu.memory_space<hbm>> -> memref<50000x32xf32, #tpu.memory_space<hbm>>
    tpu.enqueue_indirect_dma source(%dma_start3A_149 : memref<50000x32xf32, #tpu.memory_space<hbm>>) target(%dma_start3A_143 : memref<128x32xf32, #tpu.memory_space<vmem>>) offsets(%dma_start3A_146 : memref<128xi32, #tpu.memory_space<vmem>>) semaphore(%arg7 : memref<!tpu.dma_semaphore, #tpu.memory_space<semaphore_mem>>)
    %dma_start3A_150 = arith.constant 0 : i32
    %dma_start3A_151 = arith.constant 0 : i32
    %dma_start3A_152 = arith.constant 128 : i32
    %dma_start3A_153 = arith.constant 0 : i32
    %dma_start3A_154 = tpu.memref_slice %arg6[%dma_start3A_151, %dma_start3A_152, %dma_start3A_153] : memref<2x1024x32xf32, #tpu.memory_space<vmem>> -> memref<1x128x32xf32, #tpu.memory_space<vmem>>
    %dma_start3A_155 = tpu.memref_squeeze %dma_start3A_154 : memref<1x128x32xf32, #tpu.memory_space<vmem>> -> memref<128x32xf32, #tpu.memory_space<vmem>>
    %dma_start3A_156 = arith.constant 128 : i32
    %dma_start3A_157 = tpu.memref_slice %arg5[%dma_start3A_150, %dma_start3A_156] : memref<2x1024xi32, #tpu.memory_space<vmem>> -> memref<1x128xi32, #tpu.memory_space<vmem>>
    %dma_start3A_158 = tpu.memref_squeeze %dma_start3A_157 : memref<1x128xi32, #tpu.memory_space<vmem>> -> memref<128xi32, #tpu.memory_space<vmem>>
    %dma_start3A_159 = arith.constant 0 : i32
    %dma_start3A_160 = arith.constant 0 : i32
    %dma_start3A_161 = tpu.memref_slice %arg2[%dma_start3A_159, %dma_start3A_160] : memref<50000x32xf32, #tpu.memory_space<hbm>> -> memref<50000x32xf32, #tpu.memory_space<hbm>>
    tpu.enqueue_indirect_dma source(%dma_start3A_161 : memref<50000x32xf32, #tpu.memory_space<hbm>>) target(%dma_start3A_155 : memref<128x32xf32, #tpu.memory_space<vmem>>) offsets(%dma_start3A_158 : memref<128xi32, #tpu.memory_space<vmem>>) semaphore(%arg7 : memref<!tpu.dma_semaphore, #tpu.memory_space<semaphore_mem>>)
    %dma_start3A_162 = arith.constant 0 : i32
    %dma_start3A_163 = arith.constant 0 : i32
    %dma_start3A_164 = arith.constant 256 : i32
    %dma_start3A_165 = arith.constant 0 : i32
    %dma_start3A_166 = tpu.memref_slice %arg6[%dma_start3A_163, %dma_start3A_164, %dma_start3A_165] : memref<2x1024x32xf32, #tpu.memory_space<vmem>> -> memref<1x128x32xf32, #tpu.memory_space<vmem>>
    %dma_start3A_167 = tpu.memref_squeeze %dma_start3A_166 : memref<1x128x32xf32, #tpu.memory_space<vmem>> -> memref<128x32xf32, #tpu.memory_space<vmem>>
    %dma_start3A_168 = arith.constant 256 : i32
    %dma_start3A_169 = tpu.memref_slice %arg5[%dma_start3A_162, %dma_start3A_168] : memref<2x1024xi32, #tpu.memory_space<vmem>> -> memref<1x128xi32, #tpu.memory_space<vmem>>
    %dma_start3A_170 = tpu.memref_squeeze %dma_start3A_169 : memref<1x128xi32, #tpu.memory_space<vmem>> -> memref<128xi32, #tpu.memory_space<vmem>>
    %dma_start3A_171 = arith.constant 0 : i32
    %dma_start3A_172 = arith.constant 0 : i32
    %dma_start3A_173 = tpu.memref_slice %arg2[%dma_start3A_171, %dma_start3A_172] : memref<50000x32xf32, #tpu.memory_space<hbm>> -> memref<50000x32xf32, #tpu.memory_space<hbm>>
    tpu.enqueue_indirect_dma source(%dma_start3A_173 : memref<50000x32xf32, #tpu.memory_space<hbm>>) target(%dma_start3A_167 : memref<128x32xf32, #tpu.memory_space<vmem>>) offsets(%dma_start3A_170 : memref<128xi32, #tpu.memory_space<vmem>>) semaphore(%arg7 : memref<!tpu.dma_semaphore, #tpu.memory_space<semaphore_mem>>)
    %dma_start3A_174 = arith.constant 0 : i32
    %dma_start3A_175 = arith.constant 0 : i32
    %dma_start3A_176 = arith.constant 384 : i32
    %dma_start3A_177 = arith.constant 0 : i32
    %dma_start3A_178 = tpu.memref_slice %arg6[%dma_start3A_175, %dma_start3A_176, %dma_start3A_177] : memref<2x1024x32xf32, #tpu.memory_space<vmem>> -> memref<1x128x32xf32, #tpu.memory_space<vmem>>
    %dma_start3A_179 = tpu.memref_squeeze %dma_start3A_178 : memref<1x128x32xf32, #tpu.memory_space<vmem>> -> memref<128x32xf32, #tpu.memory_space<vmem>>
    %dma_start3A_180 = arith.constant 384 : i32
    %dma_start3A_181 = tpu.memref_slice %arg5[%dma_start3A_174, %dma_start3A_180] : memref<2x1024xi32, #tpu.memory_space<vmem>> -> memref<1x128xi32, #tpu.memory_space<vmem>>
    %dma_start3A_182 = tpu.memref_squeeze %dma_start3A_181 : memref<1x128xi32, #tpu.memory_space<vmem>> -> memref<128xi32, #tpu.memory_space<vmem>>
    %dma_start3A_183 = arith.constant 0 : i32
    %dma_start3A_184 = arith.constant 0 : i32
    %dma_start3A_185 = tpu.memref_slice %arg2[%dma_start3A_183, %dma_start3A_184] : memref<50000x32xf32, #tpu.memory_space<hbm>> -> memref<50000x32xf32, #tpu.memory_space<hbm>>
    tpu.enqueue_indirect_dma source(%dma_start3A_185 : memref<50000x32xf32, #tpu.memory_space<hbm>>) target(%dma_start3A_179 : memref<128x32xf32, #tpu.memory_space<vmem>>) offsets(%dma_start3A_182 : memref<128xi32, #tpu.memory_space<vmem>>) semaphore(%arg7 : memref<!tpu.dma_semaphore, #tpu.memory_space<semaphore_mem>>)
    %dma_start3A_186 = arith.constant 0 : i32
    %dma_start3A_187 = arith.constant 0 : i32
    %dma_start3A_188 = arith.constant 512 : i32
    %dma_start3A_189 = arith.constant 0 : i32
    %dma_start3A_190 = tpu.memref_slice %arg6[%dma_start3A_187, %dma_start3A_188, %dma_start3A_189] : memref<2x1024x32xf32, #tpu.memory_space<vmem>> -> memref<1x128x32xf32, #tpu.memory_space<vmem>>
    %dma_start3A_191 = tpu.memref_squeeze %dma_start3A_190 : memref<1x128x32xf32, #tpu.memory_space<vmem>> -> memref<128x32xf32, #tpu.memory_space<vmem>>
    %dma_start3A_192 = arith.constant 512 : i32
    %dma_start3A_193 = tpu.memref_slice %arg5[%dma_start3A_186, %dma_start3A_192] : memref<2x1024xi32, #tpu.memory_space<vmem>> -> memref<1x128xi32, #tpu.memory_space<vmem>>
    %dma_start3A_194 = tpu.memref_squeeze %dma_start3A_193 : memref<1x128xi32, #tpu.memory_space<vmem>> -> memref<128xi32, #tpu.memory_space<vmem>>
    %dma_start3A_195 = arith.constant 0 : i32
    %dma_start3A_196 = arith.constant 0 : i32
    %dma_start3A_197 = tpu.memref_slice %arg2[%dma_start3A_195, %dma_start3A_196] : memref<50000x32xf32, #tpu.memory_space<hbm>> -> memref<50000x32xf32, #tpu.memory_space<hbm>>
    tpu.enqueue_indirect_dma source(%dma_start3A_197 : memref<50000x32xf32, #tpu.memory_space<hbm>>) target(%dma_start3A_191 : memref<128x32xf32, #tpu.memory_space<vmem>>) offsets(%dma_start3A_194 : memref<128xi32, #tpu.memory_space<vmem>>) semaphore(%arg7 : memref<!tpu.dma_semaphore, #tpu.memory_space<semaphore_mem>>)
    %dma_start3A_198 = arith.constant 0 : i32
    %dma_start3A_199 = arith.constant 0 : i32
    %dma_start3A_200 = arith.constant 640 : i32
    %dma_start3A_201 = arith.constant 0 : i32
    %dma_start3A_202 = tpu.memref_slice %arg6[%dma_start3A_199, %dma_start3A_200, %dma_start3A_201] : memref<2x1024x32xf32, #tpu.memory_space<vmem>> -> memref<1x128x32xf32, #tpu.memory_space<vmem>>
    %dma_start3A_203 = tpu.memref_squeeze %dma_start3A_202 : memref<1x128x32xf32, #tpu.memory_space<vmem>> -> memref<128x32xf32, #tpu.memory_space<vmem>>
    %dma_start3A_204 = arith.constant 640 : i32
    %dma_start3A_205 = tpu.memref_slice %arg5[%dma_start3A_198, %dma_start3A_204] : memref<2x1024xi32, #tpu.memory_space<vmem>> -> memref<1x128xi32, #tpu.memory_space<vmem>>
    %dma_start3A_206 = tpu.memref_squeeze %dma_start3A_205 : memref<1x128xi32, #tpu.memory_space<vmem>> -> memref<128xi32, #tpu.memory_space<vmem>>
    %dma_start3A_207 = arith.constant 0 : i32
    %dma_start3A_208 = arith.constant 0 : i32
    %dma_start3A_209 = tpu.memref_slice %arg2[%dma_start3A_207, %dma_start3A_208] : memref<50000x32xf32, #tpu.memory_space<hbm>> -> memref<50000x32xf32, #tpu.memory_space<hbm>>
    tpu.enqueue_indirect_dma source(%dma_start3A_209 : memref<50000x32xf32, #tpu.memory_space<hbm>>) target(%dma_start3A_203 : memref<128x32xf32, #tpu.memory_space<vmem>>) offsets(%dma_start3A_206 : memref<128xi32, #tpu.memory_space<vmem>>) semaphore(%arg7 : memref<!tpu.dma_semaphore, #tpu.memory_space<semaphore_mem>>)
    %dma_start3A_210 = arith.constant 0 : i32
    %dma_start3A_211 = arith.constant 0 : i32
    %dma_start3A_212 = arith.constant 768 : i32
    %dma_start3A_213 = arith.constant 0 : i32
    %dma_start3A_214 = tpu.memref_slice %arg6[%dma_start3A_211, %dma_start3A_212, %dma_start3A_213] : memref<2x1024x32xf32, #tpu.memory_space<vmem>> -> memref<1x80x32xf32, #tpu.memory_space<vmem>>
    %dma_start3A_215 = tpu.memref_squeeze %dma_start3A_214 : memref<1x80x32xf32, #tpu.memory_space<vmem>> -> memref<80x32xf32, #tpu.memory_space<vmem>>
    %dma_start3A_216 = arith.constant 768 : i32
    %dma_start3A_217 = tpu.memref_slice %arg5[%dma_start3A_210, %dma_start3A_216] : memref<2x1024xi32, #tpu.memory_space<vmem>> -> memref<1x80xi32, #tpu.memory_space<vmem>>
    %dma_start3A_218 = tpu.memref_squeeze %dma_start3A_217 : memref<1x80xi32, #tpu.memory_space<vmem>> -> memref<80xi32, #tpu.memory_space<vmem>>
    %dma_start3A_219 = arith.constant 0 : i32
    %dma_start3A_220 = arith.constant 0 : i32
    %dma_start3A_221 = tpu.memref_slice %arg2[%dma_start3A_219, %dma_start3A_220] : memref<50000x32xf32, #tpu.memory_space<hbm>> -> memref<50000x32xf32, #tpu.memory_space<hbm>>
    tpu.enqueue_indirect_dma source(%dma_start3A_221 : memref<50000x32xf32, #tpu.memory_space<hbm>>) target(%dma_start3A_215 : memref<80x32xf32, #tpu.memory_space<vmem>>) offsets(%dma_start3A_218 : memref<80xi32, #tpu.memory_space<vmem>>) semaphore(%arg7 : memref<!tpu.dma_semaphore, #tpu.memory_space<semaphore_mem>>)
    %dma_wait3A = arith.constant 0 : i32
    %dma_wait3A_222 = arith.constant 0 : i32
    %dma_wait3A_223 = arith.constant 0 : i32
    %dma_wait3A_224 = arith.constant 0 : i32
    %dma_wait3A_225 = tpu.memref_slice %arg6[%dma_wait3A_222, %dma_wait3A_223, %dma_wait3A_224] : memref<2x1024x32xf32, #tpu.memory_space<vmem>> -> memref<1x848x32xf32, #tpu.memory_space<vmem>>
    %dma_wait3A_226 = tpu.memref_squeeze %dma_wait3A_225 : memref<1x848x32xf32, #tpu.memory_space<vmem>> -> memref<848x32xf32, #tpu.memory_space<vmem>>
    %dma_wait3A_227 = arith.constant 0 : i32
    %dma_wait3A_228 = arith.constant 0 : i32
    %dma_wait3A_229 = tpu.memref_slice %arg4[%dma_wait3A, %dma_wait3A_227, %dma_wait3A_228] : memref<2x800000x32xf32, #tpu.memory_space<hbm>> -> memref<1x848x32xf32, #tpu.memory_space<hbm>>
    %dma_wait3A_230 = tpu.memref_squeeze %dma_wait3A_229 : memref<1x848x32xf32, #tpu.memory_space<hbm>> -> memref<848x32xf32, #tpu.memory_space<hbm>>
    %dma_wait3A_231 = arith.constant 0 : i32
    %dma_wait3A_232 = arith.constant 0 : i32
    %dma_wait3A_233 = tpu.memref_slice %arg6[%dma_wait3A_222, %dma_wait3A_231, %dma_wait3A_232] : memref<2x1024x32xf32, #tpu.memory_space<vmem>> -> memref<1x848x32xf32, #tpu.memory_space<vmem>>
    %dma_wait3A_234 = tpu.memref_squeeze %dma_wait3A_233 : memref<1x848x32xf32, #tpu.memory_space<vmem>> -> memref<848x32xf32, #tpu.memory_space<vmem>>
    %dma_wait3A_235 = arith.constant 0 : i32
    %dma_wait3A_236 = arith.constant 0 : i32
    %dma_wait3A_237 = tpu.memref_slice %arg4[%dma_wait3A, %dma_wait3A_235, %dma_wait3A_236] : memref<2x800000x32xf32, #tpu.memory_space<hbm>> -> memref<1x848x32xf32, #tpu.memory_space<hbm>>
    %dma_wait3A_238 = tpu.memref_squeeze %dma_wait3A_237 : memref<1x848x32xf32, #tpu.memory_space<hbm>> -> memref<848x32xf32, #tpu.memory_space<hbm>>
    tpu.wait_dma2 semaphore(%arg7 : memref<!tpu.dma_semaphore, #tpu.memory_space<semaphore_mem>>) src(%dma_wait3A_238 : memref<848x32xf32, #tpu.memory_space<hbm>>) dst(%dma_wait3A_234 : memref<848x32xf32, #tpu.memory_space<vmem>>)
    %add3A_239 = arith.constant 49152 : i32
    %add3A_240 = arith.addi %mul3A_32, %add3A_239 : i32
    %run_scoped3A_241 = arith.constant 0 : i32
    "tpu.region"() ({
      %run_scoped3A_242 = tpu.sem_alloc : memref<!tpu.dma_semaphore, #tpu.memory_space<semaphore_mem>>
      %dma_start3A_243 = arith.constant 0 : i32
      %dma_start3A_244 = arith.constant 0 : i32
      %dma_start3A_245 = tpu.memref_slice %arg6[%run_scoped3A_241, %dma_start3A_243, %dma_start3A_244] : memref<2x1024x32xf32, #tpu.memory_space<vmem>> -> memref<1x848x32xf32, #tpu.memory_space<vmem>>
      %dma_start3A_246 = tpu.memref_squeeze %dma_start3A_245 : memref<1x848x32xf32, #tpu.memory_space<vmem>> -> memref<848x32xf32, #tpu.memory_space<vmem>>
      %dma_start3A_247 = arith.constant 0 : i32
      %dma_start3A_248 = tpu.memref_slice %arg4[%select_n3A, %add3A_240, %dma_start3A_247] : memref<2x800000x32xf32, #tpu.memory_space<hbm>> -> memref<1x848x32xf32, #tpu.memory_space<hbm>>
      %dma_start3A_249 = tpu.memref_squeeze %dma_start3A_248 : memref<1x848x32xf32, #tpu.memory_space<hbm>> -> memref<848x32xf32, #tpu.memory_space<hbm>>
      %dma_start3A_250 = arith.constant 0 : i32
      %dma_start3A_251 = tpu.memref_slice %arg4[%select_n3A, %add3A_240, %dma_start3A_250] : memref<2x800000x32xf32, #tpu.memory_space<hbm>> -> memref<1x848x32xf32, #tpu.memory_space<hbm>>
      %dma_start3A_252 = tpu.memref_squeeze %dma_start3A_251 : memref<1x848x32xf32, #tpu.memory_space<hbm>> -> memref<848x32xf32, #tpu.memory_space<hbm>>
      %dma_start3A_253 = arith.constant 0 : i32
      %dma_start3A_254 = arith.constant 0 : i32
      %dma_start3A_255 = tpu.memref_slice %arg6[%run_scoped3A_241, %dma_start3A_253, %dma_start3A_254] : memref<2x1024x32xf32, #tpu.memory_space<vmem>> -> memref<1x848x32xf32, #tpu.memory_space<vmem>>
      %dma_start3A_256 = tpu.memref_squeeze %dma_start3A_255 : memref<1x848x32xf32, #tpu.memory_space<vmem>> -> memref<848x32xf32, #tpu.memory_space<vmem>>
      tpu.enqueue_dma source(%dma_start3A_256 : memref<848x32xf32, #tpu.memory_space<vmem>>) target(%dma_start3A_252 : memref<848x32xf32, #tpu.memory_space<hbm>>) target_semaphore(%run_scoped3A_242 : memref<!tpu.dma_semaphore, #tpu.memory_space<semaphore_mem>>)
      %dma_wait3A_257 = arith.constant 0 : i32
      %dma_wait3A_258 = arith.constant 0 : i32
      %dma_wait3A_259 = tpu.memref_slice %arg6[%run_scoped3A_241, %dma_wait3A_257, %dma_wait3A_258] : memref<2x1024x32xf32, #tpu.memory_space<vmem>> -> memref<1x848x32xf32, #tpu.memory_space<vmem>>
      %dma_wait3A_260 = tpu.memref_squeeze %dma_wait3A_259 : memref<1x848x32xf32, #tpu.memory_space<vmem>> -> memref<848x32xf32, #tpu.memory_space<vmem>>
      %dma_wait3A_261 = arith.constant 0 : i32
      %dma_wait3A_262 = tpu.memref_slice %arg4[%select_n3A, %add3A_240, %dma_wait3A_261] : memref<2x800000x32xf32, #tpu.memory_space<hbm>> -> memref<1x848x32xf32, #tpu.memory_space<hbm>>
      %dma_wait3A_263 = tpu.memref_squeeze %dma_wait3A_262 : memref<1x848x32xf32, #tpu.memory_space<hbm>> -> memref<848x32xf32, #tpu.memory_space<hbm>>
      %dma_wait3A_264 = arith.constant 0 : i32
      %dma_wait3A_265 = tpu.memref_slice %arg4[%select_n3A, %add3A_240, %dma_wait3A_264] : memref<2x800000x32xf32, #tpu.memory_space<hbm>> -> memref<1x848x32xf32, #tpu.memory_space<hbm>>
      %dma_wait3A_266 = tpu.memref_squeeze %dma_wait3A_265 : memref<1x848x32xf32, #tpu.memory_space<hbm>> -> memref<848x32xf32, #tpu.memory_space<hbm>>
      %dma_wait3A_267 = arith.constant 0 : i32
      %dma_wait3A_268 = arith.constant 0 : i32
      %dma_wait3A_269 = tpu.memref_slice %arg6[%run_scoped3A_241, %dma_wait3A_267, %dma_wait3A_268] : memref<2x1024x32xf32, #tpu.memory_space<vmem>> -> memref<1x848x32xf32, #tpu.memory_space<vmem>>
      %dma_wait3A_270 = tpu.memref_squeeze %dma_wait3A_269 : memref<1x848x32xf32, #tpu.memory_space<vmem>> -> memref<848x32xf32, #tpu.memory_space<vmem>>
      tpu.wait_dma2 semaphore(%run_scoped3A_242 : memref<!tpu.dma_semaphore, #tpu.memory_space<semaphore_mem>>) src(%dma_wait3A_270 : memref<848x32xf32, #tpu.memory_space<vmem>>) dst(%dma_wait3A_266 : memref<848x32xf32, #tpu.memory_space<hbm>>)
      tpu.yield
    }) : () -> ()
    return
  }
}

#map = affine_map<(d0, d1) -> (0, 0)>
#map1 = affine_map<(d0, d1) -> (0, 0, 0)>
module attributes {stable_mosaic.version = 14 : i64} {
  func.func @_scatter_k(%arg0: i32, %arg1: i32, %arg2: memref<800128x8xf32, #tpu.memory_space<hbm>>, %arg3: memref<32x196x128xi32, #tpu.memory_space<hbm>>, %arg4: memref<50048x8xf32, #tpu.memory_space<hbm>>, %arg5: memref<2x50048x8xf32, #tpu.memory_space<hbm>>, %arg6: memref<8x128xi32, #tpu.memory_space<vmem>>, %arg7: memref<1024x8xf32, #tpu.memory_space<vmem>>, %arg8: memref<50048x8xf32, #tpu.memory_space<vmem_shared>>) attributes {dimension_semantics = [#tpu.dimension_semantics<core_parallel>, #tpu.dimension_semantics<subcore_parallel>], iteration_bounds = array<i64: 2, 16>, scalar_prefetch = 0 : i64, scratch_operands = 3 : i64, tpu.core_type = #tpu.core_type<sc_vector_subcore>, window_params = [{transform_indices = #map}, {transform_indices = #map1}, {transform_indices = #map}, {transform_indices = #map1}]} {
    %mul3A = arith.constant 2 : i32
    %mul3A_0 = arith.muli %arg1, %mul3A : i32
    %add3A = arith.addi %mul3A_0, %arg0 : i32
    %mul3A_1 = arith.constant 3128 : i32
    %mul3A_2 = arith.muli %arg1, %mul3A_1 : i32
    %mul3A_3 = arith.constant 3128 : i32
    %mul3A_4 = arith.muli %arg1, %mul3A_3 : i32
    "tpu.region"() ({
      %run_scoped3A_22 = tpu.sem_alloc : memref<!tpu.dma_semaphore, #tpu.memory_space<semaphore_mem>>
      %dma_start3A = arith.constant 0 : i32
      %dma_start3A_23 = tpu.memref_slice %arg8[%mul3A_4, %dma_start3A] : memref<50048x8xf32, #tpu.memory_space<vmem_shared>> -> memref<3128x8xf32, #tpu.memory_space<vmem_shared>>
      %dma_start3A_24 = arith.constant 0 : i32
      %dma_start3A_25 = tpu.memref_slice %arg4[%mul3A_2, %dma_start3A_24] : memref<50048x8xf32, #tpu.memory_space<hbm>> -> memref<3128x8xf32, #tpu.memory_space<hbm>>
      tpu.enqueue_dma source(%dma_start3A_25 : memref<3128x8xf32, #tpu.memory_space<hbm>>) target(%dma_start3A_23 : memref<3128x8xf32, #tpu.memory_space<vmem_shared>>) target_semaphore(%run_scoped3A_22 : memref<!tpu.dma_semaphore, #tpu.memory_space<semaphore_mem>>)
      %dma_wait3A = arith.constant 0 : i32
      %dma_wait3A_26 = tpu.memref_slice %arg8[%mul3A_4, %dma_wait3A] : memref<50048x8xf32, #tpu.memory_space<vmem_shared>> -> memref<3128x8xf32, #tpu.memory_space<vmem_shared>>
      %dma_wait3A_27 = arith.constant 0 : i32
      %dma_wait3A_28 = tpu.memref_slice %arg4[%mul3A_2, %dma_wait3A_27] : memref<50048x8xf32, #tpu.memory_space<hbm>> -> memref<3128x8xf32, #tpu.memory_space<hbm>>
      tpu.wait_dma2 semaphore(%run_scoped3A_22 : memref<!tpu.dma_semaphore, #tpu.memory_space<semaphore_mem>>) src(%dma_wait3A_28 : memref<3128x8xf32, #tpu.memory_space<hbm>>) dst(%dma_wait3A_26 : memref<3128x8xf32, #tpu.memory_space<vmem_shared>>)
      tpu.yield
    }) : () -> ()
    %barrier3A = arith.constant 0 : index
    tpu.barrier barrier_id(%barrier3A)
    %scan3A = arith.constant 0 : i32
    %scan3A_5 = arith.constant 0 : i32
    %scan3A_6 = arith.constant 24 : i32
    %scan3A_7 = arith.addi %scan3A_5, %scan3A_6 : i32
    %scan3A_8 = arith.constant 1 : i32
    scf.for %scan3A_22 = %scan3A_5 to %scan3A_7 step %scan3A_8  : i32 {
      %mul3A_23 = arith.constant 25000 : i32
      %mul3A_24 = arith.muli %add3A, %mul3A_23 : i32
      %mul3A_25 = arith.constant 1024 : i32
      %mul3A_26 = arith.muli %scan3A_22, %mul3A_25 : i32
      %add3A_27 = arith.addi %mul3A_24, %mul3A_26 : i32
      %mul3A_28 = arith.constant 8 : i32
      %mul3A_29 = arith.muli %scan3A_22, %mul3A_28 : i32
      "tpu.region"() ({
        %run_scoped3A_38 = tpu.sem_alloc : memref<!tpu.dma_semaphore, #tpu.memory_space<semaphore_mem>>
        %dma_start3A = arith.constant 0 : i32
        %dma_start3A_39 = arith.constant 0 : i32
        %dma_start3A_40 = tpu.memref_slice %arg6[%dma_start3A, %dma_start3A_39] : memref<8x128xi32, #tpu.memory_space<vmem>> -> memref<8x128xi32, #tpu.memory_space<vmem>>
        %dma_start3A_41 = arith.constant 0 : i32
        %dma_start3A_42 = tpu.memref_slice %arg3[%add3A, %mul3A_29, %dma_start3A_41] : memref<32x196x128xi32, #tpu.memory_space<hbm>> -> memref<1x8x128xi32, #tpu.memory_space<hbm>>
        %dma_start3A_43 = tpu.memref_squeeze %dma_start3A_42 : memref<1x8x128xi32, #tpu.memory_space<hbm>> -> memref<8x128xi32, #tpu.memory_space<hbm>>
        %dma_start3A_44 = arith.constant 0 : i32
        %dma_start3A_45 = arith.constant 0 : i32
        %dma_start3A_46 = tpu.memref_slice %arg6[%dma_start3A_44, %dma_start3A_45] : memref<8x128xi32, #tpu.memory_space<vmem>> -> memref<8x128xi32, #tpu.memory_space<vmem>>
        %dma_start3A_47 = arith.constant 0 : i32
        %dma_start3A_48 = tpu.memref_slice %arg3[%add3A, %mul3A_29, %dma_start3A_47] : memref<32x196x128xi32, #tpu.memory_space<hbm>> -> memref<1x8x128xi32, #tpu.memory_space<hbm>>
        %dma_start3A_49 = tpu.memref_squeeze %dma_start3A_48 : memref<1x8x128xi32, #tpu.memory_space<hbm>> -> memref<8x128xi32, #tpu.memory_space<hbm>>
        tpu.enqueue_dma source(%dma_start3A_49 : memref<8x128xi32, #tpu.memory_space<hbm>>) target(%dma_start3A_46 : memref<8x128xi32, #tpu.memory_space<vmem>>) target_semaphore(%run_scoped3A_38 : memref<!tpu.dma_semaphore, #tpu.memory_space<semaphore_mem>>)
        %dma_wait3A = arith.constant 0 : i32
        %dma_wait3A_50 = arith.constant 0 : i32
        %dma_wait3A_51 = tpu.memref_slice %arg6[%dma_wait3A, %dma_wait3A_50] : memref<8x128xi32, #tpu.memory_space<vmem>> -> memref<8x128xi32, #tpu.memory_space<vmem>>
        %dma_wait3A_52 = arith.constant 0 : i32
        %dma_wait3A_53 = tpu.memref_slice %arg3[%add3A, %mul3A_29, %dma_wait3A_52] : memref<32x196x128xi32, #tpu.memory_space<hbm>> -> memref<1x8x128xi32, #tpu.memory_space<hbm>>
        %dma_wait3A_54 = tpu.memref_squeeze %dma_wait3A_53 : memref<1x8x128xi32, #tpu.memory_space<hbm>> -> memref<8x128xi32, #tpu.memory_space<hbm>>
        %dma_wait3A_55 = arith.constant 0 : i32
        %dma_wait3A_56 = arith.constant 0 : i32
        %dma_wait3A_57 = tpu.memref_slice %arg6[%dma_wait3A_55, %dma_wait3A_56] : memref<8x128xi32, #tpu.memory_space<vmem>> -> memref<8x128xi32, #tpu.memory_space<vmem>>
        %dma_wait3A_58 = arith.constant 0 : i32
        %dma_wait3A_59 = tpu.memref_slice %arg3[%add3A, %mul3A_29, %dma_wait3A_58] : memref<32x196x128xi32, #tpu.memory_space<hbm>> -> memref<1x8x128xi32, #tpu.memory_space<hbm>>
        %dma_wait3A_60 = tpu.memref_squeeze %dma_wait3A_59 : memref<1x8x128xi32, #tpu.memory_space<hbm>> -> memref<8x128xi32, #tpu.memory_space<hbm>>
        tpu.wait_dma2 semaphore(%run_scoped3A_38 : memref<!tpu.dma_semaphore, #tpu.memory_space<semaphore_mem>>) src(%dma_wait3A_60 : memref<8x128xi32, #tpu.memory_space<hbm>>) dst(%dma_wait3A_57 : memref<8x128xi32, #tpu.memory_space<vmem>>)
        tpu.yield
      }) : () -> ()
      "tpu.region"() ({
        %run_scoped3A_38 = tpu.sem_alloc : memref<!tpu.dma_semaphore, #tpu.memory_space<semaphore_mem>>
        %dma_start3A = arith.constant 0 : i32
        %dma_start3A_39 = arith.constant 0 : i32
        %dma_start3A_40 = tpu.memref_slice %arg7[%dma_start3A, %dma_start3A_39] : memref<1024x8xf32, #tpu.memory_space<vmem>> -> memref<1024x8xf32, #tpu.memory_space<vmem>>
        %dma_start3A_41 = arith.constant 0 : i32
        %dma_start3A_42 = tpu.memref_slice %arg2[%add3A_27, %dma_start3A_41] : memref<800128x8xf32, #tpu.memory_space<hbm>> -> memref<1024x8xf32, #tpu.memory_space<hbm>>
        %dma_start3A_43 = arith.constant 0 : i32
        %dma_start3A_44 = arith.constant 0 : i32
        %dma_start3A_45 = tpu.memref_slice %arg7[%dma_start3A_43, %dma_start3A_44] : memref<1024x8xf32, #tpu.memory_space<vmem>> -> memref<1024x8xf32, #tpu.memory_space<vmem>>
        %dma_start3A_46 = arith.constant 0 : i32
        %dma_start3A_47 = tpu.memref_slice %arg2[%add3A_27, %dma_start3A_46] : memref<800128x8xf32, #tpu.memory_space<hbm>> -> memref<1024x8xf32, #tpu.memory_space<hbm>>
        tpu.enqueue_dma source(%dma_start3A_47 : memref<1024x8xf32, #tpu.memory_space<hbm>>) target(%dma_start3A_45 : memref<1024x8xf32, #tpu.memory_space<vmem>>) target_semaphore(%run_scoped3A_38 : memref<!tpu.dma_semaphore, #tpu.memory_space<semaphore_mem>>)
        %dma_wait3A = arith.constant 0 : i32
        %dma_wait3A_48 = arith.constant 0 : i32
        %dma_wait3A_49 = tpu.memref_slice %arg7[%dma_wait3A, %dma_wait3A_48] : memref<1024x8xf32, #tpu.memory_space<vmem>> -> memref<1024x8xf32, #tpu.memory_space<vmem>>
        %dma_wait3A_50 = arith.constant 0 : i32
        %dma_wait3A_51 = tpu.memref_slice %arg2[%add3A_27, %dma_wait3A_50] : memref<800128x8xf32, #tpu.memory_space<hbm>> -> memref<1024x8xf32, #tpu.memory_space<hbm>>
        %dma_wait3A_52 = arith.constant 0 : i32
        %dma_wait3A_53 = arith.constant 0 : i32
        %dma_wait3A_54 = tpu.memref_slice %arg7[%dma_wait3A_52, %dma_wait3A_53] : memref<1024x8xf32, #tpu.memory_space<vmem>> -> memref<1024x8xf32, #tpu.memory_space<vmem>>
        %dma_wait3A_55 = arith.constant 0 : i32
        %dma_wait3A_56 = tpu.memref_slice %arg2[%add3A_27, %dma_wait3A_55] : memref<800128x8xf32, #tpu.memory_space<hbm>> -> memref<1024x8xf32, #tpu.memory_space<hbm>>
        tpu.wait_dma2 semaphore(%run_scoped3A_38 : memref<!tpu.dma_semaphore, #tpu.memory_space<semaphore_mem>>) src(%dma_wait3A_56 : memref<1024x8xf32, #tpu.memory_space<hbm>>) dst(%dma_wait3A_54 : memref<1024x8xf32, #tpu.memory_space<vmem>>)
        tpu.yield
      }) : () -> ()
      %run_scoped3A_30 = arith.constant 0 : i32
      "tpu.region"() ({
        %run_scoped3A_38 = tpu.sem_alloc : memref<!tpu.dma_semaphore, #tpu.memory_space<semaphore_mem>>
        %dma_start3A = arith.constant 0 : i32
        %dma_start3A_39 = arith.constant 0 : i32
        %dma_start3A_40 = tpu.memref_slice %arg7[%dma_start3A, %dma_start3A_39] : memref<1024x8xf32, #tpu.memory_space<vmem>> -> memref<128x8xf32, #tpu.memory_space<vmem>>
        %dma_start3A_41 = arith.constant 0 : i32
        %dma_start3A_42 = tpu.memref_slice %arg6[%run_scoped3A_30, %dma_start3A_41] : memref<8x128xi32, #tpu.memory_space<vmem>> -> memref<1x128xi32, #tpu.memory_space<vmem>>
        %dma_start3A_43 = tpu.memref_squeeze %dma_start3A_42 : memref<1x128xi32, #tpu.memory_space<vmem>> -> memref<128xi32, #tpu.memory_space<vmem>>
        %dma_start3A_44 = arith.constant 0 : i32
        %dma_start3A_45 = arith.constant 0 : i32
        %dma_start3A_46 = tpu.memref_slice %arg8[%dma_start3A_44, %dma_start3A_45] : memref<50048x8xf32, #tpu.memory_space<vmem_shared>> -> memref<50048x8xf32, #tpu.memory_space<vmem_shared>>
        tpu.enqueue_indirect_dma source(%dma_start3A_40 : memref<128x8xf32, #tpu.memory_space<vmem>>) target(%dma_start3A_46 : memref<50048x8xf32, #tpu.memory_space<vmem_shared>>) offsets(%dma_start3A_43 : memref<128xi32, #tpu.memory_space<vmem>>) semaphore(%run_scoped3A_38 : memref<!tpu.dma_semaphore, #tpu.memory_space<semaphore_mem>>) {add = true}
        %dma_wait3A = arith.constant 0 : i32
        %dma_wait3A_47 = arith.constant 0 : i32
        %dma_wait3A_48 = tpu.memref_slice %arg7[%dma_wait3A, %dma_wait3A_47] : memref<1024x8xf32, #tpu.memory_space<vmem>> -> memref<128x8xf32, #tpu.memory_space<vmem>>
        %dma_wait3A_49 = arith.constant 0 : i32
        %dma_wait3A_50 = tpu.memref_slice %arg6[%run_scoped3A_30, %dma_wait3A_49] : memref<8x128xi32, #tpu.memory_space<vmem>> -> memref<1x128xi32, #tpu.memory_space<vmem>>
        %dma_wait3A_51 = tpu.memref_squeeze %dma_wait3A_50 : memref<1x128xi32, #tpu.memory_space<vmem>> -> memref<128xi32, #tpu.memory_space<vmem>>
        %dma_wait3A_52 = arith.constant 0 : i32
        %dma_wait3A_53 = arith.constant 0 : i32
        %dma_wait3A_54 = tpu.memref_slice %arg8[%dma_wait3A_52, %dma_wait3A_53] : memref<50048x8xf32, #tpu.memory_space<vmem_shared>> -> memref<50048x8xf32, #tpu.memory_space<vmem_shared>>
        tpu.wait_indirect_dma semaphore(%run_scoped3A_38 : memref<!tpu.dma_semaphore, #tpu.memory_space<semaphore_mem>>) src(%dma_wait3A_48 : memref<128x8xf32, #tpu.memory_space<vmem>>) dst(%dma_wait3A_54 : memref<50048x8xf32, #tpu.memory_space<vmem_shared>>)
        tpu.yield
      }) : () -> ()
      %run_scoped3A_31 = arith.constant 1 : i32
      "tpu.region"() ({
        %run_scoped3A_38 = tpu.sem_alloc : memref<!tpu.dma_semaphore, #tpu.memory_space<semaphore_mem>>
        %dma_start3A = arith.constant 128 : i32
        %dma_start3A_39 = arith.constant 0 : i32
        %dma_start3A_40 = tpu.memref_slice %arg7[%dma_start3A, %dma_start3A_39] : memref<1024x8xf32, #tpu.memory_space<vmem>> -> memref<128x8xf32, #tpu.memory_space<vmem>>
        %dma_start3A_41 = arith.constant 0 : i32
        %dma_start3A_42 = tpu.memref_slice %arg6[%run_scoped3A_31, %dma_start3A_41] : memref<8x128xi32, #tpu.memory_space<vmem>> -> memref<1x128xi32, #tpu.memory_space<vmem>>
        %dma_start3A_43 = tpu.memref_squeeze %dma_start3A_42 : memref<1x128xi32, #tpu.memory_space<vmem>> -> memref<128xi32, #tpu.memory_space<vmem>>
        %dma_start3A_44 = arith.constant 0 : i32
        %dma_start3A_45 = arith.constant 0 : i32
        %dma_start3A_46 = tpu.memref_slice %arg8[%dma_start3A_44, %dma_start3A_45] : memref<50048x8xf32, #tpu.memory_space<vmem_shared>> -> memref<50048x8xf32, #tpu.memory_space<vmem_shared>>
        tpu.enqueue_indirect_dma source(%dma_start3A_40 : memref<128x8xf32, #tpu.memory_space<vmem>>) target(%dma_start3A_46 : memref<50048x8xf32, #tpu.memory_space<vmem_shared>>) offsets(%dma_start3A_43 : memref<128xi32, #tpu.memory_space<vmem>>) semaphore(%run_scoped3A_38 : memref<!tpu.dma_semaphore, #tpu.memory_space<semaphore_mem>>) {add = true}
        %dma_wait3A = arith.constant 128 : i32
        %dma_wait3A_47 = arith.constant 0 : i32
        %dma_wait3A_48 = tpu.memref_slice %arg7[%dma_wait3A, %dma_wait3A_47] : memref<1024x8xf32, #tpu.memory_space<vmem>> -> memref<128x8xf32, #tpu.memory_space<vmem>>
        %dma_wait3A_49 = arith.constant 0 : i32
        %dma_wait3A_50 = tpu.memref_slice %arg6[%run_scoped3A_31, %dma_wait3A_49] : memref<8x128xi32, #tpu.memory_space<vmem>> -> memref<1x128xi32, #tpu.memory_space<vmem>>
        %dma_wait3A_51 = tpu.memref_squeeze %dma_wait3A_50 : memref<1x128xi32, #tpu.memory_space<vmem>> -> memref<128xi32, #tpu.memory_space<vmem>>
        %dma_wait3A_52 = arith.constant 0 : i32
        %dma_wait3A_53 = arith.constant 0 : i32
        %dma_wait3A_54 = tpu.memref_slice %arg8[%dma_wait3A_52, %dma_wait3A_53] : memref<50048x8xf32, #tpu.memory_space<vmem_shared>> -> memref<50048x8xf32, #tpu.memory_space<vmem_shared>>
        tpu.wait_indirect_dma semaphore(%run_scoped3A_38 : memref<!tpu.dma_semaphore, #tpu.memory_space<semaphore_mem>>) src(%dma_wait3A_48 : memref<128x8xf32, #tpu.memory_space<vmem>>) dst(%dma_wait3A_54 : memref<50048x8xf32, #tpu.memory_space<vmem_shared>>)
        tpu.yield
      }) : () -> ()
      %run_scoped3A_32 = arith.constant 2 : i32
      "tpu.region"() ({
        %run_scoped3A_38 = tpu.sem_alloc : memref<!tpu.dma_semaphore, #tpu.memory_space<semaphore_mem>>
        %dma_start3A = arith.constant 256 : i32
        %dma_start3A_39 = arith.constant 0 : i32
        %dma_start3A_40 = tpu.memref_slice %arg7[%dma_start3A, %dma_start3A_39] : memref<1024x8xf32, #tpu.memory_space<vmem>> -> memref<128x8xf32, #tpu.memory_space<vmem>>
        %dma_start3A_41 = arith.constant 0 : i32
        %dma_start3A_42 = tpu.memref_slice %arg6[%run_scoped3A_32, %dma_start3A_41] : memref<8x128xi32, #tpu.memory_space<vmem>> -> memref<1x128xi32, #tpu.memory_space<vmem>>
        %dma_start3A_43 = tpu.memref_squeeze %dma_start3A_42 : memref<1x128xi32, #tpu.memory_space<vmem>> -> memref<128xi32, #tpu.memory_space<vmem>>
        %dma_start3A_44 = arith.constant 0 : i32
        %dma_start3A_45 = arith.constant 0 : i32
        %dma_start3A_46 = tpu.memref_slice %arg8[%dma_start3A_44, %dma_start3A_45] : memref<50048x8xf32, #tpu.memory_space<vmem_shared>> -> memref<50048x8xf32, #tpu.memory_space<vmem_shared>>
        tpu.enqueue_indirect_dma source(%dma_start3A_40 : memref<128x8xf32, #tpu.memory_space<vmem>>) target(%dma_start3A_46 : memref<50048x8xf32, #tpu.memory_space<vmem_shared>>) offsets(%dma_start3A_43 : memref<128xi32, #tpu.memory_space<vmem>>) semaphore(%run_scoped3A_38 : memref<!tpu.dma_semaphore, #tpu.memory_space<semaphore_mem>>) {add = true}
        %dma_wait3A = arith.constant 256 : i32
        %dma_wait3A_47 = arith.constant 0 : i32
        %dma_wait3A_48 = tpu.memref_slice %arg7[%dma_wait3A, %dma_wait3A_47] : memref<1024x8xf32, #tpu.memory_space<vmem>> -> memref<128x8xf32, #tpu.memory_space<vmem>>
        %dma_wait3A_49 = arith.constant 0 : i32
        %dma_wait3A_50 = tpu.memref_slice %arg6[%run_scoped3A_32, %dma_wait3A_49] : memref<8x128xi32, #tpu.memory_space<vmem>> -> memref<1x128xi32, #tpu.memory_space<vmem>>
        %dma_wait3A_51 = tpu.memref_squeeze %dma_wait3A_50 : memref<1x128xi32, #tpu.memory_space<vmem>> -> memref<128xi32, #tpu.memory_space<vmem>>
        %dma_wait3A_52 = arith.constant 0 : i32
        %dma_wait3A_53 = arith.constant 0 : i32
        %dma_wait3A_54 = tpu.memref_slice %arg8[%dma_wait3A_52, %dma_wait3A_53] : memref<50048x8xf32, #tpu.memory_space<vmem_shared>> -> memref<50048x8xf32, #tpu.memory_space<vmem_shared>>
        tpu.wait_indirect_dma semaphore(%run_scoped3A_38 : memref<!tpu.dma_semaphore, #tpu.memory_space<semaphore_mem>>) src(%dma_wait3A_48 : memref<128x8xf32, #tpu.memory_space<vmem>>) dst(%dma_wait3A_54 : memref<50048x8xf32, #tpu.memory_space<vmem_shared>>)
        tpu.yield
      }) : () -> ()
      %run_scoped3A_33 = arith.constant 3 : i32
      "tpu.region"() ({
        %run_scoped3A_38 = tpu.sem_alloc : memref<!tpu.dma_semaphore, #tpu.memory_space<semaphore_mem>>
        %dma_start3A = arith.constant 384 : i32
        %dma_start3A_39 = arith.constant 0 : i32
        %dma_start3A_40 = tpu.memref_slice %arg7[%dma_start3A, %dma_start3A_39] : memref<1024x8xf32, #tpu.memory_space<vmem>> -> memref<128x8xf32, #tpu.memory_space<vmem>>
        %dma_start3A_41 = arith.constant 0 : i32
        %dma_start3A_42 = tpu.memref_slice %arg6[%run_scoped3A_33, %dma_start3A_41] : memref<8x128xi32, #tpu.memory_space<vmem>> -> memref<1x128xi32, #tpu.memory_space<vmem>>
        %dma_start3A_43 = tpu.memref_squeeze %dma_start3A_42 : memref<1x128xi32, #tpu.memory_space<vmem>> -> memref<128xi32, #tpu.memory_space<vmem>>
        %dma_start3A_44 = arith.constant 0 : i32
        %dma_start3A_45 = arith.constant 0 : i32
        %dma_start3A_46 = tpu.memref_slice %arg8[%dma_start3A_44, %dma_start3A_45] : memref<50048x8xf32, #tpu.memory_space<vmem_shared>> -> memref<50048x8xf32, #tpu.memory_space<vmem_shared>>
        tpu.enqueue_indirect_dma source(%dma_start3A_40 : memref<128x8xf32, #tpu.memory_space<vmem>>) target(%dma_start3A_46 : memref<50048x8xf32, #tpu.memory_space<vmem_shared>>) offsets(%dma_start3A_43 : memref<128xi32, #tpu.memory_space<vmem>>) semaphore(%run_scoped3A_38 : memref<!tpu.dma_semaphore, #tpu.memory_space<semaphore_mem>>) {add = true}
        %dma_wait3A = arith.constant 384 : i32
        %dma_wait3A_47 = arith.constant 0 : i32
        %dma_wait3A_48 = tpu.memref_slice %arg7[%dma_wait3A, %dma_wait3A_47] : memref<1024x8xf32, #tpu.memory_space<vmem>> -> memref<128x8xf32, #tpu.memory_space<vmem>>
        %dma_wait3A_49 = arith.constant 0 : i32
        %dma_wait3A_50 = tpu.memref_slice %arg6[%run_scoped3A_33, %dma_wait3A_49] : memref<8x128xi32, #tpu.memory_space<vmem>> -> memref<1x128xi32, #tpu.memory_space<vmem>>
        %dma_wait3A_51 = tpu.memref_squeeze %dma_wait3A_50 : memref<1x128xi32, #tpu.memory_space<vmem>> -> memref<128xi32, #tpu.memory_space<vmem>>
        %dma_wait3A_52 = arith.constant 0 : i32
        %dma_wait3A_53 = arith.constant 0 : i32
        %dma_wait3A_54 = tpu.memref_slice %arg8[%dma_wait3A_52, %dma_wait3A_53] : memref<50048x8xf32, #tpu.memory_space<vmem_shared>> -> memref<50048x8xf32, #tpu.memory_space<vmem_shared>>
        tpu.wait_indirect_dma semaphore(%run_scoped3A_38 : memref<!tpu.dma_semaphore, #tpu.memory_space<semaphore_mem>>) src(%dma_wait3A_48 : memref<128x8xf32, #tpu.memory_space<vmem>>) dst(%dma_wait3A_54 : memref<50048x8xf32, #tpu.memory_space<vmem_shared>>)
        tpu.yield
      }) : () -> ()
      %run_scoped3A_34 = arith.constant 4 : i32
      "tpu.region"() ({
        %run_scoped3A_38 = tpu.sem_alloc : memref<!tpu.dma_semaphore, #tpu.memory_space<semaphore_mem>>
        %dma_start3A = arith.constant 512 : i32
        %dma_start3A_39 = arith.constant 0 : i32
        %dma_start3A_40 = tpu.memref_slice %arg7[%dma_start3A, %dma_start3A_39] : memref<1024x8xf32, #tpu.memory_space<vmem>> -> memref<128x8xf32, #tpu.memory_space<vmem>>
        %dma_start3A_41 = arith.constant 0 : i32
        %dma_start3A_42 = tpu.memref_slice %arg6[%run_scoped3A_34, %dma_start3A_41] : memref<8x128xi32, #tpu.memory_space<vmem>> -> memref<1x128xi32, #tpu.memory_space<vmem>>
        %dma_start3A_43 = tpu.memref_squeeze %dma_start3A_42 : memref<1x128xi32, #tpu.memory_space<vmem>> -> memref<128xi32, #tpu.memory_space<vmem>>
        %dma_start3A_44 = arith.constant 0 : i32
        %dma_start3A_45 = arith.constant 0 : i32
        %dma_start3A_46 = tpu.memref_slice %arg8[%dma_start3A_44, %dma_start3A_45] : memref<50048x8xf32, #tpu.memory_space<vmem_shared>> -> memref<50048x8xf32, #tpu.memory_space<vmem_shared>>
        tpu.enqueue_indirect_dma source(%dma_start3A_40 : memref<128x8xf32, #tpu.memory_space<vmem>>) target(%dma_start3A_46 : memref<50048x8xf32, #tpu.memory_space<vmem_shared>>) offsets(%dma_start3A_43 : memref<128xi32, #tpu.memory_space<vmem>>) semaphore(%run_scoped3A_38 : memref<!tpu.dma_semaphore, #tpu.memory_space<semaphore_mem>>) {add = true}
        %dma_wait3A = arith.constant 512 : i32
        %dma_wait3A_47 = arith.constant 0 : i32
        %dma_wait3A_48 = tpu.memref_slice %arg7[%dma_wait3A, %dma_wait3A_47] : memref<1024x8xf32, #tpu.memory_space<vmem>> -> memref<128x8xf32, #tpu.memory_space<vmem>>
        %dma_wait3A_49 = arith.constant 0 : i32
        %dma_wait3A_50 = tpu.memref_slice %arg6[%run_scoped3A_34, %dma_wait3A_49] : memref<8x128xi32, #tpu.memory_space<vmem>> -> memref<1x128xi32, #tpu.memory_space<vmem>>
        %dma_wait3A_51 = tpu.memref_squeeze %dma_wait3A_50 : memref<1x128xi32, #tpu.memory_space<vmem>> -> memref<128xi32, #tpu.memory_space<vmem>>
        %dma_wait3A_52 = arith.constant 0 : i32
        %dma_wait3A_53 = arith.constant 0 : i32
        %dma_wait3A_54 = tpu.memref_slice %arg8[%dma_wait3A_52, %dma_wait3A_53] : memref<50048x8xf32, #tpu.memory_space<vmem_shared>> -> memref<50048x8xf32, #tpu.memory_space<vmem_shared>>
        tpu.wait_indirect_dma semaphore(%run_scoped3A_38 : memref<!tpu.dma_semaphore, #tpu.memory_space<semaphore_mem>>) src(%dma_wait3A_48 : memref<128x8xf32, #tpu.memory_space<vmem>>) dst(%dma_wait3A_54 : memref<50048x8xf32, #tpu.memory_space<vmem_shared>>)
        tpu.yield
      }) : () -> ()
      %run_scoped3A_35 = arith.constant 5 : i32
      "tpu.region"() ({
        %run_scoped3A_38 = tpu.sem_alloc : memref<!tpu.dma_semaphore, #tpu.memory_space<semaphore_mem>>
        %dma_start3A = arith.constant 640 : i32
        %dma_start3A_39 = arith.constant 0 : i32
        %dma_start3A_40 = tpu.memref_slice %arg7[%dma_start3A, %dma_start3A_39] : memref<1024x8xf32, #tpu.memory_space<vmem>> -> memref<128x8xf32, #tpu.memory_space<vmem>>
        %dma_start3A_41 = arith.constant 0 : i32
        %dma_start3A_42 = tpu.memref_slice %arg6[%run_scoped3A_35, %dma_start3A_41] : memref<8x128xi32, #tpu.memory_space<vmem>> -> memref<1x128xi32, #tpu.memory_space<vmem>>
        %dma_start3A_43 = tpu.memref_squeeze %dma_start3A_42 : memref<1x128xi32, #tpu.memory_space<vmem>> -> memref<128xi32, #tpu.memory_space<vmem>>
        %dma_start3A_44 = arith.constant 0 : i32
        %dma_start3A_45 = arith.constant 0 : i32
        %dma_start3A_46 = tpu.memref_slice %arg8[%dma_start3A_44, %dma_start3A_45] : memref<50048x8xf32, #tpu.memory_space<vmem_shared>> -> memref<50048x8xf32, #tpu.memory_space<vmem_shared>>
        tpu.enqueue_indirect_dma source(%dma_start3A_40 : memref<128x8xf32, #tpu.memory_space<vmem>>) target(%dma_start3A_46 : memref<50048x8xf32, #tpu.memory_space<vmem_shared>>) offsets(%dma_start3A_43 : memref<128xi32, #tpu.memory_space<vmem>>) semaphore(%run_scoped3A_38 : memref<!tpu.dma_semaphore, #tpu.memory_space<semaphore_mem>>) {add = true}
        %dma_wait3A = arith.constant 640 : i32
        %dma_wait3A_47 = arith.constant 0 : i32
        %dma_wait3A_48 = tpu.memref_slice %arg7[%dma_wait3A, %dma_wait3A_47] : memref<1024x8xf32, #tpu.memory_space<vmem>> -> memref<128x8xf32, #tpu.memory_space<vmem>>
        %dma_wait3A_49 = arith.constant 0 : i32
        %dma_wait3A_50 = tpu.memref_slice %arg6[%run_scoped3A_35, %dma_wait3A_49] : memref<8x128xi32, #tpu.memory_space<vmem>> -> memref<1x128xi32, #tpu.memory_space<vmem>>
        %dma_wait3A_51 = tpu.memref_squeeze %dma_wait3A_50 : memref<1x128xi32, #tpu.memory_space<vmem>> -> memref<128xi32, #tpu.memory_space<vmem>>
        %dma_wait3A_52 = arith.constant 0 : i32
        %dma_wait3A_53 = arith.constant 0 : i32
        %dma_wait3A_54 = tpu.memref_slice %arg8[%dma_wait3A_52, %dma_wait3A_53] : memref<50048x8xf32, #tpu.memory_space<vmem_shared>> -> memref<50048x8xf32, #tpu.memory_space<vmem_shared>>
        tpu.wait_indirect_dma semaphore(%run_scoped3A_38 : memref<!tpu.dma_semaphore, #tpu.memory_space<semaphore_mem>>) src(%dma_wait3A_48 : memref<128x8xf32, #tpu.memory_space<vmem>>) dst(%dma_wait3A_54 : memref<50048x8xf32, #tpu.memory_space<vmem_shared>>)
        tpu.yield
      }) : () -> ()
      %run_scoped3A_36 = arith.constant 6 : i32
      "tpu.region"() ({
        %run_scoped3A_38 = tpu.sem_alloc : memref<!tpu.dma_semaphore, #tpu.memory_space<semaphore_mem>>
        %dma_start3A = arith.constant 768 : i32
        %dma_start3A_39 = arith.constant 0 : i32
        %dma_start3A_40 = tpu.memref_slice %arg7[%dma_start3A, %dma_start3A_39] : memref<1024x8xf32, #tpu.memory_space<vmem>> -> memref<128x8xf32, #tpu.memory_space<vmem>>
        %dma_start3A_41 = arith.constant 0 : i32
        %dma_start3A_42 = tpu.memref_slice %arg6[%run_scoped3A_36, %dma_start3A_41] : memref<8x128xi32, #tpu.memory_space<vmem>> -> memref<1x128xi32, #tpu.memory_space<vmem>>
        %dma_start3A_43 = tpu.memref_squeeze %dma_start3A_42 : memref<1x128xi32, #tpu.memory_space<vmem>> -> memref<128xi32, #tpu.memory_space<vmem>>
        %dma_start3A_44 = arith.constant 0 : i32
        %dma_start3A_45 = arith.constant 0 : i32
        %dma_start3A_46 = tpu.memref_slice %arg8[%dma_start3A_44, %dma_start3A_45] : memref<50048x8xf32, #tpu.memory_space<vmem_shared>> -> memref<50048x8xf32, #tpu.memory_space<vmem_shared>>
        tpu.enqueue_indirect_dma source(%dma_start3A_40 : memref<128x8xf32, #tpu.memory_space<vmem>>) target(%dma_start3A_46 : memref<50048x8xf32, #tpu.memory_space<vmem_shared>>) offsets(%dma_start3A_43 : memref<128xi32, #tpu.memory_space<vmem>>) semaphore(%run_scoped3A_38 : memref<!tpu.dma_semaphore, #tpu.memory_space<semaphore_mem>>) {add = true}
        %dma_wait3A = arith.constant 768 : i32
        %dma_wait3A_47 = arith.constant 0 : i32
        %dma_wait3A_48 = tpu.memref_slice %arg7[%dma_wait3A, %dma_wait3A_47] : memref<1024x8xf32, #tpu.memory_space<vmem>> -> memref<128x8xf32, #tpu.memory_space<vmem>>
        %dma_wait3A_49 = arith.constant 0 : i32
        %dma_wait3A_50 = tpu.memref_slice %arg6[%run_scoped3A_36, %dma_wait3A_49] : memref<8x128xi32, #tpu.memory_space<vmem>> -> memref<1x128xi32, #tpu.memory_space<vmem>>
        %dma_wait3A_51 = tpu.memref_squeeze %dma_wait3A_50 : memref<1x128xi32, #tpu.memory_space<vmem>> -> memref<128xi32, #tpu.memory_space<vmem>>
        %dma_wait3A_52 = arith.constant 0 : i32
        %dma_wait3A_53 = arith.constant 0 : i32
        %dma_wait3A_54 = tpu.memref_slice %arg8[%dma_wait3A_52, %dma_wait3A_53] : memref<50048x8xf32, #tpu.memory_space<vmem_shared>> -> memref<50048x8xf32, #tpu.memory_space<vmem_shared>>
        tpu.wait_indirect_dma semaphore(%run_scoped3A_38 : memref<!tpu.dma_semaphore, #tpu.memory_space<semaphore_mem>>) src(%dma_wait3A_48 : memref<128x8xf32, #tpu.memory_space<vmem>>) dst(%dma_wait3A_54 : memref<50048x8xf32, #tpu.memory_space<vmem_shared>>)
        tpu.yield
      }) : () -> ()
      %run_scoped3A_37 = arith.constant 7 : i32
      "tpu.region"() ({
        %run_scoped3A_38 = tpu.sem_alloc : memref<!tpu.dma_semaphore, #tpu.memory_space<semaphore_mem>>
        %dma_start3A = arith.constant 896 : i32
        %dma_start3A_39 = arith.constant 0 : i32
        %dma_start3A_40 = tpu.memref_slice %arg7[%dma_start3A, %dma_start3A_39] : memref<1024x8xf32, #tpu.memory_space<vmem>> -> memref<128x8xf32, #tpu.memory_space<vmem>>
        %dma_start3A_41 = arith.constant 0 : i32
        %dma_start3A_42 = tpu.memref_slice %arg6[%run_scoped3A_37, %dma_start3A_41] : memref<8x128xi32, #tpu.memory_space<vmem>> -> memref<1x128xi32, #tpu.memory_space<vmem>>
        %dma_start3A_43 = tpu.memref_squeeze %dma_start3A_42 : memref<1x128xi32, #tpu.memory_space<vmem>> -> memref<128xi32, #tpu.memory_space<vmem>>
        %dma_start3A_44 = arith.constant 0 : i32
        %dma_start3A_45 = arith.constant 0 : i32
        %dma_start3A_46 = tpu.memref_slice %arg8[%dma_start3A_44, %dma_start3A_45] : memref<50048x8xf32, #tpu.memory_space<vmem_shared>> -> memref<50048x8xf32, #tpu.memory_space<vmem_shared>>
        tpu.enqueue_indirect_dma source(%dma_start3A_40 : memref<128x8xf32, #tpu.memory_space<vmem>>) target(%dma_start3A_46 : memref<50048x8xf32, #tpu.memory_space<vmem_shared>>) offsets(%dma_start3A_43 : memref<128xi32, #tpu.memory_space<vmem>>) semaphore(%run_scoped3A_38 : memref<!tpu.dma_semaphore, #tpu.memory_space<semaphore_mem>>) {add = true}
        %dma_wait3A = arith.constant 896 : i32
        %dma_wait3A_47 = arith.constant 0 : i32
        %dma_wait3A_48 = tpu.memref_slice %arg7[%dma_wait3A, %dma_wait3A_47] : memref<1024x8xf32, #tpu.memory_space<vmem>> -> memref<128x8xf32, #tpu.memory_space<vmem>>
        %dma_wait3A_49 = arith.constant 0 : i32
        %dma_wait3A_50 = tpu.memref_slice %arg6[%run_scoped3A_37, %dma_wait3A_49] : memref<8x128xi32, #tpu.memory_space<vmem>> -> memref<1x128xi32, #tpu.memory_space<vmem>>
        %dma_wait3A_51 = tpu.memref_squeeze %dma_wait3A_50 : memref<1x128xi32, #tpu.memory_space<vmem>> -> memref<128xi32, #tpu.memory_space<vmem>>
        %dma_wait3A_52 = arith.constant 0 : i32
        %dma_wait3A_53 = arith.constant 0 : i32
        %dma_wait3A_54 = tpu.memref_slice %arg8[%dma_wait3A_52, %dma_wait3A_53] : memref<50048x8xf32, #tpu.memory_space<vmem_shared>> -> memref<50048x8xf32, #tpu.memory_space<vmem_shared>>
        tpu.wait_indirect_dma semaphore(%run_scoped3A_38 : memref<!tpu.dma_semaphore, #tpu.memory_space<semaphore_mem>>) src(%dma_wait3A_48 : memref<128x8xf32, #tpu.memory_space<vmem>>) dst(%dma_wait3A_54 : memref<50048x8xf32, #tpu.memory_space<vmem_shared>>)
        tpu.yield
      }) : () -> ()
    }
    %scan3A_9 = arith.constant 24 : i32
    %mul3A_10 = arith.constant 25000 : i32
    %mul3A_11 = arith.muli %add3A, %mul3A_10 : i32
    %add3A_12 = arith.constant 24576 : i32
    %add3A_13 = arith.addi %mul3A_11, %add3A_12 : i32
    "tpu.region"() ({
      %run_scoped3A_22 = tpu.sem_alloc : memref<!tpu.dma_semaphore, #tpu.memory_space<semaphore_mem>>
      %dma_start3A = arith.constant 0 : i32
      %dma_start3A_23 = arith.constant 0 : i32
      %dma_start3A_24 = tpu.memref_slice %arg6[%dma_start3A, %dma_start3A_23] : memref<8x128xi32, #tpu.memory_space<vmem>> -> memref<4x128xi32, #tpu.memory_space<vmem>>
      %dma_start3A_25 = arith.constant 192 : i32
      %dma_start3A_26 = arith.constant 0 : i32
      %dma_start3A_27 = tpu.memref_slice %arg3[%add3A, %dma_start3A_25, %dma_start3A_26] : memref<32x196x128xi32, #tpu.memory_space<hbm>> -> memref<1x4x128xi32, #tpu.memory_space<hbm>>
      %dma_start3A_28 = tpu.memref_squeeze %dma_start3A_27 : memref<1x4x128xi32, #tpu.memory_space<hbm>> -> memref<4x128xi32, #tpu.memory_space<hbm>>
      %dma_start3A_29 = arith.constant 0 : i32
      %dma_start3A_30 = arith.constant 0 : i32
      %dma_start3A_31 = tpu.memref_slice %arg6[%dma_start3A_29, %dma_start3A_30] : memref<8x128xi32, #tpu.memory_space<vmem>> -> memref<4x128xi32, #tpu.memory_space<vmem>>
      %dma_start3A_32 = arith.constant 192 : i32
      %dma_start3A_33 = arith.constant 0 : i32
      %dma_start3A_34 = tpu.memref_slice %arg3[%add3A, %dma_start3A_32, %dma_start3A_33] : memref<32x196x128xi32, #tpu.memory_space<hbm>> -> memref<1x4x128xi32, #tpu.memory_space<hbm>>
      %dma_start3A_35 = tpu.memref_squeeze %dma_start3A_34 : memref<1x4x128xi32, #tpu.memory_space<hbm>> -> memref<4x128xi32, #tpu.memory_space<hbm>>
      tpu.enqueue_dma source(%dma_start3A_35 : memref<4x128xi32, #tpu.memory_space<hbm>>) target(%dma_start3A_31 : memref<4x128xi32, #tpu.memory_space<vmem>>) target_semaphore(%run_scoped3A_22 : memref<!tpu.dma_semaphore, #tpu.memory_space<semaphore_mem>>)
      %dma_wait3A = arith.constant 0 : i32
      %dma_wait3A_36 = arith.constant 0 : i32
      %dma_wait3A_37 = tpu.memref_slice %arg6[%dma_wait3A, %dma_wait3A_36] : memref<8x128xi32, #tpu.memory_space<vmem>> -> memref<4x128xi32, #tpu.memory_space<vmem>>
      %dma_wait3A_38 = arith.constant 192 : i32
      %dma_wait3A_39 = arith.constant 0 : i32
      %dma_wait3A_40 = tpu.memref_slice %arg3[%add3A, %dma_wait3A_38, %dma_wait3A_39] : memref<32x196x128xi32, #tpu.memory_space<hbm>> -> memref<1x4x128xi32, #tpu.memory_space<hbm>>
      %dma_wait3A_41 = tpu.memref_squeeze %dma_wait3A_40 : memref<1x4x128xi32, #tpu.memory_space<hbm>> -> memref<4x128xi32, #tpu.memory_space<hbm>>
      %dma_wait3A_42 = arith.constant 0 : i32
      %dma_wait3A_43 = arith.constant 0 : i32
      %dma_wait3A_44 = tpu.memref_slice %arg6[%dma_wait3A_42, %dma_wait3A_43] : memref<8x128xi32, #tpu.memory_space<vmem>> -> memref<4x128xi32, #tpu.memory_space<vmem>>
      %dma_wait3A_45 = arith.constant 192 : i32
      %dma_wait3A_46 = arith.constant 0 : i32
      %dma_wait3A_47 = tpu.memref_slice %arg3[%add3A, %dma_wait3A_45, %dma_wait3A_46] : memref<32x196x128xi32, #tpu.memory_space<hbm>> -> memref<1x4x128xi32, #tpu.memory_space<hbm>>
      %dma_wait3A_48 = tpu.memref_squeeze %dma_wait3A_47 : memref<1x4x128xi32, #tpu.memory_space<hbm>> -> memref<4x128xi32, #tpu.memory_space<hbm>>
      tpu.wait_dma2 semaphore(%run_scoped3A_22 : memref<!tpu.dma_semaphore, #tpu.memory_space<semaphore_mem>>) src(%dma_wait3A_48 : memref<4x128xi32, #tpu.memory_space<hbm>>) dst(%dma_wait3A_44 : memref<4x128xi32, #tpu.memory_space<vmem>>)
      tpu.yield
    }) : () -> ()
    "tpu.region"() ({
      %run_scoped3A_22 = tpu.sem_alloc : memref<!tpu.dma_semaphore, #tpu.memory_space<semaphore_mem>>
      %dma_start3A = arith.constant 0 : i32
      %dma_start3A_23 = arith.constant 0 : i32
      %dma_start3A_24 = tpu.memref_slice %arg7[%dma_start3A, %dma_start3A_23] : memref<1024x8xf32, #tpu.memory_space<vmem>> -> memref<512x8xf32, #tpu.memory_space<vmem>>
      %dma_start3A_25 = arith.constant 0 : i32
      %dma_start3A_26 = tpu.memref_slice %arg2[%add3A_13, %dma_start3A_25] : memref<800128x8xf32, #tpu.memory_space<hbm>> -> memref<512x8xf32, #tpu.memory_space<hbm>>
      %dma_start3A_27 = arith.constant 0 : i32
      %dma_start3A_28 = arith.constant 0 : i32
      %dma_start3A_29 = tpu.memref_slice %arg7[%dma_start3A_27, %dma_start3A_28] : memref<1024x8xf32, #tpu.memory_space<vmem>> -> memref<512x8xf32, #tpu.memory_space<vmem>>
      %dma_start3A_30 = arith.constant 0 : i32
      %dma_start3A_31 = tpu.memref_slice %arg2[%add3A_13, %dma_start3A_30] : memref<800128x8xf32, #tpu.memory_space<hbm>> -> memref<512x8xf32, #tpu.memory_space<hbm>>
      tpu.enqueue_dma source(%dma_start3A_31 : memref<512x8xf32, #tpu.memory_space<hbm>>) target(%dma_start3A_29 : memref<512x8xf32, #tpu.memory_space<vmem>>) target_semaphore(%run_scoped3A_22 : memref<!tpu.dma_semaphore, #tpu.memory_space<semaphore_mem>>)
      %dma_wait3A = arith.constant 0 : i32
      %dma_wait3A_32 = arith.constant 0 : i32
      %dma_wait3A_33 = tpu.memref_slice %arg7[%dma_wait3A, %dma_wait3A_32] : memref<1024x8xf32, #tpu.memory_space<vmem>> -> memref<512x8xf32, #tpu.memory_space<vmem>>
      %dma_wait3A_34 = arith.constant 0 : i32
      %dma_wait3A_35 = tpu.memref_slice %arg2[%add3A_13, %dma_wait3A_34] : memref<800128x8xf32, #tpu.memory_space<hbm>> -> memref<512x8xf32, #tpu.memory_space<hbm>>
      %dma_wait3A_36 = arith.constant 0 : i32
      %dma_wait3A_37 = arith.constant 0 : i32
      %dma_wait3A_38 = tpu.memref_slice %arg7[%dma_wait3A_36, %dma_wait3A_37] : memref<1024x8xf32, #tpu.memory_space<vmem>> -> memref<512x8xf32, #tpu.memory_space<vmem>>
      %dma_wait3A_39 = arith.constant 0 : i32
      %dma_wait3A_40 = tpu.memref_slice %arg2[%add3A_13, %dma_wait3A_39] : memref<800128x8xf32, #tpu.memory_space<hbm>> -> memref<512x8xf32, #tpu.memory_space<hbm>>
      tpu.wait_dma2 semaphore(%run_scoped3A_22 : memref<!tpu.dma_semaphore, #tpu.memory_space<semaphore_mem>>) src(%dma_wait3A_40 : memref<512x8xf32, #tpu.memory_space<hbm>>) dst(%dma_wait3A_38 : memref<512x8xf32, #tpu.memory_space<vmem>>)
      tpu.yield
    }) : () -> ()
    %run_scoped3A = arith.constant 0 : i32
    "tpu.region"() ({
      %run_scoped3A_22 = tpu.sem_alloc : memref<!tpu.dma_semaphore, #tpu.memory_space<semaphore_mem>>
      %dma_start3A = arith.constant 0 : i32
      %dma_start3A_23 = arith.constant 0 : i32
      %dma_start3A_24 = tpu.memref_slice %arg7[%dma_start3A, %dma_start3A_23] : memref<1024x8xf32, #tpu.memory_space<vmem>> -> memref<128x8xf32, #tpu.memory_space<vmem>>
      %dma_start3A_25 = arith.constant 0 : i32
      %dma_start3A_26 = tpu.memref_slice %arg6[%run_scoped3A, %dma_start3A_25] : memref<8x128xi32, #tpu.memory_space<vmem>> -> memref<1x128xi32, #tpu.memory_space<vmem>>
      %dma_start3A_27 = tpu.memref_squeeze %dma_start3A_26 : memref<1x128xi32, #tpu.memory_space<vmem>> -> memref<128xi32, #tpu.memory_space<vmem>>
      %dma_start3A_28 = arith.constant 0 : i32
      %dma_start3A_29 = arith.constant 0 : i32
      %dma_start3A_30 = tpu.memref_slice %arg8[%dma_start3A_28, %dma_start3A_29] : memref<50048x8xf32, #tpu.memory_space<vmem_shared>> -> memref<50048x8xf32, #tpu.memory_space<vmem_shared>>
      tpu.enqueue_indirect_dma source(%dma_start3A_24 : memref<128x8xf32, #tpu.memory_space<vmem>>) target(%dma_start3A_30 : memref<50048x8xf32, #tpu.memory_space<vmem_shared>>) offsets(%dma_start3A_27 : memref<128xi32, #tpu.memory_space<vmem>>) semaphore(%run_scoped3A_22 : memref<!tpu.dma_semaphore, #tpu.memory_space<semaphore_mem>>) {add = true}
      %dma_wait3A = arith.constant 0 : i32
      %dma_wait3A_31 = arith.constant 0 : i32
      %dma_wait3A_32 = tpu.memref_slice %arg7[%dma_wait3A, %dma_wait3A_31] : memref<1024x8xf32, #tpu.memory_space<vmem>> -> memref<128x8xf32, #tpu.memory_space<vmem>>
      %dma_wait3A_33 = arith.constant 0 : i32
      %dma_wait3A_34 = tpu.memref_slice %arg6[%run_scoped3A, %dma_wait3A_33] : memref<8x128xi32, #tpu.memory_space<vmem>> -> memref<1x128xi32, #tpu.memory_space<vmem>>
      %dma_wait3A_35 = tpu.memref_squeeze %dma_wait3A_34 : memref<1x128xi32, #tpu.memory_space<vmem>> -> memref<128xi32, #tpu.memory_space<vmem>>
      %dma_wait3A_36 = arith.constant 0 : i32
      %dma_wait3A_37 = arith.constant 0 : i32
      %dma_wait3A_38 = tpu.memref_slice %arg8[%dma_wait3A_36, %dma_wait3A_37] : memref<50048x8xf32, #tpu.memory_space<vmem_shared>> -> memref<50048x8xf32, #tpu.memory_space<vmem_shared>>
      tpu.wait_indirect_dma semaphore(%run_scoped3A_22 : memref<!tpu.dma_semaphore, #tpu.memory_space<semaphore_mem>>) src(%dma_wait3A_32 : memref<128x8xf32, #tpu.memory_space<vmem>>) dst(%dma_wait3A_38 : memref<50048x8xf32, #tpu.memory_space<vmem_shared>>)
      tpu.yield
    }) : () -> ()
    %run_scoped3A_14 = arith.constant 1 : i32
    "tpu.region"() ({
      %run_scoped3A_22 = tpu.sem_alloc : memref<!tpu.dma_semaphore, #tpu.memory_space<semaphore_mem>>
      %dma_start3A = arith.constant 128 : i32
      %dma_start3A_23 = arith.constant 0 : i32
      %dma_start3A_24 = tpu.memref_slice %arg7[%dma_start3A, %dma_start3A_23] : memref<1024x8xf32, #tpu.memory_space<vmem>> -> memref<128x8xf32, #tpu.memory_space<vmem>>
      %dma_start3A_25 = arith.constant 0 : i32
      %dma_start3A_26 = tpu.memref_slice %arg6[%run_scoped3A_14, %dma_start3A_25] : memref<8x128xi32, #tpu.memory_space<vmem>> -> memref<1x128xi32, #tpu.memory_space<vmem>>
      %dma_start3A_27 = tpu.memref_squeeze %dma_start3A_26 : memref<1x128xi32, #tpu.memory_space<vmem>> -> memref<128xi32, #tpu.memory_space<vmem>>
      %dma_start3A_28 = arith.constant 0 : i32
      %dma_start3A_29 = arith.constant 0 : i32
      %dma_start3A_30 = tpu.memref_slice %arg8[%dma_start3A_28, %dma_start3A_29] : memref<50048x8xf32, #tpu.memory_space<vmem_shared>> -> memref<50048x8xf32, #tpu.memory_space<vmem_shared>>
      tpu.enqueue_indirect_dma source(%dma_start3A_24 : memref<128x8xf32, #tpu.memory_space<vmem>>) target(%dma_start3A_30 : memref<50048x8xf32, #tpu.memory_space<vmem_shared>>) offsets(%dma_start3A_27 : memref<128xi32, #tpu.memory_space<vmem>>) semaphore(%run_scoped3A_22 : memref<!tpu.dma_semaphore, #tpu.memory_space<semaphore_mem>>) {add = true}
      %dma_wait3A = arith.constant 128 : i32
      %dma_wait3A_31 = arith.constant 0 : i32
      %dma_wait3A_32 = tpu.memref_slice %arg7[%dma_wait3A, %dma_wait3A_31] : memref<1024x8xf32, #tpu.memory_space<vmem>> -> memref<128x8xf32, #tpu.memory_space<vmem>>
      %dma_wait3A_33 = arith.constant 0 : i32
      %dma_wait3A_34 = tpu.memref_slice %arg6[%run_scoped3A_14, %dma_wait3A_33] : memref<8x128xi32, #tpu.memory_space<vmem>> -> memref<1x128xi32, #tpu.memory_space<vmem>>
      %dma_wait3A_35 = tpu.memref_squeeze %dma_wait3A_34 : memref<1x128xi32, #tpu.memory_space<vmem>> -> memref<128xi32, #tpu.memory_space<vmem>>
      %dma_wait3A_36 = arith.constant 0 : i32
      %dma_wait3A_37 = arith.constant 0 : i32
      %dma_wait3A_38 = tpu.memref_slice %arg8[%dma_wait3A_36, %dma_wait3A_37] : memref<50048x8xf32, #tpu.memory_space<vmem_shared>> -> memref<50048x8xf32, #tpu.memory_space<vmem_shared>>
      tpu.wait_indirect_dma semaphore(%run_scoped3A_22 : memref<!tpu.dma_semaphore, #tpu.memory_space<semaphore_mem>>) src(%dma_wait3A_32 : memref<128x8xf32, #tpu.memory_space<vmem>>) dst(%dma_wait3A_38 : memref<50048x8xf32, #tpu.memory_space<vmem_shared>>)
      tpu.yield
    }) : () -> ()
    %run_scoped3A_15 = arith.constant 2 : i32
    "tpu.region"() ({
      %run_scoped3A_22 = tpu.sem_alloc : memref<!tpu.dma_semaphore, #tpu.memory_space<semaphore_mem>>
      %dma_start3A = arith.constant 256 : i32
      %dma_start3A_23 = arith.constant 0 : i32
      %dma_start3A_24 = tpu.memref_slice %arg7[%dma_start3A, %dma_start3A_23] : memref<1024x8xf32, #tpu.memory_space<vmem>> -> memref<128x8xf32, #tpu.memory_space<vmem>>
      %dma_start3A_25 = arith.constant 0 : i32
      %dma_start3A_26 = tpu.memref_slice %arg6[%run_scoped3A_15, %dma_start3A_25] : memref<8x128xi32, #tpu.memory_space<vmem>> -> memref<1x128xi32, #tpu.memory_space<vmem>>
      %dma_start3A_27 = tpu.memref_squeeze %dma_start3A_26 : memref<1x128xi32, #tpu.memory_space<vmem>> -> memref<128xi32, #tpu.memory_space<vmem>>
      %dma_start3A_28 = arith.constant 0 : i32
      %dma_start3A_29 = arith.constant 0 : i32
      %dma_start3A_30 = tpu.memref_slice %arg8[%dma_start3A_28, %dma_start3A_29] : memref<50048x8xf32, #tpu.memory_space<vmem_shared>> -> memref<50048x8xf32, #tpu.memory_space<vmem_shared>>
      tpu.enqueue_indirect_dma source(%dma_start3A_24 : memref<128x8xf32, #tpu.memory_space<vmem>>) target(%dma_start3A_30 : memref<50048x8xf32, #tpu.memory_space<vmem_shared>>) offsets(%dma_start3A_27 : memref<128xi32, #tpu.memory_space<vmem>>) semaphore(%run_scoped3A_22 : memref<!tpu.dma_semaphore, #tpu.memory_space<semaphore_mem>>) {add = true}
      %dma_wait3A = arith.constant 256 : i32
      %dma_wait3A_31 = arith.constant 0 : i32
      %dma_wait3A_32 = tpu.memref_slice %arg7[%dma_wait3A, %dma_wait3A_31] : memref<1024x8xf32, #tpu.memory_space<vmem>> -> memref<128x8xf32, #tpu.memory_space<vmem>>
      %dma_wait3A_33 = arith.constant 0 : i32
      %dma_wait3A_34 = tpu.memref_slice %arg6[%run_scoped3A_15, %dma_wait3A_33] : memref<8x128xi32, #tpu.memory_space<vmem>> -> memref<1x128xi32, #tpu.memory_space<vmem>>
      %dma_wait3A_35 = tpu.memref_squeeze %dma_wait3A_34 : memref<1x128xi32, #tpu.memory_space<vmem>> -> memref<128xi32, #tpu.memory_space<vmem>>
      %dma_wait3A_36 = arith.constant 0 : i32
      %dma_wait3A_37 = arith.constant 0 : i32
      %dma_wait3A_38 = tpu.memref_slice %arg8[%dma_wait3A_36, %dma_wait3A_37] : memref<50048x8xf32, #tpu.memory_space<vmem_shared>> -> memref<50048x8xf32, #tpu.memory_space<vmem_shared>>
      tpu.wait_indirect_dma semaphore(%run_scoped3A_22 : memref<!tpu.dma_semaphore, #tpu.memory_space<semaphore_mem>>) src(%dma_wait3A_32 : memref<128x8xf32, #tpu.memory_space<vmem>>) dst(%dma_wait3A_38 : memref<50048x8xf32, #tpu.memory_space<vmem_shared>>)
      tpu.yield
    }) : () -> ()
    %run_scoped3A_16 = arith.constant 3 : i32
    "tpu.region"() ({
      %run_scoped3A_22 = tpu.sem_alloc : memref<!tpu.dma_semaphore, #tpu.memory_space<semaphore_mem>>
      %dma_start3A = arith.constant 384 : i32
      %dma_start3A_23 = arith.constant 0 : i32
      %dma_start3A_24 = tpu.memref_slice %arg7[%dma_start3A, %dma_start3A_23] : memref<1024x8xf32, #tpu.memory_space<vmem>> -> memref<128x8xf32, #tpu.memory_space<vmem>>
      %dma_start3A_25 = arith.constant 0 : i32
      %dma_start3A_26 = tpu.memref_slice %arg6[%run_scoped3A_16, %dma_start3A_25] : memref<8x128xi32, #tpu.memory_space<vmem>> -> memref<1x128xi32, #tpu.memory_space<vmem>>
      %dma_start3A_27 = tpu.memref_squeeze %dma_start3A_26 : memref<1x128xi32, #tpu.memory_space<vmem>> -> memref<128xi32, #tpu.memory_space<vmem>>
      %dma_start3A_28 = arith.constant 0 : i32
      %dma_start3A_29 = arith.constant 0 : i32
      %dma_start3A_30 = tpu.memref_slice %arg8[%dma_start3A_28, %dma_start3A_29] : memref<50048x8xf32, #tpu.memory_space<vmem_shared>> -> memref<50048x8xf32, #tpu.memory_space<vmem_shared>>
      tpu.enqueue_indirect_dma source(%dma_start3A_24 : memref<128x8xf32, #tpu.memory_space<vmem>>) target(%dma_start3A_30 : memref<50048x8xf32, #tpu.memory_space<vmem_shared>>) offsets(%dma_start3A_27 : memref<128xi32, #tpu.memory_space<vmem>>) semaphore(%run_scoped3A_22 : memref<!tpu.dma_semaphore, #tpu.memory_space<semaphore_mem>>) {add = true}
      %dma_wait3A = arith.constant 384 : i32
      %dma_wait3A_31 = arith.constant 0 : i32
      %dma_wait3A_32 = tpu.memref_slice %arg7[%dma_wait3A, %dma_wait3A_31] : memref<1024x8xf32, #tpu.memory_space<vmem>> -> memref<128x8xf32, #tpu.memory_space<vmem>>
      %dma_wait3A_33 = arith.constant 0 : i32
      %dma_wait3A_34 = tpu.memref_slice %arg6[%run_scoped3A_16, %dma_wait3A_33] : memref<8x128xi32, #tpu.memory_space<vmem>> -> memref<1x128xi32, #tpu.memory_space<vmem>>
      %dma_wait3A_35 = tpu.memref_squeeze %dma_wait3A_34 : memref<1x128xi32, #tpu.memory_space<vmem>> -> memref<128xi32, #tpu.memory_space<vmem>>
      %dma_wait3A_36 = arith.constant 0 : i32
      %dma_wait3A_37 = arith.constant 0 : i32
      %dma_wait3A_38 = tpu.memref_slice %arg8[%dma_wait3A_36, %dma_wait3A_37] : memref<50048x8xf32, #tpu.memory_space<vmem_shared>> -> memref<50048x8xf32, #tpu.memory_space<vmem_shared>>
      tpu.wait_indirect_dma semaphore(%run_scoped3A_22 : memref<!tpu.dma_semaphore, #tpu.memory_space<semaphore_mem>>) src(%dma_wait3A_32 : memref<128x8xf32, #tpu.memory_space<vmem>>) dst(%dma_wait3A_38 : memref<50048x8xf32, #tpu.memory_space<vmem_shared>>)
      tpu.yield
    }) : () -> ()
    %barrier3A_17 = arith.constant 0 : index
    tpu.barrier barrier_id(%barrier3A_17)
    %mul3A_18 = arith.constant 3128 : i32
    %mul3A_19 = arith.muli %arg1, %mul3A_18 : i32
    %mul3A_20 = arith.constant 3128 : i32
    %mul3A_21 = arith.muli %arg1, %mul3A_20 : i32
    "tpu.region"() ({
      %run_scoped3A_22 = tpu.sem_alloc : memref<!tpu.dma_semaphore, #tpu.memory_space<semaphore_mem>>
      %dma_start3A = arith.constant 0 : i32
      %dma_start3A_23 = tpu.memref_slice %arg5[%arg0, %mul3A_21, %dma_start3A] : memref<2x50048x8xf32, #tpu.memory_space<hbm>> -> memref<1x3128x8xf32, #tpu.memory_space<hbm>>
      %dma_start3A_24 = tpu.memref_squeeze %dma_start3A_23 : memref<1x3128x8xf32, #tpu.memory_space<hbm>> -> memref<3128x8xf32, #tpu.memory_space<hbm>>
      %dma_start3A_25 = arith.constant 0 : i32
      %dma_start3A_26 = tpu.memref_slice %arg8[%mul3A_19, %dma_start3A_25] : memref<50048x8xf32, #tpu.memory_space<vmem_shared>> -> memref<3128x8xf32, #tpu.memory_space<vmem_shared>>
      tpu.enqueue_dma source(%dma_start3A_26 : memref<3128x8xf32, #tpu.memory_space<vmem_shared>>) target(%dma_start3A_24 : memref<3128x8xf32, #tpu.memory_space<hbm>>) target_semaphore(%run_scoped3A_22 : memref<!tpu.dma_semaphore, #tpu.memory_space<semaphore_mem>>)
      %dma_wait3A = arith.constant 0 : i32
      %dma_wait3A_27 = tpu.memref_slice %arg5[%arg0, %mul3A_21, %dma_wait3A] : memref<2x50048x8xf32, #tpu.memory_space<hbm>> -> memref<1x3128x8xf32, #tpu.memory_space<hbm>>
      %dma_wait3A_28 = tpu.memref_squeeze %dma_wait3A_27 : memref<1x3128x8xf32, #tpu.memory_space<hbm>> -> memref<3128x8xf32, #tpu.memory_space<hbm>>
      %dma_wait3A_29 = arith.constant 0 : i32
      %dma_wait3A_30 = tpu.memref_slice %arg8[%mul3A_19, %dma_wait3A_29] : memref<50048x8xf32, #tpu.memory_space<vmem_shared>> -> memref<3128x8xf32, #tpu.memory_space<vmem_shared>>
      tpu.wait_dma2 semaphore(%run_scoped3A_22 : memref<!tpu.dma_semaphore, #tpu.memory_space<semaphore_mem>>) src(%dma_wait3A_30 : memref<3128x8xf32, #tpu.memory_space<vmem_shared>>) dst(%dma_wait3A_28 : memref<3128x8xf32, #tpu.memory_space<hbm>>)
      tpu.yield
    }) : () -> ()
    return
  }
}

module attributes {stable_mosaic.version = 14 : i64} {
  func.func @_node_encoder_body(%arg0: i32, %arg1: memref<1000x4xf32, #tpu.memory_space<vmem>>, %arg2: memref<1000x4xf32, #tpu.memory_space<vmem>>, %arg3: memref<2x8xf32, #tpu.memory_space<vmem>>, %arg4: memref<2x8xf32, #tpu.memory_space<vmem>>, %arg5: memref<1x8xf32, #tpu.memory_space<vmem>>, %arg6: memref<1x8xf32, #tpu.memory_space<vmem>>, %arg7: memref<1000x128xf32, #tpu.memory_space<vmem>>) attributes {dimension_semantics = [#tpu.dimension_semantics<arbitrary>], iteration_bounds = array<i64: 13>, scalar_prefetch = 0 : i64, scratch_operands = 0 : i64, tpu.core_type = #tpu.core_type<tc>, window_params = [{transform_indices = @transform_0, window_bounds = array<i64: 1000, 4>}, {transform_indices = @transform_1, window_bounds = array<i64: 1000, 4>}, {pipeline_mode = #tpu.pipeline_mode<synchronous>, transform_indices = @transform_2, window_bounds = array<i64: 2, 8>}, {pipeline_mode = #tpu.pipeline_mode<synchronous>, transform_indices = @transform_3, window_bounds = array<i64: 2, 8>}, {pipeline_mode = #tpu.pipeline_mode<synchronous>, transform_indices = @transform_4, window_bounds = array<i64: 1, 8>}, {pipeline_mode = #tpu.pipeline_mode<synchronous>, transform_indices = @transform_5, window_bounds = array<i64: 1, 8>}, {transform_indices = @transform_6, window_bounds = array<i64: 1000, 128>}]} {
    %get3A = arith.constant 0 : index
    %get3A_0 = arith.constant 0 : index
    %get3A_1 = vector.load %arg1[%get3A, %get3A_0] : memref<1000x4xf32, #tpu.memory_space<vmem>>, vector<1000x4xf32>
    %get3A_2 = arith.constant 0 : index
    %get3A_3 = arith.constant 0 : index
    %get3A_4 = vector.load %arg2[%get3A_2, %get3A_3] : memref<1000x4xf32, #tpu.memory_space<vmem>>, vector<1000x4xf32>
    %sin3A = math.sin %get3A_1 : vector<1000x4xf32>
    %cos3A = math.cos %get3A_1 : vector<1000x4xf32>
    %slice3A = vector.extract_strided_slice %sin3A {offsets = [0, 0], sizes = [1000, 1], strides = [1, 1]} : vector<1000x4xf32> to vector<1000x1xf32>
    %get3A_5 = arith.constant 0 : index
    %get3A_6 = arith.constant 0 : index
    %get3A_7 = vector.load %arg3[%get3A_5, %get3A_6] : memref<2x8xf32, #tpu.memory_space<vmem>>, vector<1x8xf32>
    %mul3A = vector.broadcast %slice3A : vector<1000x1xf32> to vector<1000x8xf32>
    %mul3A_8 = vector.broadcast %get3A_7 : vector<1x8xf32> to vector<1000x8xf32>
    %mul3A_9 = arith.mulf %mul3A, %mul3A_8 : vector<1000x8xf32>
    %get3A_10 = arith.constant 0 : index
    %get3A_11 = arith.constant 0 : index
    %get3A_12 = vector.load %arg4[%get3A_10, %get3A_11] : memref<2x8xf32, #tpu.memory_space<vmem>>, vector<1x8xf32>
    %add3A = vector.broadcast %get3A_12 : vector<1x8xf32> to vector<1000x8xf32>
    %add3A_13 = arith.addf %mul3A_9, %add3A : vector<1000x8xf32>
    %max3A = arith.constant 0.000000e+00 : f32
    %max3A_14 = vector.broadcast %max3A : f32 to vector<1000x8xf32>
    %max3A_15 = arith.maximumf %add3A_13, %max3A_14 : vector<1000x8xf32>
    %slice3A_16 = vector.extract_strided_slice %cos3A {offsets = [0, 0], sizes = [1000, 1], strides = [1, 1]} : vector<1000x4xf32> to vector<1000x1xf32>
    %get3A_17 = arith.constant 1 : index
    %get3A_18 = arith.constant 0 : index
    %get3A_19 = vector.load %arg3[%get3A_17, %get3A_18] : memref<2x8xf32, #tpu.memory_space<vmem>>, vector<1x8xf32>
    %mul3A_20 = vector.broadcast %slice3A_16 : vector<1000x1xf32> to vector<1000x8xf32>
    %mul3A_21 = vector.broadcast %get3A_19 : vector<1x8xf32> to vector<1000x8xf32>
    %mul3A_22 = arith.mulf %mul3A_20, %mul3A_21 : vector<1000x8xf32>
    %get3A_23 = arith.constant 1 : index
    %get3A_24 = arith.constant 0 : index
    %get3A_25 = vector.load %arg4[%get3A_23, %get3A_24] : memref<2x8xf32, #tpu.memory_space<vmem>>, vector<1x8xf32>
    %add3A_26 = vector.broadcast %get3A_25 : vector<1x8xf32> to vector<1000x8xf32>
    %add3A_27 = arith.addf %mul3A_22, %add3A_26 : vector<1000x8xf32>
    %max3A_28 = arith.constant 0.000000e+00 : f32
    %max3A_29 = vector.broadcast %max3A_28 : f32 to vector<1000x8xf32>
    %max3A_30 = arith.maximumf %add3A_27, %max3A_29 : vector<1000x8xf32>
    %slice3A_31 = vector.extract_strided_slice %get3A_4 {offsets = [0, 0], sizes = [1000, 1], strides = [1, 1]} : vector<1000x4xf32> to vector<1000x1xf32>
    %get3A_32 = arith.constant 0 : index
    %get3A_33 = arith.constant 0 : index
    %get3A_34 = vector.load %arg5[%get3A_32, %get3A_33] : memref<1x8xf32, #tpu.memory_space<vmem>>, vector<1x8xf32>
    %mul3A_35 = vector.broadcast %slice3A_31 : vector<1000x1xf32> to vector<1000x8xf32>
    %mul3A_36 = vector.broadcast %get3A_34 : vector<1x8xf32> to vector<1000x8xf32>
    %mul3A_37 = arith.mulf %mul3A_35, %mul3A_36 : vector<1000x8xf32>
    %get3A_38 = arith.constant 0 : index
    %get3A_39 = arith.constant 0 : index
    %get3A_40 = vector.load %arg6[%get3A_38, %get3A_39] : memref<1x8xf32, #tpu.memory_space<vmem>>, vector<1x8xf32>
    %add3A_41 = vector.broadcast %get3A_40 : vector<1x8xf32> to vector<1000x8xf32>
    %add3A_42 = arith.addf %mul3A_37, %add3A_41 : vector<1000x8xf32>
    %max3A_43 = arith.constant 0.000000e+00 : f32
    %max3A_44 = vector.broadcast %max3A_43 : f32 to vector<1000x8xf32>
    %max3A_45 = arith.maximumf %add3A_42, %max3A_44 : vector<1000x8xf32>
    %broadcast_in_dim3A = arith.constant 0.000000e+00 : f32
    %broadcast_in_dim3A_46 = vector.broadcast %broadcast_in_dim3A : f32 to vector<1000x8xf32>
    %slice3A_47 = vector.extract_strided_slice %sin3A {offsets = [0, 1], sizes = [1000, 1], strides = [1, 1]} : vector<1000x4xf32> to vector<1000x1xf32>
    %get3A_48 = arith.constant 0 : index
    %get3A_49 = arith.constant 0 : index
    %get3A_50 = vector.load %arg3[%get3A_48, %get3A_49] : memref<2x8xf32, #tpu.memory_space<vmem>>, vector<1x8xf32>
    %mul3A_51 = vector.broadcast %slice3A_47 : vector<1000x1xf32> to vector<1000x8xf32>
    %mul3A_52 = vector.broadcast %get3A_50 : vector<1x8xf32> to vector<1000x8xf32>
    %mul3A_53 = arith.mulf %mul3A_51, %mul3A_52 : vector<1000x8xf32>
    %get3A_54 = arith.constant 0 : index
    %get3A_55 = arith.constant 0 : index
    %get3A_56 = vector.load %arg4[%get3A_54, %get3A_55] : memref<2x8xf32, #tpu.memory_space<vmem>>, vector<1x8xf32>
    %add3A_57 = vector.broadcast %get3A_56 : vector<1x8xf32> to vector<1000x8xf32>
    %add3A_58 = arith.addf %mul3A_53, %add3A_57 : vector<1000x8xf32>
    %max3A_59 = arith.constant 0.000000e+00 : f32
    %max3A_60 = vector.broadcast %max3A_59 : f32 to vector<1000x8xf32>
    %max3A_61 = arith.maximumf %add3A_58, %max3A_60 : vector<1000x8xf32>
    %slice3A_62 = vector.extract_strided_slice %cos3A {offsets = [0, 1], sizes = [1000, 1], strides = [1, 1]} : vector<1000x4xf32> to vector<1000x1xf32>
    %get3A_63 = arith.constant 1 : index
    %get3A_64 = arith.constant 0 : index
    %get3A_65 = vector.load %arg3[%get3A_63, %get3A_64] : memref<2x8xf32, #tpu.memory_space<vmem>>, vector<1x8xf32>
    %mul3A_66 = vector.broadcast %slice3A_62 : vector<1000x1xf32> to vector<1000x8xf32>
    %mul3A_67 = vector.broadcast %get3A_65 : vector<1x8xf32> to vector<1000x8xf32>
    %mul3A_68 = arith.mulf %mul3A_66, %mul3A_67 : vector<1000x8xf32>
    %get3A_69 = arith.constant 1 : index
    %get3A_70 = arith.constant 0 : index
    %get3A_71 = vector.load %arg4[%get3A_69, %get3A_70] : memref<2x8xf32, #tpu.memory_space<vmem>>, vector<1x8xf32>
    %add3A_72 = vector.broadcast %get3A_71 : vector<1x8xf32> to vector<1000x8xf32>
    %add3A_73 = arith.addf %mul3A_68, %add3A_72 : vector<1000x8xf32>
    %max3A_74 = arith.constant 0.000000e+00 : f32
    %max3A_75 = vector.broadcast %max3A_74 : f32 to vector<1000x8xf32>
    %max3A_76 = arith.maximumf %add3A_73, %max3A_75 : vector<1000x8xf32>
    %slice3A_77 = vector.extract_strided_slice %get3A_4 {offsets = [0, 1], sizes = [1000, 1], strides = [1, 1]} : vector<1000x4xf32> to vector<1000x1xf32>
    %get3A_78 = arith.constant 0 : index
    %get3A_79 = arith.constant 0 : index
    %get3A_80 = vector.load %arg5[%get3A_78, %get3A_79] : memref<1x8xf32, #tpu.memory_space<vmem>>, vector<1x8xf32>
    %mul3A_81 = vector.broadcast %slice3A_77 : vector<1000x1xf32> to vector<1000x8xf32>
    %mul3A_82 = vector.broadcast %get3A_80 : vector<1x8xf32> to vector<1000x8xf32>
    %mul3A_83 = arith.mulf %mul3A_81, %mul3A_82 : vector<1000x8xf32>
    %get3A_84 = arith.constant 0 : index
    %get3A_85 = arith.constant 0 : index
    %get3A_86 = vector.load %arg6[%get3A_84, %get3A_85] : memref<1x8xf32, #tpu.memory_space<vmem>>, vector<1x8xf32>
    %add3A_87 = vector.broadcast %get3A_86 : vector<1x8xf32> to vector<1000x8xf32>
    %add3A_88 = arith.addf %mul3A_83, %add3A_87 : vector<1000x8xf32>
    %max3A_89 = arith.constant 0.000000e+00 : f32
    %max3A_90 = vector.broadcast %max3A_89 : f32 to vector<1000x8xf32>
    %max3A_91 = arith.maximumf %add3A_88, %max3A_90 : vector<1000x8xf32>
    %broadcast_in_dim3A_92 = arith.constant 0.000000e+00 : f32
    %broadcast_in_dim3A_93 = vector.broadcast %broadcast_in_dim3A_92 : f32 to vector<1000x8xf32>
    %slice3A_94 = vector.extract_strided_slice %sin3A {offsets = [0, 2], sizes = [1000, 1], strides = [1, 1]} : vector<1000x4xf32> to vector<1000x1xf32>
    %get3A_95 = arith.constant 0 : index
    %get3A_96 = arith.constant 0 : index
    %get3A_97 = vector.load %arg3[%get3A_95, %get3A_96] : memref<2x8xf32, #tpu.memory_space<vmem>>, vector<1x8xf32>
    %mul3A_98 = vector.broadcast %slice3A_94 : vector<1000x1xf32> to vector<1000x8xf32>
    %mul3A_99 = vector.broadcast %get3A_97 : vector<1x8xf32> to vector<1000x8xf32>
    %mul3A_100 = arith.mulf %mul3A_98, %mul3A_99 : vector<1000x8xf32>
    %get3A_101 = arith.constant 0 : index
    %get3A_102 = arith.constant 0 : index
    %get3A_103 = vector.load %arg4[%get3A_101, %get3A_102] : memref<2x8xf32, #tpu.memory_space<vmem>>, vector<1x8xf32>
    %add3A_104 = vector.broadcast %get3A_103 : vector<1x8xf32> to vector<1000x8xf32>
    %add3A_105 = arith.addf %mul3A_100, %add3A_104 : vector<1000x8xf32>
    %max3A_106 = arith.constant 0.000000e+00 : f32
    %max3A_107 = vector.broadcast %max3A_106 : f32 to vector<1000x8xf32>
    %max3A_108 = arith.maximumf %add3A_105, %max3A_107 : vector<1000x8xf32>
    %slice3A_109 = vector.extract_strided_slice %cos3A {offsets = [0, 2], sizes = [1000, 1], strides = [1, 1]} : vector<1000x4xf32> to vector<1000x1xf32>
    %get3A_110 = arith.constant 1 : index
    %get3A_111 = arith.constant 0 : index
    %get3A_112 = vector.load %arg3[%get3A_110, %get3A_111] : memref<2x8xf32, #tpu.memory_space<vmem>>, vector<1x8xf32>
    %mul3A_113 = vector.broadcast %slice3A_109 : vector<1000x1xf32> to vector<1000x8xf32>
    %mul3A_114 = vector.broadcast %get3A_112 : vector<1x8xf32> to vector<1000x8xf32>
    %mul3A_115 = arith.mulf %mul3A_113, %mul3A_114 : vector<1000x8xf32>
    %get3A_116 = arith.constant 1 : index
    %get3A_117 = arith.constant 0 : index
    %get3A_118 = vector.load %arg4[%get3A_116, %get3A_117] : memref<2x8xf32, #tpu.memory_space<vmem>>, vector<1x8xf32>
    %add3A_119 = vector.broadcast %get3A_118 : vector<1x8xf32> to vector<1000x8xf32>
    %add3A_120 = arith.addf %mul3A_115, %add3A_119 : vector<1000x8xf32>
    %max3A_121 = arith.constant 0.000000e+00 : f32
    %max3A_122 = vector.broadcast %max3A_121 : f32 to vector<1000x8xf32>
    %max3A_123 = arith.maximumf %add3A_120, %max3A_122 : vector<1000x8xf32>
    %slice3A_124 = vector.extract_strided_slice %get3A_4 {offsets = [0, 2], sizes = [1000, 1], strides = [1, 1]} : vector<1000x4xf32> to vector<1000x1xf32>
    %get3A_125 = arith.constant 0 : index
    %get3A_126 = arith.constant 0 : index
    %get3A_127 = vector.load %arg5[%get3A_125, %get3A_126] : memref<1x8xf32, #tpu.memory_space<vmem>>, vector<1x8xf32>
    %mul3A_128 = vector.broadcast %slice3A_124 : vector<1000x1xf32> to vector<1000x8xf32>
    %mul3A_129 = vector.broadcast %get3A_127 : vector<1x8xf32> to vector<1000x8xf32>
    %mul3A_130 = arith.mulf %mul3A_128, %mul3A_129 : vector<1000x8xf32>
    %get3A_131 = arith.constant 0 : index
    %get3A_132 = arith.constant 0 : index
    %get3A_133 = vector.load %arg6[%get3A_131, %get3A_132] : memref<1x8xf32, #tpu.memory_space<vmem>>, vector<1x8xf32>
    %add3A_134 = vector.broadcast %get3A_133 : vector<1x8xf32> to vector<1000x8xf32>
    %add3A_135 = arith.addf %mul3A_130, %add3A_134 : vector<1000x8xf32>
    %max3A_136 = arith.constant 0.000000e+00 : f32
    %max3A_137 = vector.broadcast %max3A_136 : f32 to vector<1000x8xf32>
    %max3A_138 = arith.maximumf %add3A_135, %max3A_137 : vector<1000x8xf32>
    %broadcast_in_dim3A_139 = arith.constant 0.000000e+00 : f32
    %broadcast_in_dim3A_140 = vector.broadcast %broadcast_in_dim3A_139 : f32 to vector<1000x8xf32>
    %slice3A_141 = vector.extract_strided_slice %sin3A {offsets = [0, 3], sizes = [1000, 1], strides = [1, 1]} : vector<1000x4xf32> to vector<1000x1xf32>
    %get3A_142 = arith.constant 0 : index
    %get3A_143 = arith.constant 0 : index
    %get3A_144 = vector.load %arg3[%get3A_142, %get3A_143] : memref<2x8xf32, #tpu.memory_space<vmem>>, vector<1x8xf32>
    %mul3A_145 = vector.broadcast %slice3A_141 : vector<1000x1xf32> to vector<1000x8xf32>
    %mul3A_146 = vector.broadcast %get3A_144 : vector<1x8xf32> to vector<1000x8xf32>
    %mul3A_147 = arith.mulf %mul3A_145, %mul3A_146 : vector<1000x8xf32>
    %get3A_148 = arith.constant 0 : index
    %get3A_149 = arith.constant 0 : index
    %get3A_150 = vector.load %arg4[%get3A_148, %get3A_149] : memref<2x8xf32, #tpu.memory_space<vmem>>, vector<1x8xf32>
    %add3A_151 = vector.broadcast %get3A_150 : vector<1x8xf32> to vector<1000x8xf32>
    %add3A_152 = arith.addf %mul3A_147, %add3A_151 : vector<1000x8xf32>
    %max3A_153 = arith.constant 0.000000e+00 : f32
    %max3A_154 = vector.broadcast %max3A_153 : f32 to vector<1000x8xf32>
    %max3A_155 = arith.maximumf %add3A_152, %max3A_154 : vector<1000x8xf32>
    %slice3A_156 = vector.extract_strided_slice %cos3A {offsets = [0, 3], sizes = [1000, 1], strides = [1, 1]} : vector<1000x4xf32> to vector<1000x1xf32>
    %get3A_157 = arith.constant 1 : index
    %get3A_158 = arith.constant 0 : index
    %get3A_159 = vector.load %arg3[%get3A_157, %get3A_158] : memref<2x8xf32, #tpu.memory_space<vmem>>, vector<1x8xf32>
    %mul3A_160 = vector.broadcast %slice3A_156 : vector<1000x1xf32> to vector<1000x8xf32>
    %mul3A_161 = vector.broadcast %get3A_159 : vector<1x8xf32> to vector<1000x8xf32>
    %mul3A_162 = arith.mulf %mul3A_160, %mul3A_161 : vector<1000x8xf32>
    %get3A_163 = arith.constant 1 : index
    %get3A_164 = arith.constant 0 : index
    %get3A_165 = vector.load %arg4[%get3A_163, %get3A_164] : memref<2x8xf32, #tpu.memory_space<vmem>>, vector<1x8xf32>
    %add3A_166 = vector.broadcast %get3A_165 : vector<1x8xf32> to vector<1000x8xf32>
    %add3A_167 = arith.addf %mul3A_162, %add3A_166 : vector<1000x8xf32>
    %max3A_168 = arith.constant 0.000000e+00 : f32
    %max3A_169 = vector.broadcast %max3A_168 : f32 to vector<1000x8xf32>
    %max3A_170 = arith.maximumf %add3A_167, %max3A_169 : vector<1000x8xf32>
    %slice3A_171 = vector.extract_strided_slice %get3A_4 {offsets = [0, 3], sizes = [1000, 1], strides = [1, 1]} : vector<1000x4xf32> to vector<1000x1xf32>
    %get3A_172 = arith.constant 0 : index
    %get3A_173 = arith.constant 0 : index
    %get3A_174 = vector.load %arg5[%get3A_172, %get3A_173] : memref<1x8xf32, #tpu.memory_space<vmem>>, vector<1x8xf32>
    %mul3A_175 = vector.broadcast %slice3A_171 : vector<1000x1xf32> to vector<1000x8xf32>
    %mul3A_176 = vector.broadcast %get3A_174 : vector<1x8xf32> to vector<1000x8xf32>
    %mul3A_177 = arith.mulf %mul3A_175, %mul3A_176 : vector<1000x8xf32>
    %get3A_178 = arith.constant 0 : index
    %get3A_179 = arith.constant 0 : index
    %get3A_180 = vector.load %arg6[%get3A_178, %get3A_179] : memref<1x8xf32, #tpu.memory_space<vmem>>, vector<1x8xf32>
    %add3A_181 = vector.broadcast %get3A_180 : vector<1x8xf32> to vector<1000x8xf32>
    %add3A_182 = arith.addf %mul3A_177, %add3A_181 : vector<1000x8xf32>
    %max3A_183 = arith.constant 0.000000e+00 : f32
    %max3A_184 = vector.broadcast %max3A_183 : f32 to vector<1000x8xf32>
    %max3A_185 = arith.maximumf %add3A_182, %max3A_184 : vector<1000x8xf32>
    %broadcast_in_dim3A_186 = arith.constant 0.000000e+00 : f32
    %broadcast_in_dim3A_187 = vector.broadcast %broadcast_in_dim3A_186 : f32 to vector<1000x8xf32>
    %concatenate3A = tpu.concatenate %max3A_15, %max3A_30, %max3A_45, %broadcast_in_dim3A_46, %max3A_61, %max3A_76, %max3A_91, %broadcast_in_dim3A_93, %max3A_108, %max3A_123, %max3A_138, %broadcast_in_dim3A_140, %max3A_155, %max3A_170, %max3A_185, %broadcast_in_dim3A_187 in 1 : vector<1000x8xf32>, vector<1000x8xf32>, vector<1000x8xf32>, vector<1000x8xf32>, vector<1000x8xf32>, vector<1000x8xf32>, vector<1000x8xf32>, vector<1000x8xf32>, vector<1000x8xf32>, vector<1000x8xf32>, vector<1000x8xf32>, vector<1000x8xf32>, vector<1000x8xf32>, vector<1000x8xf32>, vector<1000x8xf32>, vector<1000x8xf32> -> vector<1000x128xf32>
    %swap3A = arith.constant 0 : index
    %swap3A_188 = arith.constant 0 : index
    %swap3A_189 = vector.load %arg7[%swap3A, %swap3A_188] : memref<1000x128xf32, #tpu.memory_space<vmem>>, vector<1000x128xf32>
    tpu.vector_store %arg7[%swap3A, %swap3A_188], %concatenate3A {strides = array<i32>} : memref<1000x128xf32, #tpu.memory_space<vmem>>, vector<1000x128xf32>,
    return
  }
  func.func @transform_0(%arg0: i32) -> (i32, i32) {
    %c0_i32 = arith.constant 0 : i32
    %c0_i32_0 = arith.constant 0 : i32
    return %arg0, %c0_i32 : i32, i32
  }
  func.func @transform_1(%arg0: i32) -> (i32, i32) {
    %c0_i32 = arith.constant 0 : i32
    %c0_i32_0 = arith.constant 0 : i32
    return %arg0, %c0_i32 : i32, i32
  }
  func.func @transform_2(%arg0: i32) -> (i32, i32) {
    %c0_i32 = arith.constant 0 : i32
    %c0_i32_0 = arith.constant 0 : i32
    %c0_i32_1 = arith.constant 0 : i32
    return %c0_i32, %c0_i32_0 : i32, i32
  }
  func.func @transform_3(%arg0: i32) -> (i32, i32) {
    %c0_i32 = arith.constant 0 : i32
    %c0_i32_0 = arith.constant 0 : i32
    %c0_i32_1 = arith.constant 0 : i32
    return %c0_i32, %c0_i32_0 : i32, i32
  }
  func.func @transform_4(%arg0: i32) -> (i32, i32) {
    %c0_i32 = arith.constant 0 : i32
    %c0_i32_0 = arith.constant 0 : i32
    %c0_i32_1 = arith.constant 0 : i32
    return %c0_i32, %c0_i32_0 : i32, i32
  }
  func.func @transform_5(%arg0: i32) -> (i32, i32) {
    %c0_i32 = arith.constant 0 : i32
    %c0_i32_0 = arith.constant 0 : i32
    %c0_i32_1 = arith.constant 0 : i32
    return %c0_i32, %c0_i32_0 : i32, i32
  }
  func.func @transform_6(%arg0: i32) -> (i32, i32) {
    %c0_i32 = arith.constant 0 : i32
    %c0_i32_0 = arith.constant 0 : i32
    return %arg0, %c0_i32 : i32, i32
  }
}

module attributes {stable_mosaic.version = 14 : i64} {
  func.func @_edge_mlp_body(%arg0: i32, %arg1: memref<1x1600x128xf32, #tpu.memory_space<vmem>>, %arg2: memref<1x1600x128xf32, #tpu.memory_space<vmem>>, %arg3: memref<1600x4xf32, #tpu.memory_space<vmem>>, %arg4: memref<1x8xf32, #tpu.memory_space<vmem>>, %arg5: memref<1x8xf32, #tpu.memory_space<vmem>>, %arg6: memref<32x64xf32, #tpu.memory_space<vmem>>, %arg7: memref<32x64xf32, #tpu.memory_space<vmem>>, %arg8: memref<8x64xf32, #tpu.memory_space<vmem>>, %arg9: memref<1x64xf32, #tpu.memory_space<vmem>>, %arg10: memref<64x64xf32, #tpu.memory_space<vmem>>, %arg11: memref<1x64xf32, #tpu.memory_space<vmem>>, %arg12: memref<64x8xf32, #tpu.memory_space<vmem>>, %arg13: memref<1x8xf32, #tpu.memory_space<vmem>>, %arg14: memref<400x128xf32, #tpu.memory_space<vmem>>) attributes {dimension_semantics = [#tpu.dimension_semantics<arbitrary>], iteration_bounds = array<i64: 125>, scalar_prefetch = 0 : i64, scratch_operands = 0 : i64, tpu.core_type = #tpu.core_type<tc>, window_params = [{transform_indices = @transform_0, window_bounds = array<i64: 1, 1600, 128>}, {transform_indices = @transform_1, window_bounds = array<i64: 1, 1600, 128>}, {transform_indices = @transform_2, window_bounds = array<i64: 1600, 4>}, {pipeline_mode = #tpu.pipeline_mode<synchronous>, transform_indices = @transform_3, window_bounds = array<i64: 1, 8>}, {pipeline_mode = #tpu.pipeline_mode<synchronous>, transform_indices = @transform_4, window_bounds = array<i64: 1, 8>}, {pipeline_mode = #tpu.pipeline_mode<synchronous>, transform_indices = @transform_5, window_bounds = array<i64: 32, 64>}, {pipeline_mode = #tpu.pipeline_mode<synchronous>, transform_indices = @transform_6, window_bounds = array<i64: 32, 64>}, {pipeline_mode = #tpu.pipeline_mode<synchronous>, transform_indices = @transform_7, window_bounds = array<i64: 8, 64>}, {pipeline_mode = #tpu.pipeline_mode<synchronous>, transform_indices = @transform_8, window_bounds = array<i64: 1, 64>}, {pipeline_mode = #tpu.pipeline_mode<synchronous>, transform_indices = @transform_9, window_bounds = array<i64: 64, 64>}, {pipeline_mode = #tpu.pipeline_mode<synchronous>, transform_indices = @transform_10, window_bounds = array<i64: 1, 64>}, {pipeline_mode = #tpu.pipeline_mode<synchronous>, transform_indices = @transform_11, window_bounds = array<i64: 64, 8>}, {pipeline_mode = #tpu.pipeline_mode<synchronous>, transform_indices = @transform_12, window_bounds = array<i64: 1, 8>}, {transform_indices = @transform_13, window_bounds = array<i64: 400, 128>}]} {
    %get3A = arith.constant 0 : index
    %get3A_0 = arith.constant 0 : index
    %get3A_1 = arith.constant 0 : index
    %get3A_2 = vector.load %arg1[%get3A, %get3A_0, %get3A_1] : memref<1x1600x128xf32, #tpu.memory_space<vmem>>, vector<1x1600x128xf32>
    %get3A_3 = vector.shape_cast %get3A_2 : vector<1x1600x128xf32> to vector<1600x128xf32>
    %get3A_4 = arith.constant 0 : index
    %get3A_5 = arith.constant 0 : index
    %get3A_6 = arith.constant 0 : index
    %get3A_7 = vector.load %arg2[%get3A_4, %get3A_5, %get3A_6] : memref<1x1600x128xf32, #tpu.memory_space<vmem>>, vector<1x1600x128xf32>
    %get3A_8 = vector.shape_cast %get3A_7 : vector<1x1600x128xf32> to vector<1600x128xf32>
    %get3A_9 = arith.constant 0 : index
    %get3A_10 = arith.constant 0 : index
    %get3A_11 = vector.load %arg3[%get3A_9, %get3A_10] : memref<1600x4xf32, #tpu.memory_space<vmem>>, vector<1600x4xf32>
    %slice3A = vector.extract_strided_slice %get3A_3 {offsets = [0, 0], sizes = [1600, 32], strides = [1, 1]} : vector<1600x128xf32> to vector<1600x32xf32>
    %slice3A_12 = vector.extract_strided_slice %get3A_3 {offsets = [0, 32], sizes = [1600, 32], strides = [1, 1]} : vector<1600x128xf32> to vector<1600x32xf32>
    %slice3A_13 = vector.extract_strided_slice %get3A_3 {offsets = [0, 64], sizes = [1600, 32], strides = [1, 1]} : vector<1600x128xf32> to vector<1600x32xf32>
    %slice3A_14 = vector.extract_strided_slice %get3A_3 {offsets = [0, 96], sizes = [1600, 32], strides = [1, 1]} : vector<1600x128xf32> to vector<1600x32xf32>
    %concatenate3A = tpu.concatenate %slice3A, %slice3A_12, %slice3A_13, %slice3A_14 in 0 : vector<1600x32xf32>, vector<1600x32xf32>, vector<1600x32xf32>, vector<1600x32xf32> -> vector<6400x32xf32>
    %slice3A_15 = vector.extract_strided_slice %get3A_8 {offsets = [0, 0], sizes = [1600, 32], strides = [1, 1]} : vector<1600x128xf32> to vector<1600x32xf32>
    %slice3A_16 = vector.extract_strided_slice %get3A_8 {offsets = [0, 32], sizes = [1600, 32], strides = [1, 1]} : vector<1600x128xf32> to vector<1600x32xf32>
    %slice3A_17 = vector.extract_strided_slice %get3A_8 {offsets = [0, 64], sizes = [1600, 32], strides = [1, 1]} : vector<1600x128xf32> to vector<1600x32xf32>
    %slice3A_18 = vector.extract_strided_slice %get3A_8 {offsets = [0, 96], sizes = [1600, 32], strides = [1, 1]} : vector<1600x128xf32> to vector<1600x32xf32>
    %concatenate3A_19 = tpu.concatenate %slice3A_15, %slice3A_16, %slice3A_17, %slice3A_18 in 0 : vector<1600x32xf32>, vector<1600x32xf32>, vector<1600x32xf32>, vector<1600x32xf32> -> vector<6400x32xf32>
    %slice3A_20 = vector.extract_strided_slice %get3A_11 {offsets = [0, 0], sizes = [1600, 1], strides = [1, 1]} : vector<1600x4xf32> to vector<1600x1xf32>
    %slice3A_21 = vector.extract_strided_slice %get3A_11 {offsets = [0, 1], sizes = [1600, 1], strides = [1, 1]} : vector<1600x4xf32> to vector<1600x1xf32>
    %slice3A_22 = vector.extract_strided_slice %get3A_11 {offsets = [0, 2], sizes = [1600, 1], strides = [1, 1]} : vector<1600x4xf32> to vector<1600x1xf32>
    %slice3A_23 = vector.extract_strided_slice %get3A_11 {offsets = [0, 3], sizes = [1600, 1], strides = [1, 1]} : vector<1600x4xf32> to vector<1600x1xf32>
    %concatenate3A_24 = tpu.concatenate %slice3A_20, %slice3A_21, %slice3A_22, %slice3A_23 in 0 : vector<1600x1xf32>, vector<1600x1xf32>, vector<1600x1xf32>, vector<1600x1xf32> -> vector<6400x1xf32>
    %get3A_25 = arith.constant 0 : index
    %get3A_26 = arith.constant 0 : index
    %get3A_27 = vector.load %arg4[%get3A_25, %get3A_26] : memref<1x8xf32, #tpu.memory_space<vmem>>, vector<1x8xf32>
    %mul3A = vector.broadcast %concatenate3A_24 : vector<6400x1xf32> to vector<6400x8xf32>
    %mul3A_28 = vector.broadcast %get3A_27 : vector<1x8xf32> to vector<6400x8xf32>
    %mul3A_29 = arith.mulf %mul3A, %mul3A_28 : vector<6400x8xf32>
    %get3A_30 = arith.constant 0 : index
    %get3A_31 = arith.constant 0 : index
    %get3A_32 = vector.load %arg5[%get3A_30, %get3A_31] : memref<1x8xf32, #tpu.memory_space<vmem>>, vector<1x8xf32>
    %add3A = vector.broadcast %get3A_32 : vector<1x8xf32> to vector<6400x8xf32>
    %add3A_33 = arith.addf %mul3A_29, %add3A : vector<6400x8xf32>
    %max3A = arith.constant 0.000000e+00 : f32
    %max3A_34 = vector.broadcast %max3A : f32 to vector<6400x8xf32>
    %max3A_35 = arith.maximumf %add3A_33, %max3A_34 : vector<6400x8xf32>
    %get3A_36 = arith.constant 0 : index
    %get3A_37 = arith.constant 0 : index
    %get3A_38 = vector.load %arg6[%get3A_36, %get3A_37] : memref<32x64xf32, #tpu.memory_space<vmem>>, vector<32x64xf32>
    %dot_general3A = arith.constant dense<0.000000e+00> : vector<6400x64xf32>
    %dot_general3A_39 = tpu.matmul %concatenate3A, %get3A_38, %dot_general3A {dimension_numbers = #tpu.dot_dimension_numbers<[1], [0], [0], [1], [0, 0, 1, 1], [], []>, transpose_lhs_hint = false} : vector<6400x32xf32>, vector<32x64xf32>, vector<6400x64xf32> -> vector<6400x64xf32>
    %get3A_40 = arith.constant 0 : index
    %get3A_41 = arith.constant 0 : index
    %get3A_42 = vector.load %arg7[%get3A_40, %get3A_41] : memref<32x64xf32, #tpu.memory_space<vmem>>, vector<32x64xf32>
    %dot_general3A_43 = arith.constant dense<0.000000e+00> : vector<6400x64xf32>
    %dot_general3A_44 = tpu.matmul %concatenate3A_19, %get3A_42, %dot_general3A_43 {dimension_numbers = #tpu.dot_dimension_numbers<[1], [0], [0], [1], [0, 0, 1, 1], [], []>, transpose_lhs_hint = false} : vector<6400x32xf32>, vector<32x64xf32>, vector<6400x64xf32> -> vector<6400x64xf32>
    %add3A_45 = arith.addf %dot_general3A_39, %dot_general3A_44 : vector<6400x64xf32>
    %get3A_46 = arith.constant 0 : index
    %get3A_47 = arith.constant 0 : index
    %get3A_48 = vector.load %arg8[%get3A_46, %get3A_47] : memref<8x64xf32, #tpu.memory_space<vmem>>, vector<8x64xf32>
    %dot_general3A_49 = arith.constant dense<0.000000e+00> : vector<6400x64xf32>
    %dot_general3A_50 = tpu.matmul %max3A_35, %get3A_48, %dot_general3A_49 {dimension_numbers = #tpu.dot_dimension_numbers<[1], [0], [0], [1], [0, 0, 1, 1], [], []>, transpose_lhs_hint = false} : vector<6400x8xf32>, vector<8x64xf32>, vector<6400x64xf32> -> vector<6400x64xf32>
    %add3A_51 = arith.addf %add3A_45, %dot_general3A_50 : vector<6400x64xf32>
    %get3A_52 = arith.constant 0 : index
    %get3A_53 = arith.constant 0 : index
    %get3A_54 = vector.load %arg9[%get3A_52, %get3A_53] : memref<1x64xf32, #tpu.memory_space<vmem>>, vector<1x64xf32>
    %add3A_55 = vector.broadcast %get3A_54 : vector<1x64xf32> to vector<6400x64xf32>
    %add3A_56 = arith.addf %add3A_51, %add3A_55 : vector<6400x64xf32>
    %max3A_57 = arith.constant 0.000000e+00 : f32
    %max3A_58 = vector.broadcast %max3A_57 : f32 to vector<6400x64xf32>
    %max3A_59 = arith.maximumf %add3A_56, %max3A_58 : vector<6400x64xf32>
    %get3A_60 = arith.constant 0 : index
    %get3A_61 = arith.constant 0 : index
    %get3A_62 = vector.load %arg10[%get3A_60, %get3A_61] : memref<64x64xf32, #tpu.memory_space<vmem>>, vector<64x64xf32>
    %dot_general3A_63 = arith.constant dense<0.000000e+00> : vector<6400x64xf32>
    %dot_general3A_64 = tpu.matmul %max3A_59, %get3A_62, %dot_general3A_63 {dimension_numbers = #tpu.dot_dimension_numbers<[1], [0], [0], [1], [0, 0, 1, 1], [], []>, transpose_lhs_hint = false} : vector<6400x64xf32>, vector<64x64xf32>, vector<6400x64xf32> -> vector<6400x64xf32>
    %get3A_65 = arith.constant 0 : index
    %get3A_66 = arith.constant 0 : index
    %get3A_67 = vector.load %arg11[%get3A_65, %get3A_66] : memref<1x64xf32, #tpu.memory_space<vmem>>, vector<1x64xf32>
    %add3A_68 = vector.broadcast %get3A_67 : vector<1x64xf32> to vector<6400x64xf32>
    %add3A_69 = arith.addf %dot_general3A_64, %add3A_68 : vector<6400x64xf32>
    %max3A_70 = arith.constant 0.000000e+00 : f32
    %max3A_71 = vector.broadcast %max3A_70 : f32 to vector<6400x64xf32>
    %max3A_72 = arith.maximumf %add3A_69, %max3A_71 : vector<6400x64xf32>
    %get3A_73 = arith.constant 0 : index
    %get3A_74 = arith.constant 0 : index
    %get3A_75 = vector.load %arg12[%get3A_73, %get3A_74] : memref<64x8xf32, #tpu.memory_space<vmem>>, vector<64x8xf32>
    %dot_general3A_76 = arith.constant dense<0.000000e+00> : vector<6400x8xf32>
    %dot_general3A_77 = tpu.matmul %max3A_72, %get3A_75, %dot_general3A_76 {dimension_numbers = #tpu.dot_dimension_numbers<[1], [0], [0], [1], [0, 0, 1, 1], [], []>, transpose_lhs_hint = false} : vector<6400x64xf32>, vector<64x8xf32>, vector<6400x8xf32> -> vector<6400x8xf32>
    %get3A_78 = arith.constant 0 : index
    %get3A_79 = arith.constant 0 : index
    %get3A_80 = vector.load %arg13[%get3A_78, %get3A_79] : memref<1x8xf32, #tpu.memory_space<vmem>>, vector<1x8xf32>
    %add3A_81 = vector.broadcast %get3A_80 : vector<1x8xf32> to vector<6400x8xf32>
    %add3A_82 = arith.addf %dot_general3A_77, %add3A_81 : vector<6400x8xf32>
    %slice3A_83 = vector.extract_strided_slice %add3A_82 {offsets = [0, 0], sizes = [400, 8], strides = [1, 1]} : vector<6400x8xf32> to vector<400x8xf32>
    %slice3A_84 = vector.extract_strided_slice %add3A_82 {offsets = [400, 0], sizes = [400, 8], strides = [1, 1]} : vector<6400x8xf32> to vector<400x8xf32>
    %slice3A_85 = vector.extract_strided_slice %add3A_82 {offsets = [800, 0], sizes = [400, 8], strides = [1, 1]} : vector<6400x8xf32> to vector<400x8xf32>
    %slice3A_86 = vector.extract_strided_slice %add3A_82 {offsets = [1200, 0], sizes = [400, 8], strides = [1, 1]} : vector<6400x8xf32> to vector<400x8xf32>
    %slice3A_87 = vector.extract_strided_slice %add3A_82 {offsets = [1600, 0], sizes = [400, 8], strides = [1, 1]} : vector<6400x8xf32> to vector<400x8xf32>
    %slice3A_88 = vector.extract_strided_slice %add3A_82 {offsets = [2000, 0], sizes = [400, 8], strides = [1, 1]} : vector<6400x8xf32> to vector<400x8xf32>
    %slice3A_89 = vector.extract_strided_slice %add3A_82 {offsets = [2400, 0], sizes = [400, 8], strides = [1, 1]} : vector<6400x8xf32> to vector<400x8xf32>
    %slice3A_90 = vector.extract_strided_slice %add3A_82 {offsets = [2800, 0], sizes = [400, 8], strides = [1, 1]} : vector<6400x8xf32> to vector<400x8xf32>
    %slice3A_91 = vector.extract_strided_slice %add3A_82 {offsets = [3200, 0], sizes = [400, 8], strides = [1, 1]} : vector<6400x8xf32> to vector<400x8xf32>
    %slice3A_92 = vector.extract_strided_slice %add3A_82 {offsets = [3600, 0], sizes = [400, 8], strides = [1, 1]} : vector<6400x8xf32> to vector<400x8xf32>
    %slice3A_93 = vector.extract_strided_slice %add3A_82 {offsets = [4000, 0], sizes = [400, 8], strides = [1, 1]} : vector<6400x8xf32> to vector<400x8xf32>
    %slice3A_94 = vector.extract_strided_slice %add3A_82 {offsets = [4400, 0], sizes = [400, 8], strides = [1, 1]} : vector<6400x8xf32> to vector<400x8xf32>
    %slice3A_95 = vector.extract_strided_slice %add3A_82 {offsets = [4800, 0], sizes = [400, 8], strides = [1, 1]} : vector<6400x8xf32> to vector<400x8xf32>
    %slice3A_96 = vector.extract_strided_slice %add3A_82 {offsets = [5200, 0], sizes = [400, 8], strides = [1, 1]} : vector<6400x8xf32> to vector<400x8xf32>
    %slice3A_97 = vector.extract_strided_slice %add3A_82 {offsets = [5600, 0], sizes = [400, 8], strides = [1, 1]} : vector<6400x8xf32> to vector<400x8xf32>
    %slice3A_98 = vector.extract_strided_slice %add3A_82 {offsets = [6000, 0], sizes = [400, 8], strides = [1, 1]} : vector<6400x8xf32> to vector<400x8xf32>
    %concatenate3A_99 = tpu.concatenate %slice3A_83, %slice3A_84, %slice3A_85, %slice3A_86, %slice3A_87, %slice3A_88, %slice3A_89, %slice3A_90, %slice3A_91, %slice3A_92, %slice3A_93, %slice3A_94, %slice3A_95, %slice3A_96, %slice3A_97, %slice3A_98 in 1 : vector<400x8xf32>, vector<400x8xf32>, vector<400x8xf32>, vector<400x8xf32>, vector<400x8xf32>, vector<400x8xf32>, vector<400x8xf32>, vector<400x8xf32>, vector<400x8xf32>, vector<400x8xf32>, vector<400x8xf32>, vector<400x8xf32>, vector<400x8xf32>, vector<400x8xf32>, vector<400x8xf32>, vector<400x8xf32> -> vector<400x128xf32>
    %swap3A = arith.constant 0 : index
    %swap3A_100 = arith.constant 0 : index
    %swap3A_101 = vector.load %arg14[%swap3A, %swap3A_100] : memref<400x128xf32, #tpu.memory_space<vmem>>, vector<400x128xf32>
    tpu.vector_store %arg14[%swap3A, %swap3A_100], %concatenate3A_99 {strides = array<i32>} : memref<400x128xf32, #tpu.memory_space<vmem>>, vector<400x128xf32>,
    return
  }
  func.func @transform_0(%arg0: i32) -> (i32, i32, i32) {
    %c0_i32 = arith.constant 0 : i32
    %c0_i32_0 = arith.constant 0 : i32
    %c0_i32_1 = arith.constant 0 : i32
    return %c0_i32, %arg0, %c0_i32_0 : i32, i32, i32
  }
  func.func @transform_1(%arg0: i32) -> (i32, i32, i32) {
    %c1_i32 = arith.constant 1 : i32
    %c0_i32 = arith.constant 0 : i32
    %c0_i32_0 = arith.constant 0 : i32
    return %c1_i32, %arg0, %c0_i32 : i32, i32, i32
  }
  func.func @transform_2(%arg0: i32) -> (i32, i32) {
    %c0_i32 = arith.constant 0 : i32
    %c0_i32_0 = arith.constant 0 : i32
    return %arg0, %c0_i32 : i32, i32
  }
  func.func @transform_3(%arg0: i32) -> (i32, i32) {
    %c0_i32 = arith.constant 0 : i32
    %c0_i32_0 = arith.constant 0 : i32
    %c0_i32_1 = arith.constant 0 : i32
    return %c0_i32, %c0_i32_0 : i32, i32
  }
  func.func @transform_4(%arg0: i32) -> (i32, i32) {
    %c0_i32 = arith.constant 0 : i32
    %c0_i32_0 = arith.constant 0 : i32
    %c0_i32_1 = arith.constant 0 : i32
    return %c0_i32, %c0_i32_0 : i32, i32
  }
  func.func @transform_5(%arg0: i32) -> (i32, i32) {
    %c0_i32 = arith.constant 0 : i32
    %c0_i32_0 = arith.constant 0 : i32
    %c0_i32_1 = arith.constant 0 : i32
    return %c0_i32, %c0_i32_0 : i32, i32
  }
  func.func @transform_6(%arg0: i32) -> (i32, i32) {
    %c0_i32 = arith.constant 0 : i32
    %c0_i32_0 = arith.constant 0 : i32
    %c0_i32_1 = arith.constant 0 : i32
    return %c0_i32, %c0_i32_0 : i32, i32
  }
  func.func @transform_7(%arg0: i32) -> (i32, i32) {
    %c0_i32 = arith.constant 0 : i32
    %c0_i32_0 = arith.constant 0 : i32
    %c0_i32_1 = arith.constant 0 : i32
    return %c0_i32, %c0_i32_0 : i32, i32
  }
  func.func @transform_8(%arg0: i32) -> (i32, i32) {
    %c0_i32 = arith.constant 0 : i32
    %c0_i32_0 = arith.constant 0 : i32
    %c0_i32_1 = arith.constant 0 : i32
    return %c0_i32, %c0_i32_0 : i32, i32
  }
  func.func @transform_9(%arg0: i32) -> (i32, i32) {
    %c0_i32 = arith.constant 0 : i32
    %c0_i32_0 = arith.constant 0 : i32
    %c0_i32_1 = arith.constant 0 : i32
    return %c0_i32, %c0_i32_0 : i32, i32
  }
  func.func @transform_10(%arg0: i32) -> (i32, i32) {
    %c0_i32 = arith.constant 0 : i32
    %c0_i32_0 = arith.constant 0 : i32
    %c0_i32_1 = arith.constant 0 : i32
    return %c0_i32, %c0_i32_0 : i32, i32
  }
  func.func @transform_11(%arg0: i32) -> (i32, i32) {
    %c0_i32 = arith.constant 0 : i32
    %c0_i32_0 = arith.constant 0 : i32
    %c0_i32_1 = arith.constant 0 : i32
    return %c0_i32, %c0_i32_0 : i32, i32
  }
  func.func @transform_12(%arg0: i32) -> (i32, i32) {
    %c0_i32 = arith.constant 0 : i32
    %c0_i32_0 = arith.constant 0 : i32
    %c0_i32_1 = arith.constant 0 : i32
    return %c0_i32, %c0_i32_0 : i32, i32
  }
  func.func @transform_13(%arg0: i32) -> (i32, i32) {
    %c0_i32 = arith.constant 0 : i32
    %c0_i32_0 = arith.constant 0 : i32
    return %arg0, %c0_i32 : i32, i32
  }
}

module attributes {stable_mosaic.version = 14 : i64} {
  func.func @_node_mlp_body(%arg0: i32, %arg1: memref<2x136x128xf32, #tpu.memory_space<vmem>>, %arg2: memref<8x64xf32, #tpu.memory_space<vmem>>, %arg3: memref<1x64xf32, #tpu.memory_space<vmem>>, %arg4: memref<64x64xf32, #tpu.memory_space<vmem>>, %arg5: memref<1x64xf32, #tpu.memory_space<vmem>>, %arg6: memref<64x1xf32, #tpu.memory_space<vmem>>, %arg7: memref<1x1xf32, #tpu.memory_space<vmem>>, %arg8: memref<136x16xf32, #tpu.memory_space<vmem>>) attributes {dimension_semantics = [#tpu.dimension_semantics<arbitrary>], iteration_bounds = array<i64: 23>, scalar_prefetch = 0 : i64, scratch_operands = 0 : i64, tpu.core_type = #tpu.core_type<tc>, window_params = [{transform_indices = @transform_0, window_bounds = array<i64: 2, 136, 128>}, {pipeline_mode = #tpu.pipeline_mode<synchronous>, transform_indices = @transform_1, window_bounds = array<i64: 8, 64>}, {pipeline_mode = #tpu.pipeline_mode<synchronous>, transform_indices = @transform_2, window_bounds = array<i64: 1, 64>}, {pipeline_mode = #tpu.pipeline_mode<synchronous>, transform_indices = @transform_3, window_bounds = array<i64: 64, 64>}, {pipeline_mode = #tpu.pipeline_mode<synchronous>, transform_indices = @transform_4, window_bounds = array<i64: 1, 64>}, {pipeline_mode = #tpu.pipeline_mode<synchronous>, transform_indices = @transform_5, window_bounds = array<i64: 64, 1>}, {pipeline_mode = #tpu.pipeline_mode<synchronous>, transform_indices = @transform_6, window_bounds = array<i64: 1, 1>}, {transform_indices = @transform_7, window_bounds = array<i64: 136, 16>}]} {
    %get3A = arith.constant 0 : index
    %get3A_0 = arith.constant 0 : index
    %get3A_1 = arith.constant 0 : index
    %get3A_2 = vector.load %arg1[%get3A, %get3A_0, %get3A_1] : memref<2x136x128xf32, #tpu.memory_space<vmem>>, vector<1x136x128xf32>
    %get3A_3 = vector.shape_cast %get3A_2 : vector<1x136x128xf32> to vector<136x128xf32>
    %get3A_4 = arith.constant 1 : index
    %get3A_5 = arith.constant 0 : index
    %get3A_6 = arith.constant 0 : index
    %get3A_7 = vector.load %arg1[%get3A_4, %get3A_5, %get3A_6] : memref<2x136x128xf32, #tpu.memory_space<vmem>>, vector<1x136x128xf32>
    %get3A_8 = vector.shape_cast %get3A_7 : vector<1x136x128xf32> to vector<136x128xf32>
    %add3A = arith.addf %get3A_3, %get3A_8 : vector<136x128xf32>
    %slice3A = vector.extract_strided_slice %add3A {offsets = [0, 0], sizes = [136, 8], strides = [1, 1]} : vector<136x128xf32> to vector<136x8xf32>
    %slice3A_9 = vector.extract_strided_slice %add3A {offsets = [0, 8], sizes = [136, 8], strides = [1, 1]} : vector<136x128xf32> to vector<136x8xf32>
    %slice3A_10 = vector.extract_strided_slice %add3A {offsets = [0, 16], sizes = [136, 8], strides = [1, 1]} : vector<136x128xf32> to vector<136x8xf32>
    %slice3A_11 = vector.extract_strided_slice %add3A {offsets = [0, 24], sizes = [136, 8], strides = [1, 1]} : vector<136x128xf32> to vector<136x8xf32>
    %slice3A_12 = vector.extract_strided_slice %add3A {offsets = [0, 32], sizes = [136, 8], strides = [1, 1]} : vector<136x128xf32> to vector<136x8xf32>
    %slice3A_13 = vector.extract_strided_slice %add3A {offsets = [0, 40], sizes = [136, 8], strides = [1, 1]} : vector<136x128xf32> to vector<136x8xf32>
    %slice3A_14 = vector.extract_strided_slice %add3A {offsets = [0, 48], sizes = [136, 8], strides = [1, 1]} : vector<136x128xf32> to vector<136x8xf32>
    %slice3A_15 = vector.extract_strided_slice %add3A {offsets = [0, 56], sizes = [136, 8], strides = [1, 1]} : vector<136x128xf32> to vector<136x8xf32>
    %slice3A_16 = vector.extract_strided_slice %add3A {offsets = [0, 64], sizes = [136, 8], strides = [1, 1]} : vector<136x128xf32> to vector<136x8xf32>
    %slice3A_17 = vector.extract_strided_slice %add3A {offsets = [0, 72], sizes = [136, 8], strides = [1, 1]} : vector<136x128xf32> to vector<136x8xf32>
    %slice3A_18 = vector.extract_strided_slice %add3A {offsets = [0, 80], sizes = [136, 8], strides = [1, 1]} : vector<136x128xf32> to vector<136x8xf32>
    %slice3A_19 = vector.extract_strided_slice %add3A {offsets = [0, 88], sizes = [136, 8], strides = [1, 1]} : vector<136x128xf32> to vector<136x8xf32>
    %slice3A_20 = vector.extract_strided_slice %add3A {offsets = [0, 96], sizes = [136, 8], strides = [1, 1]} : vector<136x128xf32> to vector<136x8xf32>
    %slice3A_21 = vector.extract_strided_slice %add3A {offsets = [0, 104], sizes = [136, 8], strides = [1, 1]} : vector<136x128xf32> to vector<136x8xf32>
    %slice3A_22 = vector.extract_strided_slice %add3A {offsets = [0, 112], sizes = [136, 8], strides = [1, 1]} : vector<136x128xf32> to vector<136x8xf32>
    %slice3A_23 = vector.extract_strided_slice %add3A {offsets = [0, 120], sizes = [136, 8], strides = [1, 1]} : vector<136x128xf32> to vector<136x8xf32>
    %concatenate3A = tpu.concatenate %slice3A, %slice3A_9, %slice3A_10, %slice3A_11, %slice3A_12, %slice3A_13, %slice3A_14, %slice3A_15, %slice3A_16, %slice3A_17, %slice3A_18, %slice3A_19, %slice3A_20, %slice3A_21, %slice3A_22, %slice3A_23 in 0 : vector<136x8xf32>, vector<136x8xf32>, vector<136x8xf32>, vector<136x8xf32>, vector<136x8xf32>, vector<136x8xf32>, vector<136x8xf32>, vector<136x8xf32>, vector<136x8xf32>, vector<136x8xf32>, vector<136x8xf32>, vector<136x8xf32>, vector<136x8xf32>, vector<136x8xf32>, vector<136x8xf32>, vector<136x8xf32> -> vector<2176x8xf32>
    %get3A_24 = arith.constant 0 : index
    %get3A_25 = arith.constant 0 : index
    %get3A_26 = vector.load %arg2[%get3A_24, %get3A_25] : memref<8x64xf32, #tpu.memory_space<vmem>>, vector<8x64xf32>
    %dot_general3A = arith.constant dense<0.000000e+00> : vector<2176x64xf32>
    %dot_general3A_27 = tpu.matmul %concatenate3A, %get3A_26, %dot_general3A {dimension_numbers = #tpu.dot_dimension_numbers<[1], [0], [0], [1], [0, 0, 1, 1], [], []>, transpose_lhs_hint = false} : vector<2176x8xf32>, vector<8x64xf32>, vector<2176x64xf32> -> vector<2176x64xf32>
    %get3A_28 = arith.constant 0 : index
    %get3A_29 = arith.constant 0 : index
    %get3A_30 = vector.load %arg3[%get3A_28, %get3A_29] : memref<1x64xf32, #tpu.memory_space<vmem>>, vector<1x64xf32>
    %add3A_31 = vector.broadcast %get3A_30 : vector<1x64xf32> to vector<2176x64xf32>
    %add3A_32 = arith.addf %dot_general3A_27, %add3A_31 : vector<2176x64xf32>
    %max3A = arith.constant 0.000000e+00 : f32
    %max3A_33 = vector.broadcast %max3A : f32 to vector<2176x64xf32>
    %max3A_34 = arith.maximumf %add3A_32, %max3A_33 : vector<2176x64xf32>
    %get3A_35 = arith.constant 0 : index
    %get3A_36 = arith.constant 0 : index
    %get3A_37 = vector.load %arg4[%get3A_35, %get3A_36] : memref<64x64xf32, #tpu.memory_space<vmem>>, vector<64x64xf32>
    %dot_general3A_38 = arith.constant dense<0.000000e+00> : vector<2176x64xf32>
    %dot_general3A_39 = tpu.matmul %max3A_34, %get3A_37, %dot_general3A_38 {dimension_numbers = #tpu.dot_dimension_numbers<[1], [0], [0], [1], [0, 0, 1, 1], [], []>, transpose_lhs_hint = false} : vector<2176x64xf32>, vector<64x64xf32>, vector<2176x64xf32> -> vector<2176x64xf32>
    %get3A_40 = arith.constant 0 : index
    %get3A_41 = arith.constant 0 : index
    %get3A_42 = vector.load %arg5[%get3A_40, %get3A_41] : memref<1x64xf32, #tpu.memory_space<vmem>>, vector<1x64xf32>
    %add3A_43 = vector.broadcast %get3A_42 : vector<1x64xf32> to vector<2176x64xf32>
    %add3A_44 = arith.addf %dot_general3A_39, %add3A_43 : vector<2176x64xf32>
    %max3A_45 = arith.constant 0.000000e+00 : f32
    %max3A_46 = vector.broadcast %max3A_45 : f32 to vector<2176x64xf32>
    %max3A_47 = arith.maximumf %add3A_44, %max3A_46 : vector<2176x64xf32>
    %get3A_48 = arith.constant 0 : index
    %get3A_49 = arith.constant 0 : index
    %get3A_50 = vector.load %arg6[%get3A_48, %get3A_49] : memref<64x1xf32, #tpu.memory_space<vmem>>, vector<64x1xf32>
    %dot_general3A_51 = arith.constant dense<0.000000e+00> : vector<2176x1xf32>
    %dot_general3A_52 = tpu.matmul %max3A_47, %get3A_50, %dot_general3A_51 {dimension_numbers = #tpu.dot_dimension_numbers<[1], [0], [0], [1], [0, 0, 1, 1], [], []>, transpose_lhs_hint = false} : vector<2176x64xf32>, vector<64x1xf32>, vector<2176x1xf32> -> vector<2176x1xf32>
    %get3A_53 = arith.constant 0 : index
    %get3A_54 = arith.constant 0 : index
    %get3A_55 = vector.load %arg7[%get3A_53, %get3A_54] : memref<1x1xf32, #tpu.memory_space<vmem>>, vector<1x1xf32>
    %add3A_56 = vector.broadcast %get3A_55 : vector<1x1xf32> to vector<2176x1xf32>
    %add3A_57 = arith.addf %dot_general3A_52, %add3A_56 : vector<2176x1xf32>
    %slice3A_58 = vector.extract_strided_slice %add3A_57 {offsets = [0, 0], sizes = [136, 1], strides = [1, 1]} : vector<2176x1xf32> to vector<136x1xf32>
    %slice3A_59 = vector.extract_strided_slice %add3A_57 {offsets = [136, 0], sizes = [136, 1], strides = [1, 1]} : vector<2176x1xf32> to vector<136x1xf32>
    %slice3A_60 = vector.extract_strided_slice %add3A_57 {offsets = [272, 0], sizes = [136, 1], strides = [1, 1]} : vector<2176x1xf32> to vector<136x1xf32>
    %slice3A_61 = vector.extract_strided_slice %add3A_57 {offsets = [408, 0], sizes = [136, 1], strides = [1, 1]} : vector<2176x1xf32> to vector<136x1xf32>
    %slice3A_62 = vector.extract_strided_slice %add3A_57 {offsets = [544, 0], sizes = [136, 1], strides = [1, 1]} : vector<2176x1xf32> to vector<136x1xf32>
    %slice3A_63 = vector.extract_strided_slice %add3A_57 {offsets = [680, 0], sizes = [136, 1], strides = [1, 1]} : vector<2176x1xf32> to vector<136x1xf32>
    %slice3A_64 = vector.extract_strided_slice %add3A_57 {offsets = [816, 0], sizes = [136, 1], strides = [1, 1]} : vector<2176x1xf32> to vector<136x1xf32>
    %slice3A_65 = vector.extract_strided_slice %add3A_57 {offsets = [952, 0], sizes = [136, 1], strides = [1, 1]} : vector<2176x1xf32> to vector<136x1xf32>
    %slice3A_66 = vector.extract_strided_slice %add3A_57 {offsets = [1088, 0], sizes = [136, 1], strides = [1, 1]} : vector<2176x1xf32> to vector<136x1xf32>
    %slice3A_67 = vector.extract_strided_slice %add3A_57 {offsets = [1224, 0], sizes = [136, 1], strides = [1, 1]} : vector<2176x1xf32> to vector<136x1xf32>
    %slice3A_68 = vector.extract_strided_slice %add3A_57 {offsets = [1360, 0], sizes = [136, 1], strides = [1, 1]} : vector<2176x1xf32> to vector<136x1xf32>
    %slice3A_69 = vector.extract_strided_slice %add3A_57 {offsets = [1496, 0], sizes = [136, 1], strides = [1, 1]} : vector<2176x1xf32> to vector<136x1xf32>
    %slice3A_70 = vector.extract_strided_slice %add3A_57 {offsets = [1632, 0], sizes = [136, 1], strides = [1, 1]} : vector<2176x1xf32> to vector<136x1xf32>
    %slice3A_71 = vector.extract_strided_slice %add3A_57 {offsets = [1768, 0], sizes = [136, 1], strides = [1, 1]} : vector<2176x1xf32> to vector<136x1xf32>
    %slice3A_72 = vector.extract_strided_slice %add3A_57 {offsets = [1904, 0], sizes = [136, 1], strides = [1, 1]} : vector<2176x1xf32> to vector<136x1xf32>
    %slice3A_73 = vector.extract_strided_slice %add3A_57 {offsets = [2040, 0], sizes = [136, 1], strides = [1, 1]} : vector<2176x1xf32> to vector<136x1xf32>
    %concatenate3A_74 = tpu.concatenate %slice3A_58, %slice3A_59, %slice3A_60, %slice3A_61, %slice3A_62, %slice3A_63, %slice3A_64, %slice3A_65, %slice3A_66, %slice3A_67, %slice3A_68, %slice3A_69, %slice3A_70, %slice3A_71, %slice3A_72, %slice3A_73 in 1 : vector<136x1xf32>, vector<136x1xf32>, vector<136x1xf32>, vector<136x1xf32>, vector<136x1xf32>, vector<136x1xf32>, vector<136x1xf32>, vector<136x1xf32>, vector<136x1xf32>, vector<136x1xf32>, vector<136x1xf32>, vector<136x1xf32>, vector<136x1xf32>, vector<136x1xf32>, vector<136x1xf32>, vector<136x1xf32> -> vector<136x16xf32>
    %swap3A = arith.constant 0 : index
    %swap3A_75 = arith.constant 0 : index
    %swap3A_76 = vector.load %arg8[%swap3A, %swap3A_75] : memref<136x16xf32, #tpu.memory_space<vmem>>, vector<136x16xf32>
    tpu.vector_store %arg8[%swap3A, %swap3A_75], %concatenate3A_74 {strides = array<i32>} : memref<136x16xf32, #tpu.memory_space<vmem>>, vector<136x16xf32>,
    return
  }
  func.func @transform_0(%arg0: i32) -> (i32, i32, i32) {
    %c0_i32 = arith.constant 0 : i32
    %c0_i32_0 = arith.constant 0 : i32
    %c0_i32_1 = arith.constant 0 : i32
    return %c0_i32, %arg0, %c0_i32_0 : i32, i32, i32
  }
  func.func @transform_1(%arg0: i32) -> (i32, i32) {
    %c0_i32 = arith.constant 0 : i32
    %c0_i32_0 = arith.constant 0 : i32
    %c0_i32_1 = arith.constant 0 : i32
    return %c0_i32, %c0_i32_0 : i32, i32
  }
  func.func @transform_2(%arg0: i32) -> (i32, i32) {
    %c0_i32 = arith.constant 0 : i32
    %c0_i32_0 = arith.constant 0 : i32
    %c0_i32_1 = arith.constant 0 : i32
    return %c0_i32, %c0_i32_0 : i32, i32
  }
  func.func @transform_3(%arg0: i32) -> (i32, i32) {
    %c0_i32 = arith.constant 0 : i32
    %c0_i32_0 = arith.constant 0 : i32
    %c0_i32_1 = arith.constant 0 : i32
    return %c0_i32, %c0_i32_0 : i32, i32
  }
  func.func @transform_4(%arg0: i32) -> (i32, i32) {
    %c0_i32 = arith.constant 0 : i32
    %c0_i32_0 = arith.constant 0 : i32
    %c0_i32_1 = arith.constant 0 : i32
    return %c0_i32, %c0_i32_0 : i32, i32
  }
  func.func @transform_5(%arg0: i32) -> (i32, i32) {
    %c0_i32 = arith.constant 0 : i32
    %c0_i32_0 = arith.constant 0 : i32
    %c0_i32_1 = arith.constant 0 : i32
    return %c0_i32, %c0_i32_0 : i32, i32
  }
  func.func @transform_6(%arg0: i32) -> (i32, i32) {
    %c0_i32 = arith.constant 0 : i32
    %c0_i32_0 = arith.constant 0 : i32
    %c0_i32_1 = arith.constant 0 : i32
    return %c0_i32, %c0_i32_0 : i32, i32
  }
  func.func @transform_7(%arg0: i32) -> (i32, i32) {
    %c0_i32 = arith.constant 0 : i32
    %c0_i32_0 = arith.constant 0 : i32
    return %arg0, %c0_i32 : i32, i32
  }
}

</mosaic_0001>

<sc_bundles>
// kernel: kernel.10.cloned.1.call-start
scs
__scs_entry_jumppad:
0x0: {  	(pc) =	sbr.rel $0x88, $3  }
0x1: {  	(tag) =	ssettag $0x0;
	lr =	simm.s32 $0x1  }
0x2: {  	[smem:$0x3F89] =	sst lr;
	_ =	strace $0xD0000000  }
0x3: {  	_ = 	snop  }
0x4: {  	_ = 	snop  }
0x5: {  	_ = 	snop  }
0x6: {  	_ = 	snop  }
0x7: {  	_ = 	snop  }
__scs_overlays_trampoline_lowered:
0x8: {  	[smem:$0x3F98] =	sst s0  }
0x9: {  	[smem:$0x3F99] =	sst s1  }
0xa: {  	[smem:$0x3F9A] =	sst s2  }
0xb: {  	[smem:$0x3F9B] =	sst s3  }
0xc: {  	[smem:$0x3F9C] =	sst s4  }
0xd: {  	[smem:$0x3F9D] =	sst s5  }
0xe: {  	[smem:$0x3F9E] =	sst s6  }
0xf: {  	[smem:$0x3F9F] =	sst s7  }
0x10: {  	[smem:$0x3FA0] =	sst s8  }
0x11: {  	[smem:$0x3FA1] =	sst s9;
	s0 =	simm.s32 @!p0 $0x0  }
0x12: {  	s1 =	sld [smem:$0x3F87];
	s0 =	simm.s32 @p0 $0x1  }
0x13: {  	[smem:$0x3FA2] =	sst s0;
	s0 =	simm.s32 @!p1 $0x0  }
0x14: {  	s2 =	sld [smem:$0x3F86];
	s0 =	simm.s32 @p1 $0x1  }
0x15: {  	[smem:$0x3FA3] =	sst s0;
	s0 =	simm.s32 @!p2 $0x0  }
0x16: {  	s3 =	sld [smem:$0x3FDB];
	s0 =	simm.s32 @p2 $0x1  }
0x17: {  	s4 =	simm.s32 $0x1BF5;
	[smem:$0x3FA5] =	sst s0  }
0x18: {  	s0 =	sld [smem:$0x3F88];
	_ =	swait.ge [sflag:s4], $0x0  }
0x19: {  	s7 =	sld [smem:$0x3F89]  }
0x1a: {  	s8 =	sadd.s32 $0xFFFFE003, lr  }
0x1b: {  	s9 =	sadd.s32 $0xFFFFFEF7, lr;
	s5 =	simm.s32 $0xFFFFFFFF;
	p2 =	slt.u32 s8, $0xFFFFF086  }
0x1c: {  	p1 =	slt.u32 s9, $0xF7A;
	s5 =	simm.s32 @!p2 $0x0  }
0x1d: {  	s5 =	simm.s32 @p1 $0x1;
	p0 =	seq.s32 s7, s2  }
0x1e: {  	s7 =	smul.u32 @!p0 $0xF7A, s2;
	p2 =	seq.s32 @!p0 s5, $0x0  }
0x1f: {  	s9 =	smul.u32 $0xF7A, s1;
	s8 =	simm.s32 @!p0 $0x1BF5;
	p2 =	por !p2, p0  }
0x20: {  	[sflag:s8] =	ssyncset.s32 @!p0 $0xFFFFF086;
	s6 =	sadd.s32 @!p0 s3, s7;
	s7 =	simm.s32 @!p0 $0x108  }
0x21: {  	s3 =	sadd.s32 s3, s9;
	s6 =	sadd.s32 @!p0 $0x88, s6;
	s7 =	simm.s32 @p2 $0x1082  }
0x22: {  	[simem:s7], [sflag:s8] =	dma.local @!p0 [hbm:s6], $0xF7A  }
0x23: {  	s9 =	sor.u32 $0xD0000000, s2;
	s6 =	simm.s32 $0x108;
	_ =	swait.ge @!p0 [sflag:s8], $0x0  }
0x24: {  	s3 =	sadd.s32 $0x88, s3;
	s6 =	simm.s32 @!p1 $0x1082;
	[sflag:s4] =	ssyncset.s32 $0xFFFFF086  }
0x25: {  	[simem:s6], [sflag:s4] =	dma.local [hbm:s3], $0xF7A  }
0x26: {  	[smem:$0x3F89] =	sst s1;
	(tag) =	ssettag s2;
	_ =	strace s9  }
0x27: {  	s1 =	sld [smem:$0x3F99]  }
0x28: {  	s2 =	sld [smem:$0x3F9A]  }
0x29: {  	s4 =	sld [smem:$0x3F9C]  }
0x2a: {  	p0 =	seq.s32 s5, $0x0;
	s5 =	sld [smem:$0x3F9D]  }
0x2b: {  	s6 =	sld [smem:$0x3F9E]  }
0x2c: {  	s7 =	sld [smem:$0x3F9F]  }
0x2d: {  	s3 =	simm.s32 $0x108;
	s8 =	sld [smem:$0x3FA0]  }
0x2e: {  	s3 =	simm.s32 @!p0 $0x1082;
	s9 =	sld [smem:$0x3FA1]  }
0x2f: {  	lr =	sadd.s32 s0, s3;
	s0 =	sld [smem:$0x3F98]  }
0x30: {  	s3 =	sld [smem:$0x3F9B]  }
0x31: {  	[smem:$0x3FA4] =	sst s10  }
0x32: {  	s10 =	sld [smem:$0x3FA2];
	_ =	sdelay $0x3  }
0x33: {  	p0 =	seq.s32 s10, $0x1;
	s10 =	sld [smem:$0x3FA4];
	_ =	sdelay $0x3  }
0x34: {  	[smem:$0x3FA4] =	sst s10  }
0x35: {  	s10 =	sld [smem:$0x3FA3];
	_ =	sdelay $0x3  }
0x36: {  	p1 =	seq.s32 s10, $0x1;
	s10 =	sld [smem:$0x3FA4];
	_ =	sdelay $0x3  }
0x37: {  	[smem:$0x3FA4] =	sst s10  }
0x38: {  	s10 =	sld [smem:$0x3FA5]  }
0x39: {  	_ = 	snop;
	(pc) =	sbr.ind lr, $3  }
0x3a: {  	_ = 	snop  }
0x3b: {  	_ = 	snop  }
0x3c: {  	p2 =	seq.s32 s10, $0x1;
	s10 =	sld [smem:$0x3FA4]  }
0x3d: {  	_ =	shalt  }
0x3e: {  	_ =	shalt  }
0x3f: {  	_ =	shalt  }
0x40: {  	_ =	shalt  }
0x41: {  	_ =	shalt  }
0x42: {  	_ =	shalt  }
0x43: {  	_ =	shalt  }
0x44: {  	_ =	shalt  }
0x45: {  	_ =	shalt  }
0x46: {  	_ =	shalt  }
0x47: {  	_ =	shalt  }
0x48: {  	_ =	shalt  }
0x49: {  	_ =	shalt  }
0x4a: {  	_ =	shalt  }
0x4b: {  	_ =	shalt  }
0x4c: {  	_ =	shalt  }
0x4d: {  	_ =	shalt  }
0x4e: {  	_ =	shalt  }
0x4f: {  	_ =	shalt  }
0x50: {  	_ =	shalt  }
0x51: {  	_ =	shalt  }
0x52: {  	_ =	shalt  }
0x53: {  	_ =	shalt  }
0x54: {  	_ =	shalt  }
0x55: {  	_ =	shalt  }
0x56: {  	_ =	shalt  }
0x57: {  	_ =	shalt  }
0x58: {  	_ =	shalt  }
0x59: {  	_ =	shalt  }
0x5a: {  	_ =	shalt  }
0x5b: {  	_ =	shalt  }
0x5c: {  	_ =	shalt  }
0x5d: {  	_ =	shalt  }
0x5e: {  	_ =	shalt  }
0x5f: {  	_ =	shalt  }
0x60: {  	_ =	shalt  }
0x61: {  	_ =	shalt  }
0x62: {  	_ =	shalt  }
0x63: {  	_ =	shalt  }
0x64: {  	_ =	shalt  }
0x65: {  	_ =	shalt  }
0x66: {  	_ =	shalt  }
0x67: {  	_ =	shalt  }
0x68: {  	_ =	shalt  }
0x69: {  	_ =	shalt  }
0x6a: {  	_ =	shalt  }
0x6b: {  	_ =	shalt  }
0x6c: {  	_ =	shalt  }
0x6d: {  	_ =	shalt  }
0x6e: {  	_ =	shalt  }
0x6f: {  	_ =	shalt  }
0x70: {  	_ =	shalt  }
0x71: {  	_ =	shalt  }
0x72: {  	_ =	shalt  }
0x73: {  	_ =	shalt  }
0x74: {  	_ =	shalt  }
0x75: {  	_ =	shalt  }
0x76: {  	_ =	shalt  }
0x77: {  	_ =	shalt  }
0x78: {  	_ =	shalt  }
0x79: {  	_ =	shalt  }
0x7a: {  	_ =	shalt  }
0x7b: {  	_ =	shalt  }
0x7c: {  	_ =	shalt  }
0x7d: {  	_ =	shalt  }
0x7e: {  	_ =	shalt  }
0x7f: {  	_ =	shalt  }
0x80: {  	_ =	shalt  }
0x81: {  	_ =	shalt  }
0x82: {  	_ =	shalt  }
0x83: {  	_ =	shalt  }
0x84: {  	_ =	shalt  }
0x85: {  	_ =	shalt  }
0x86: {  	_ =	shalt  }
0x87: {  	_ =	shalt  }
.Lfunc_end0:
.L_simem_size_0:
called_computation.1_lowered:
.L_overlay_start_0:
0x88: {  	s2 =	sld [smem:$0x3FD9]  }
0x89: {  	s3 =	sld [smem:$0x3FFE];
	_ =	sdelay $0x1  }
0x8a: {  	s1 =	srdreg.scid  }
0x8b: {  	s0 =	sand.u32 $0x1, s1  }
0x8c: {  	s16 =	sshll.u32 s0, $0xA;
	s2 =	sadd.s32 s3, s2  }
0x8d: {  	s2 =	sadd.s32 s2, s16  }
0x8e: {  	[smem:$0x3FB0] =	sst s2  }
0x8f: {  	_ = 	snop  }
0x90: {  	(tm) =	ssettm $0x1  }
0x91: {  	s17 =	sld [smem:$0x3FFB];
	_ =	sdelay $0x3  }
0x92: {  	_ =	strace s17  }
0x93: {  	s2 =	sld [smem:$0x3FFC];
	_ =	sdelay $0x3  }
0x94: {  	_ =	strace s2  }
0x95: {  	s2 =	sld [smem:$0x3FFD];
	_ =	sdelay $0x3  }
0x96: {  	_ =	strace s2  }
0x97: {  	_ =	strace $0x8FFFFFFF  }
0x98: {  	s18 =	sld [smem:$0x3FDB];
	_ =	sdelay $0x1  }
0x99: {  	s19 =	simm.s32 $_scs_section_size  }
0x9a: {  	s4 =	simm.s32 $_size__tile_overlayer_lowered;
	s5 =	simm.s32 $_tile_overlayer_lowered  }
0x9b: {  	s22 =	simm.s32 $0x1BFF;
	s21 =	sshll.u32 s5, $0x1;
	s2 =	sadd.s32 s19, s18  }
0x9c: {  	s6 =	simm.s32 $0x0;
	s20 =	sshll.u32 s4, $0x1;
	s4 =	sadd.s32 s21, s2  }
0x9d: {  	[timem:s6], [sflag:s22] =	dma.local [hbm:s4], s20  }
0x9e: {  	_ =	swait.ge [sflag:s22], s20  }
0x9f: {  	s3 =	ssub.s32 $0x0, s20;
	[sflag:s22] =	ssyncset.done $0x0  }
0xa0: {  	[sflag:s22] =	ssyncadd.s32 s3;
	_ =	sdelay $0x1  }
0xa1: {  	s23 =	simm.s32 $0x1B8B  }
0xa2: {  	_ =	swait.ge [sflag:s23], $0x1  }
0xa3: {  	[sflag:s23] =	ssyncset.done $0x0  }
0xa4: {  	s25 =	simm.s32 $0x1B8E;
	s24 =	sld [smem:$0x3FFE];
	[sflag:s23] =	ssyncadd.s32 $0xFFFFFFFF  }
0xa5: {  	s26 =	simm.s32 $execute0_lowered;
	[smem:$0x3FD2] =	sst s25  }
0xa6: {  	s4 =	sshll.u32 s26, $0x1;
	_ =	strace $0x80000049;
	[dreg:$0x1] =	wrdreg $0xFFFFFFFF  }
0xa7: {  	s28 =	simm.s32 $_size_execute0_lowered;
	s2 =	sadd.s32 s2, s4;
	[dreg:$0x0] =	wrdreg $0x0  }
0xa8: {  	s4 =	sshll.u32 s28, $0x1;
	[dreg:$0x2] =	wrdreg s2  }
0xa9: {  	[dreg:$0x3] =	wrdreg s4  }
0xaa: {  	[dreg:$0x4] =	wrdreg $0xC0  }
0xab: {  	_ =	task [dreg:s6], $0x5FFFF  }
0xac: {  	[dreg:$0x1] =	wrdreg $0xFFFFFFFF  }
0xad: {  	[dreg:$0x0] =	wrdreg $0x60  }
0xae: {  	[dreg:$0x2] =	wrdreg s24  }
0xaf: {  	[dreg:$0x3] =	wrdreg $0x24000  }
0xb0: {  	[dreg:$0x4] =	wrdreg $0x9  }
0xb1: {  	_ =	task.clear_ibuf [dreg:s6], $0x5FFFF;
	_ =	strace $0x90000049  }
0xb2: {  	s29 =	simm.s32 $0x9;
	_ =	strace $0x8000004B  }
0xb3: {  	_ =	swait.ge [sflag:s29], $0x1  }
0xb4: {  	[sflag:s29] =	ssyncadd.s32 $0xFFFFFFFF  }
0xb5: {  	_ =	strace $0x9000004B  }
0xb6: {  	_ =	sfence  }
0xb7: {  	s30 =	sld [smem:$0x0];
	_ =	sdelay $0x2  }
0xb8: {  	s31 =	sshll.u32 s1, $0xD;
	s1 =	sshrl.u32 s1, $0x2  }
0xb9: {  	s3 =	sand.u32 $0x4000, s31;
	s1 =	sadd.s32 s1, s30  }
0xba: {  	s0 =	sor.u32 s3, s0;
	s1 =	sshll.u32 s1, $0x11  }
0xbb: {  	s0 =	sor.u32 s1, s0  }
0xbc: {  	s0 =	sadd.s32 $0x8F2B, s0  }
0xbd: {  	[sflag:s0] =	ssyncadd.remote.s32 $0x1  }
0xbe: {  	_ =	sfence.sel $0xFFFF  }
0xbf: {  	[dreg:$0x0] =	wrdreg $0xFFFFFFFF;
	(pc) =	sbr.abs _section_cstart, $3  }
0xc0: {  	[dreg:$0x1] =	wrdreg $0xFFFFFFFF  }
0xc1: {  	_ =	task.clear_ibuf [dreg:s6], $0x2FFFF;
	_ =	strace $0x9FFFFFFF  }
0xc2: {  	(tm) =	ssettm $0x7FFFFFFF  }
0xc3: {  	_ =	shalt  }
tec
execute0_lowered:
.L_overlay_start_1:
0x0: {  	(tag) =	ssettag $0x1  }
0x1: {  	s0 =	rddreg [dreg:$0x0]  }
0x2: {  	s2 =	rddreg [dreg:$0x1];
	s3 =	simm.s32 $0x0  }
0x3: {  	s14 =	stileid.u32;
	s4 =	srdreg.scid;
	s15 =	simm.s32 $0x80  }
0x4: {  	s16 =	simm.s32 $0x800;
	s17 =	simm.s32 $0x100;
	s18 =	simm.s32 $0xC00  }
0x5: {  	s19 =	simm.s32 $0x180;
	s20 =	simm.s32 $0x1000;
	s21 =	simm.s32 $0x200  }
0x6: {  	s22 =	simm.s32 $0x1400;
	s28 =	simm.s32 $0x380;
	s1 =	smul.u32 $0x61C0, s14  }
0x7: {  	s29 =	simm.s32 $0x2000;
	s30 =	simm.s32 $0x0;
	s23 =	smul.u32 $0x61A80, s14  }
0x8: {  	[smem:$0x7FF] =	sst s3;
	s4 =	sand.u32 $0x1, s4;
	s26 =	smul.u32 $0xC400, s14  }
0x9: {  	s10 =	sadd.s32 $0x9A4A00, s0;
	s7 =	sshll.u32 s14, $0x1;
	s6 =	smul.u32 $0x61C00, s4  }
0xa: {  	s11 =	sadd.s32 $0x98C200, s0;
	s24 =	sshll.u32 s14, $0x6;
	s13 =	smul.u32 $0x30D40, s4  }
0xb: {  	s7 =	sor.u32 s4, s7;
	s8 =	ssub.s32 $0x2, s4;
	s4 =	smul.u32 $0x6200, s4  }
0xc: {  	s14 =	simm.s32 $0x400;
	_ =	strace $0x8000004A;
	s9 =	smul.u32 $0x6200, s7  }
0xd: {  	s5 =	sshrl.u32 s1, $0x3;
	s12 =	sshrl.u32 s8, $0x1;
	s7 =	smul.u32 $0x30D40, s7  }
0xe: {  	s5 =	sadd.s32 s5, s0;
	s6 =	sadd.s32 s1, s6;
	s12 =	ssub.s32 s8, s12  }
0xf: {  	s1 =	sadd.s32 s1, s2;
	s13 =	sadd.s32 s13, s23;
	s4 =	sadd.s32 s4, s26  }
0x10: {  	s23 =	simm.s32 $0x280;
	s26 =	simm.s32 $0x1C00;
	s6 =	sshrl.u32 s6, $0x3  }
0x11: {  	s5 =	sadd.s32 $0x2A00, s5;
	s25 =	sshrl.u32 s9, $0x3;
	s7 =	sshrl.u32 s7, $0x3  }
0x12: {  	s31 =	sshrl.u32 s13, $0x3;
	s4 =	sshrl.u32 s4, $0x3;
	s9 =	smax.u32 s12, $0x1  }
0x13: {  	s12 =	sshrl.u32 s1, $0x3;
	s13 =	simm.s32 $0x1;
	s0 =	sadd.s32 s6, s0  }
0x14: {  	[dreg:$0x3] =	wrdreg s5;
	s6 =	sadd.s32 s11, s25;
	s5 =	sor.u32 $0x1C01, s24  }
0x15: {  	s7 =	sadd.s32 s10, s7;
	s10 =	sadd.s32 s31, s10;
	s11 =	sadd.s32 s4, s11  }
0x16: {  	s24 =	simm.s32 $0x1800;
	s25 =	simm.s32 $0x300;
	s6 =	sadd.s32 $0xC00, s6  }
0x17: {  	s7 =	sadd.s32 $0x6000, s7;
	s8 =	sadd.s32 $0xEE00, s0;
	[dreg:$0x4] =	wrdreg s6  }
.LBB2_1:
0x18: {  	s0 =	rddreg [dreg:$0x3]  }
0x19: {  	[spmem:s12], [sflag:s5] =	dma.local [hbm:s0], $0xC38  }
0x1a: {  	_ =	swait.ge [sflag:s13], $0xC38  }
0x1b: {  	[sflag:s13] =	ssyncset.done $0x0  }
0x1c: {  	[sflag:s13] =	ssyncadd.s32 $0xFFFFF3C8  }
0x1d: {  	s6 =	sadd.s32 $0x0, s11;
	[bflag:$0x0] =	sbarrier.arrive $0xFFFF  }
0x1e: {  	[tilespmem:s3], [sflag:$0x1] =	stream.linear.gather [hbm4b:s6+s3], $0x400, $0x38;
	[tilespmem:$0x85C0] =	vst v63  }
0x1f: {  	_ =	swait.ge [sflag:s13], $0x400  }
0x20: {  	[sflag:s13] =	ssyncset.done $0x0  }
0x21: {  	[sflag:s13] =	ssyncadd.s32 $0xFFFFFC00  }
0x22: {  	[tilespmem:s14], [sflag:$0x1] =	stream.linear.gather [hbm4b:s10+s3], $0x2000, $0x38;
	[tilespmem:$0x85C0] =	vst v63  }
0x23: {  	_ =	swait.ge [sflag:s13], $0x2000  }
0x24: {  	[sflag:s13] =	ssyncset.done $0x0  }
0x25: {  	[sflag:s13] =	ssyncadd.s32 $0xFFFFE000  }
0x26: {  	[spmem:s2] =	stream.indirect.scatter.add.f32 [tilespmem:s14], [sflag:$0x1], $0x8, s3, s15, $0xb8;
	[tilespmem:$0x85C0] =	vst v63  }
0x27: {  	_ =	swait.ge [sflag:s13], $0x400  }
0x28: {  	[sflag:s13] =	ssyncset.done $0x0  }
0x29: {  	[sflag:s13] =	ssyncadd.s32 $0xFFFFFC00  }
0x2a: {  	[spmem:s2] =	stream.indirect.scatter.add.f32 [tilespmem:s16], [sflag:$0x1], $0x8, s15, s15, $0xb8;
	[tilespmem:$0x85C0] =	vst v63  }
0x2b: {  	_ =	swait.ge [sflag:s13], $0x400  }
0x2c: {  	[sflag:s13] =	ssyncset.done $0x0  }
0x2d: {  	[sflag:s13] =	ssyncadd.s32 $0xFFFFFC00  }
0x2e: {  	[spmem:s2] =	stream.indirect.scatter.add.f32 [tilespmem:s18], [sflag:$0x1], $0x8, s17, s15, $0xb8;
	[tilespmem:$0x85C0] =	vst v63  }
0x2f: {  	_ =	swait.ge [sflag:s13], $0x400  }
0x30: {  	[sflag:s13] =	ssyncset.done $0x0  }
0x31: {  	[sflag:s13] =	ssyncadd.s32 $0xFFFFFC00  }
0x32: {  	[spmem:s2] =	stream.indirect.scatter.add.f32 [tilespmem:s20], [sflag:$0x1], $0x8, s19, s15, $0xb8;
	[tilespmem:$0x85C0] =	vst v63  }
0x33: {  	_ =	swait.ge [sflag:s13], $0x400  }
0x34: {  	[sflag:s13] =	ssyncset.done $0x0  }
0x35: {  	[sflag:s13] =	ssyncadd.s32 $0xFFFFFC00  }
0x36: {  	[spmem:s2] =	stream.indirect.scatter.add.f32 [tilespmem:s22], [sflag:$0x1], $0x8, s21, s15, $0xb8;
	[tilespmem:$0x85C0] =	vst v63  }
0x37: {  	_ =	swait.ge [sflag:s13], $0x400  }
0x38: {  	[sflag:s13] =	ssyncset.done $0x0  }
0x39: {  	[sflag:s13] =	ssyncadd.s32 $0xFFFFFC00  }
0x3a: {  	[spmem:s2] =	stream.indirect.scatter.add.f32 [tilespmem:s24], [sflag:$0x1], $0x8, s23, s15, $0xb8;
	[tilespmem:$0x85C0] =	vst v63  }
0x3b: {  	_ =	swait.ge [sflag:s13], $0x400  }
0x3c: {  	[sflag:s13] =	ssyncset.done $0x0  }
0x3d: {  	[sflag:s13] =	ssyncadd.s32 $0xFFFFFC00  }
0x3e: {  	[spmem:s2] =	stream.indirect.scatter.add.f32 [tilespmem:s26], [sflag:$0x1], $0x8, s25, s15, $0xb8;
	[tilespmem:$0x85C0] =	vst v63  }
0x3f: {  	_ =	swait.ge [sflag:s13], $0x400  }
0x40: {  	[sflag:s13] =	ssyncset.done $0x0  }
0x41: {  	[sflag:s13] =	ssyncadd.s32 $0xFFFFFC00  }
0x42: {  	[spmem:s2] =	stream.indirect.scatter.add.f32 [tilespmem:s29], [sflag:$0x1], $0x8, s28, s15, $0xb8;
	[tilespmem:$0x85C0] =	vst v63  }
0x43: {  	s1 =	simm.s32 $0x100;
	_ =	swait.ge [sflag:s13], $0x400  }
0x44: {  	s31 =	sadd.s32 $0x400, s10;
	s0 =	simm.s32 $0x80;
	[sflag:s13] =	ssyncset.done $0x0  }
.LBB2_2:
0x45: {  	s6 =	sadd.s32 s0, s11  }
0x46: {  	[sflag:s13] =	ssyncadd.s32 $0xFFFFFC00;
	s0 =	smov.u32 s1;
	s4 =	sadd.s32 $0x80, s1  }
0x47: {  	[tilespmem:s3], [sflag:$0x1] =	stream.linear.gather [hbm4b:s6+s3], $0x400, $0x38;
	[tilespmem:$0x85C0] =	vst v63  }
0x48: {  	p0 =	sne.s32 s1, $0xB80;
	_ =	swait.ge [sflag:s13], $0x400  }
0x49: {  	[sflag:s13] =	ssyncset.done $0x0  }
0x4a: {  	[sflag:s13] =	ssyncadd.s32 $0xFFFFFC00  }
0x4b: {  	[tilespmem:s14], [sflag:$0x1] =	stream.linear.gather [hbm4b:s31+s3], $0x2000, $0x38;
	[tilespmem:$0x85C0] =	vst v63  }
0x4c: {  	_ =	swait.ge [sflag:s13], $0x2000  }
0x4d: {  	[sflag:s13] =	ssyncset.done $0x0  }
0x4e: {  	[sflag:s13] =	ssyncadd.s32 $0xFFFFE000  }
0x4f: {  	[spmem:s2] =	stream.indirect.scatter.add.f32 [tilespmem:s14], [sflag:$0x1], $0x8, s3, s15, $0xb8;
	[tilespmem:$0x85C0] =	vst v63  }
0x50: {  	_ =	swait.ge [sflag:s13], $0x400  }
0x51: {  	[sflag:s13] =	ssyncset.done $0x0  }
0x52: {  	[sflag:s13] =	ssyncadd.s32 $0xFFFFFC00  }
0x53: {  	[spmem:s2] =	stream.indirect.scatter.add.f32 [tilespmem:s16], [sflag:$0x1], $0x8, s15, s15, $0xb8;
	[tilespmem:$0x85C0] =	vst v63  }
0x54: {  	_ =	swait.ge [sflag:s13], $0x400  }
0x55: {  	[sflag:s13] =	ssyncset.done $0x0  }
0x56: {  	[sflag:s13] =	ssyncadd.s32 $0xFFFFFC00  }
0x57: {  	[spmem:s2] =	stream.indirect.scatter.add.f32 [tilespmem:s18], [sflag:$0x1], $0x8, s17, s15, $0xb8;
	[tilespmem:$0x85C0] =	vst v63  }
0x58: {  	_ =	swait.ge [sflag:s13], $0x400  }
0x59: {  	[sflag:s13] =	ssyncset.done $0x0  }
0x5a: {  	[sflag:s13] =	ssyncadd.s32 $0xFFFFFC00  }
0x5b: {  	[spmem:s2] =	stream.indirect.scatter.add.f32 [tilespmem:s20], [sflag:$0x1], $0x8, s19, s15, $0xb8;
	[tilespmem:$0x85C0] =	vst v63  }
0x5c: {  	_ =	swait.ge [sflag:s13], $0x400  }
0x5d: {  	[sflag:s13] =	ssyncset.done $0x0  }
0x5e: {  	[sflag:s13] =	ssyncadd.s32 $0xFFFFFC00  }
0x5f: {  	[spmem:s2] =	stream.indirect.scatter.add.f32 [tilespmem:s22], [sflag:$0x1], $0x8, s21, s15, $0xb8;
	[tilespmem:$0x85C0] =	vst v63  }
0x60: {  	_ =	swait.ge [sflag:s13], $0x400  }
0x61: {  	[sflag:s13] =	ssyncset.done $0x0  }
0x62: {  	[sflag:s13] =	ssyncadd.s32 $0xFFFFFC00  }
0x63: {  	[spmem:s2] =	stream.indirect.scatter.add.f32 [tilespmem:s24], [sflag:$0x1], $0x8, s23, s15, $0xb8;
	[tilespmem:$0x85C0] =	vst v63  }
0x64: {  	_ =	swait.ge [sflag:s13], $0x400  }
0x65: {  	[sflag:s13] =	ssyncset.done $0x0  }
0x66: {  	[sflag:s13] =	ssyncadd.s32 $0xFFFFFC00  }
0x67: {  	[spmem:s2] =	stream.indirect.scatter.add.f32 [tilespmem:s26], [sflag:$0x1], $0x8, s25, s15, $0xb8;
	[tilespmem:$0x85C0] =	vst v63  }
0x68: {  	_ =	swait.ge [sflag:s13], $0x400  }
.Ltmp0:
0x69: {  	[sflag:s13] =	ssyncset.done $0x0;
	(pc) =	sbr.rel @p0 .LBB2_2-.Ltmp0, $4  }
0x6a: {  	[sflag:s13] =	ssyncadd.s32 $0xFFFFFC00  }
0x6b: {  	[spmem:s2] =	stream.indirect.scatter.add.f32 [tilespmem:s29], [sflag:$0x1], $0x8, s28, s15, $0xb8;
	[tilespmem:$0x85C0] =	vst v63  }
0x6c: {  	_ =	swait.ge [sflag:s13], $0x400  }
0x6d: {  	s1 =	smov.u32 s4;
	s31 =	sadd.s32 $0x400, s31;
	[sflag:s13] =	ssyncset.done $0x0  }
0x6e: {  	s0 =	sadd.s32 s0, s11;
	[sflag:s13] =	ssyncadd.s32 $0xFFFFFC00  }
0x6f: {  	[tilespmem:s3], [sflag:$0x1] =	stream.linear.gather [hbm4b:s0+s3], $0x400, $0x38;
	[tilespmem:$0x85C0] =	vst v63  }
0x70: {  	_ =	swait.ge [sflag:s13], $0x400  }
0x71: {  	[sflag:s13] =	ssyncset.done $0x0  }
0x72: {  	[sflag:s13] =	ssyncadd.s32 $0xFFFFFC00  }
0x73: {  	[tilespmem:s14], [sflag:$0x1] =	stream.linear.gather [hbm4b:s31+s3], $0x2000, $0x38;
	[tilespmem:$0x85C0] =	vst v63  }
0x74: {  	_ =	swait.ge [sflag:s13], $0x2000  }
0x75: {  	[sflag:s13] =	ssyncset.done $0x0  }
0x76: {  	[sflag:s13] =	ssyncadd.s32 $0xFFFFE000  }
0x77: {  	[spmem:s2] =	stream.indirect.scatter.add.f32 [tilespmem:s14], [sflag:$0x1], $0x8, s3, s15, $0xb8;
	[tilespmem:$0x85C0] =	vst v63  }
0x78: {  	_ =	swait.ge [sflag:s13], $0x400  }
0x79: {  	[sflag:s13] =	ssyncset.done $0x0  }
0x7a: {  	[sflag:s13] =	ssyncadd.s32 $0xFFFFFC00  }
0x7b: {  	[spmem:s2] =	stream.indirect.scatter.add.f32 [tilespmem:s16], [sflag:$0x1], $0x8, s15, s15, $0xb8;
	[tilespmem:$0x85C0] =	vst v63  }
0x7c: {  	_ =	swait.ge [sflag:s13], $0x400  }
0x7d: {  	[sflag:s13] =	ssyncset.done $0x0  }
0x7e: {  	[sflag:s13] =	ssyncadd.s32 $0xFFFFFC00  }
0x7f: {  	[spmem:s2] =	stream.indirect.scatter.add.f32 [tilespmem:s18], [sflag:$0x1], $0x8, s17, s15, $0xb8;
	[tilespmem:$0x85C0] =	vst v63  }
0x80: {  	_ =	swait.ge [sflag:s13], $0x400  }
0x81: {  	[sflag:s13] =	ssyncset.done $0x0  }
0x82: {  	[sflag:s13] =	ssyncadd.s32 $0xFFFFFC00  }
0x83: {  	[spmem:s2] =	stream.indirect.scatter.add.f32 [tilespmem:s20], [sflag:$0x1], $0x8, s19, s15, $0xb8;
	[tilespmem:$0x85C0] =	vst v63  }
0x84: {  	_ =	swait.ge [sflag:s13], $0x400  }
0x85: {  	[sflag:s13] =	ssyncset.done $0x0  }
0x86: {  	[sflag:s13] =	ssyncadd.s32 $0xFFFFFC00  }
0x87: {  	[spmem:s2] =	stream.indirect.scatter.add.f32 [tilespmem:s22], [sflag:$0x1], $0x8, s21, s15, $0xb8;
	[tilespmem:$0x85C0] =	vst v63  }
0x88: {  	_ =	swait.ge [sflag:s13], $0x400  }
0x89: {  	[sflag:s13] =	ssyncset.done $0x0  }
0x8a: {  	[sflag:s13] =	ssyncadd.s32 $0xFFFFFC00  }
0x8b: {  	[spmem:s2] =	stream.indirect.scatter.add.f32 [tilespmem:s24], [sflag:$0x1], $0x8, s23, s15, $0xb8;
	[tilespmem:$0x85C0] =	vst v63  }
0x8c: {  	_ =	swait.ge [sflag:s13], $0x400  }
0x8d: {  	[sflag:s13] =	ssyncset.done $0x0  }
0x8e: {  	[sflag:s13] =	ssyncadd.s32 $0xFFFFFC00  }
0x8f: {  	[spmem:s2] =	stream.indirect.scatter.add.f32 [tilespmem:s26], [sflag:$0x1], $0x8, s25, s15, $0xb8;
	[tilespmem:$0x85C0] =	vst v63  }
0x90: {  	_ =	swait.ge [sflag:s13], $0x400  }
0x91: {  	[sflag:s13] =	ssyncset.done $0x0  }
0x92: {  	[sflag:s13] =	ssyncadd.s32 $0xFFFFFC00  }
0x93: {  	[spmem:s2] =	stream.indirect.scatter.add.f32 [tilespmem:s29], [sflag:$0x1], $0x8, s28, s15, $0xb8;
	[tilespmem:$0x85C0] =	vst v63  }
0x94: {  	_ =	swait.ge [sflag:s13], $0x400  }
0x95: {  	[sflag:s13] =	ssyncset.done $0x0  }
0x96: {  	s31 =	rddreg [dreg:$0x4];
	[sflag:s13] =	ssyncadd.s32 $0xFFFFFC00  }
0x97: {  	[tilespmem:s3], [sflag:$0x1] =	stream.linear.gather [hbm4b:s31+s3], $0x200, $0x38;
	[tilespmem:$0x85C0] =	vst v63  }
0x98: {  	_ =	swait.ge [sflag:s13], $0x200  }
0x99: {  	[sflag:s13] =	ssyncset.done $0x0  }
0x9a: {  	[sflag:s13] =	ssyncadd.s32 $0xFFFFFE00  }
0x9b: {  	[tilespmem:s14], [sflag:$0x1] =	stream.linear.gather [hbm4b:s7+s3], $0x1000, $0x38;
	[tilespmem:$0x85C0] =	vst v63  }
0x9c: {  	_ =	swait.ge [sflag:s13], $0x1000  }
0x9d: {  	[sflag:s13] =	ssyncset.done $0x0  }
0x9e: {  	[sflag:s13] =	ssyncadd.s32 $0xFFFFF000  }
0x9f: {  	[spmem:s2] =	stream.indirect.scatter.add.f32 [tilespmem:s14], [sflag:$0x1], $0x8, s3, s15, $0xb8;
	[tilespmem:$0x85C0] =	vst v63  }
0xa0: {  	_ =	swait.ge [sflag:s13], $0x400  }
0xa1: {  	[sflag:s13] =	ssyncset.done $0x0  }
0xa2: {  	[sflag:s13] =	ssyncadd.s32 $0xFFFFFC00  }
0xa3: {  	[spmem:s2] =	stream.indirect.scatter.add.f32 [tilespmem:s16], [sflag:$0x1], $0x8, s15, s15, $0xb8;
	[tilespmem:$0x85C0] =	vst v63  }
0xa4: {  	_ =	swait.ge [sflag:s13], $0x400  }
0xa5: {  	[sflag:s13] =	ssyncset.done $0x0  }
0xa6: {  	[sflag:s13] =	ssyncadd.s32 $0xFFFFFC00  }
0xa7: {  	[spmem:s2] =	stream.indirect.scatter.add.f32 [tilespmem:s18], [sflag:$0x1], $0x8, s17, s15, $0xb8;
	[tilespmem:$0x85C0] =	vst v63  }
0xa8: {  	_ =	swait.ge [sflag:s13], $0x400  }
0xa9: {  	[sflag:s13] =	ssyncset.done $0x0  }
0xaa: {  	[sflag:s13] =	ssyncadd.s32 $0xFFFFFC00  }
0xab: {  	[spmem:s2] =	stream.indirect.scatter.add.f32 [tilespmem:s20], [sflag:$0x1], $0x8, s19, s15, $0xb8;
	[tilespmem:$0x85C0] =	vst v63  }
0xac: {  	_ =	swait.ge [sflag:s13], $0x400  }
0xad: {  	s30 =	sadd.s32 $0x1, s30;
	[sflag:s13] =	ssyncset.done $0x0  }
0xae: {  	p0 =	sne.s32 s30, s9;
	[sflag:s13] =	ssyncadd.s32 $0xFFFFFC00  }
.Ltmp1:
0xaf: {  	[bflag:$0x0] =	sbarrier.arrive $0xFFFF;
	(pc) =	sbr.rel @p0 .LBB2_1-.Ltmp1, $4  }
0xb0: {  	[hbm:s8], [sflag:s5] =	dma.local [spmem:s12], $0xC38  }
0xb1: {  	_ =	swait.ge [sflag:s13], $0xC38  }
0xb2: {  	[sflag:s13] =	ssyncset.done $0x0  }
0xb3: {  	[sflag:s13] =	ssyncadd.s32 $0xFFFFF3C8  }
0xb4: {  	_ =	sfence.sel $0x180000  }
0xb5: {  	[bflag:$0x0] =	sbarrier.arrive $0xFFFF  }
0xb6: {  	_ =	strace $0x9000004A  }
0xb7: {  	s0 =	stileid.u32;
	[bflag:$0x2] =	sbarrier.arrive $0xFFFF  }
0xb8: {  	p0 =	sne.s32 s0, $0x0;
	s0 =	rddreg [dreg:$0x2]  }
0xb9: {  	s0 =	sadd.s32 @!p0 $0x100000, s0  }
0xba: {  	[sflag:s0] =	ssyncadd.tile.s32 @!p0 $0x1;
	_ =	shalt  }
.Lfunc_end2:
_tile_overlayer_lowered:
.L_overlay_start_2:
0xbb: {  	(tag) =	ssettag $0x2  }
0xbc: {  	s0 =	rddreg [dreg:$0x0];
	s2 =	stileid.u32  }
0xbd: {  	s1 =	rddreg [dreg:$0x1];
	p0 =	sne.s32 s2, $0x0  }
0xbe: {  	s3 =	rddreg [dreg:$0x2];
	[bflag:$0x3] =	sbarrier.arrive $0xFFFF;
	s2 =	simm.s32 @!p0 $0x1C01  }
0xbf: {  	[timem:s3], [sflag:s2] =	dma.local @!p0 [hbm:s0], s1  }
0xc0: {  	s0 =	simm.s32 @!p0 $0x1  }
0xc1: {  	_ =	swait.ge @!p0 [sflag:s0], s1  }
0xc2: {  	s1 =	ssub.s32 @!p0 $0x0, s1;
	[sflag:s0] =	ssyncset.done @!p0 $0x0  }
0xc3: {  	[sflag:s0] =	ssyncadd.s32 @!p0 s1  }
0xc4: {  	[bflag:$0x3] =	sbarrier.arrive $0xFFFF  }
0xc5: {  	_ =	shalt  }

// kernel: kernel.7.cloned.1.call-start
scs
__scs_entry_jumppad:
0x0: {  	(pc) =	sbr.rel $0x88, $3  }
0x1: {  	(tag) =	ssettag $0x0;
	lr =	simm.s32 $0x1  }
0x2: {  	[smem:$0x3F89] =	sst lr;
	_ =	strace $0xD0000000  }
0x3: {  	_ = 	snop  }
0x4: {  	_ = 	snop  }
0x5: {  	_ = 	snop  }
0x6: {  	_ = 	snop  }
0x7: {  	_ = 	snop  }
__scs_overlays_trampoline_lowered:
0x8: {  	[smem:$0x3F98] =	sst s0  }
0x9: {  	[smem:$0x3F99] =	sst s1  }
0xa: {  	[smem:$0x3F9A] =	sst s2  }
0xb: {  	[smem:$0x3F9B] =	sst s3  }
0xc: {  	[smem:$0x3F9C] =	sst s4  }
0xd: {  	[smem:$0x3F9D] =	sst s5  }
0xe: {  	[smem:$0x3F9E] =	sst s6  }
0xf: {  	[smem:$0x3F9F] =	sst s7  }
0x10: {  	[smem:$0x3FA0] =	sst s8  }
0x11: {  	[smem:$0x3FA1] =	sst s9;
	s0 =	simm.s32 @!p0 $0x0  }
0x12: {  	s1 =	sld [smem:$0x3F87];
	s0 =	simm.s32 @p0 $0x1  }
0x13: {  	[smem:$0x3FA2] =	sst s0;
	s0 =	simm.s32 @!p1 $0x0  }
0x14: {  	s2 =	sld [smem:$0x3F86];
	s0 =	simm.s32 @p1 $0x1  }
0x15: {  	[smem:$0x3FA3] =	sst s0;
	s0 =	simm.s32 @!p2 $0x0  }
0x16: {  	s3 =	sld [smem:$0x3FDB];
	s0 =	simm.s32 @p2 $0x1  }
0x17: {  	s4 =	simm.s32 $0x1BF5;
	[smem:$0x3FA5] =	sst s0  }
0x18: {  	s0 =	sld [smem:$0x3F88];
	_ =	swait.ge [sflag:s4], $0x0  }
0x19: {  	s7 =	sld [smem:$0x3F89]  }
0x1a: {  	s8 =	sadd.s32 $0xFFFFE003, lr  }
0x1b: {  	s9 =	sadd.s32 $0xFFFFFEF7, lr;
	s5 =	simm.s32 $0xFFFFFFFF;
	p2 =	slt.u32 s8, $0xFFFFF086  }
0x1c: {  	p1 =	slt.u32 s9, $0xF7A;
	s5 =	simm.s32 @!p2 $0x0  }
0x1d: {  	s5 =	simm.s32 @p1 $0x1;
	p0 =	seq.s32 s7, s2  }
0x1e: {  	s7 =	smul.u32 @!p0 $0xF7A, s2;
	p2 =	seq.s32 @!p0 s5, $0x0  }
0x1f: {  	s9 =	smul.u32 $0xF7A, s1;
	s8 =	simm.s32 @!p0 $0x1BF5;
	p2 =	por !p2, p0  }
0x20: {  	[sflag:s8] =	ssyncset.s32 @!p0 $0xFFFFF086;
	s6 =	sadd.s32 @!p0 s3, s7;
	s7 =	simm.s32 @!p0 $0x108  }
0x21: {  	s3 =	sadd.s32 s3, s9;
	s6 =	sadd.s32 @!p0 $0x88, s6;
	s7 =	simm.s32 @p2 $0x1082  }
0x22: {  	[simem:s7], [sflag:s8] =	dma.local @!p0 [hbm:s6], $0xF7A  }
0x23: {  	s9 =	sor.u32 $0xD0000000, s2;
	s6 =	simm.s32 $0x108;
	_ =	swait.ge @!p0 [sflag:s8], $0x0  }
0x24: {  	s3 =	sadd.s32 $0x88, s3;
	s6 =	simm.s32 @!p1 $0x1082;
	[sflag:s4] =	ssyncset.s32 $0xFFFFF086  }
0x25: {  	[simem:s6], [sflag:s4] =	dma.local [hbm:s3], $0xF7A  }
0x26: {  	[smem:$0x3F89] =	sst s1;
	(tag) =	ssettag s2;
	_ =	strace s9  }
0x27: {  	s1 =	sld [smem:$0x3F99]  }
0x28: {  	s2 =	sld [smem:$0x3F9A]  }
0x29: {  	s4 =	sld [smem:$0x3F9C]  }
0x2a: {  	p0 =	seq.s32 s5, $0x0;
	s5 =	sld [smem:$0x3F9D]  }
0x2b: {  	s6 =	sld [smem:$0x3F9E]  }
0x2c: {  	s7 =	sld [smem:$0x3F9F]  }
0x2d: {  	s3 =	simm.s32 $0x108;
	s8 =	sld [smem:$0x3FA0]  }
0x2e: {  	s3 =	simm.s32 @!p0 $0x1082;
	s9 =	sld [smem:$0x3FA1]  }
0x2f: {  	lr =	sadd.s32 s0, s3;
	s0 =	sld [smem:$0x3F98]  }
0x30: {  	s3 =	sld [smem:$0x3F9B]  }
0x31: {  	[smem:$0x3FA4] =	sst s10  }
0x32: {  	s10 =	sld [smem:$0x3FA2];
	_ =	sdelay $0x3  }
0x33: {  	p0 =	seq.s32 s10, $0x1;
	s10 =	sld [smem:$0x3FA4];
	_ =	sdelay $0x3  }
0x34: {  	[smem:$0x3FA4] =	sst s10  }
0x35: {  	s10 =	sld [smem:$0x3FA3];
	_ =	sdelay $0x3  }
0x36: {  	p1 =	seq.s32 s10, $0x1;
	s10 =	sld [smem:$0x3FA4];
	_ =	sdelay $0x3  }
0x37: {  	[smem:$0x3FA4] =	sst s10  }
0x38: {  	s10 =	sld [smem:$0x3FA5]  }
0x39: {  	_ = 	snop;
	(pc) =	sbr.ind lr, $3  }
0x3a: {  	_ = 	snop  }
0x3b: {  	_ = 	snop  }
0x3c: {  	p2 =	seq.s32 s10, $0x1;
	s10 =	sld [smem:$0x3FA4]  }
0x3d: {  	_ =	shalt  }
0x3e: {  	_ =	shalt  }
0x3f: {  	_ =	shalt  }
0x40: {  	_ =	shalt  }
0x41: {  	_ =	shalt  }
0x42: {  	_ =	shalt  }
0x43: {  	_ =	shalt  }
0x44: {  	_ =	shalt  }
0x45: {  	_ =	shalt  }
0x46: {  	_ =	shalt  }
0x47: {  	_ =	shalt  }
0x48: {  	_ =	shalt  }
0x49: {  	_ =	shalt  }
0x4a: {  	_ =	shalt  }
0x4b: {  	_ =	shalt  }
0x4c: {  	_ =	shalt  }
0x4d: {  	_ =	shalt  }
0x4e: {  	_ =	shalt  }
0x4f: {  	_ =	shalt  }
0x50: {  	_ =	shalt  }
0x51: {  	_ =	shalt  }
0x52: {  	_ =	shalt  }
0x53: {  	_ =	shalt  }
0x54: {  	_ =	shalt  }
0x55: {  	_ =	shalt  }
0x56: {  	_ =	shalt  }
0x57: {  	_ =	shalt  }
0x58: {  	_ =	shalt  }
0x59: {  	_ =	shalt  }
0x5a: {  	_ =	shalt  }
0x5b: {  	_ =	shalt  }
0x5c: {  	_ =	shalt  }
0x5d: {  	_ =	shalt  }
0x5e: {  	_ =	shalt  }
0x5f: {  	_ =	shalt  }
0x60: {  	_ =	shalt  }
0x61: {  	_ =	shalt  }
0x62: {  	_ =	shalt  }
0x63: {  	_ =	shalt  }
0x64: {  	_ =	shalt  }
0x65: {  	_ =	shalt  }
0x66: {  	_ =	shalt  }
0x67: {  	_ =	shalt  }
0x68: {  	_ =	shalt  }
0x69: {  	_ =	shalt  }
0x6a: {  	_ =	shalt  }
0x6b: {  	_ =	shalt  }
0x6c: {  	_ =	shalt  }
0x6d: {  	_ =	shalt  }
0x6e: {  	_ =	shalt  }
0x6f: {  	_ =	shalt  }
0x70: {  	_ =	shalt  }
0x71: {  	_ =	shalt  }
0x72: {  	_ =	shalt  }
0x73: {  	_ =	shalt  }
0x74: {  	_ =	shalt  }
0x75: {  	_ =	shalt  }
0x76: {  	_ =	shalt  }
0x77: {  	_ =	shalt  }
0x78: {  	_ =	shalt  }
0x79: {  	_ =	shalt  }
0x7a: {  	_ =	shalt  }
0x7b: {  	_ =	shalt  }
0x7c: {  	_ =	shalt  }
0x7d: {  	_ =	shalt  }
0x7e: {  	_ =	shalt  }
0x7f: {  	_ =	shalt  }
0x80: {  	_ =	shalt  }
0x81: {  	_ =	shalt  }
0x82: {  	_ =	shalt  }
0x83: {  	_ =	shalt  }
0x84: {  	_ =	shalt  }
0x85: {  	_ =	shalt  }
0x86: {  	_ =	shalt  }
0x87: {  	_ =	shalt  }
.Lfunc_end0:
.L_simem_size_0:
called_computation_lowered:
.L_overlay_start_0:
0x88: {  	s2 =	sld [smem:$0x3FD9]  }
0x89: {  	s3 =	sld [smem:$0x3FFE];
	_ =	sdelay $0x1  }
0x8a: {  	s1 =	srdreg.scid  }
0x8b: {  	s0 =	sand.u32 $0x1, s1  }
0x8c: {  	s16 =	sshll.u32 s0, $0xA;
	s2 =	sadd.s32 s3, s2  }
0x8d: {  	s2 =	sadd.s32 s2, s16  }
0x8e: {  	[smem:$0x3FB0] =	sst s2  }
0x8f: {  	_ = 	snop  }
0x90: {  	(tm) =	ssettm $0x1  }
0x91: {  	s17 =	sld [smem:$0x3FFB];
	_ =	sdelay $0x3  }
0x92: {  	_ =	strace s17  }
0x93: {  	s2 =	sld [smem:$0x3FFC];
	_ =	sdelay $0x3  }
0x94: {  	_ =	strace s2  }
0x95: {  	s2 =	sld [smem:$0x3FFD];
	_ =	sdelay $0x3  }
0x96: {  	_ =	strace s2  }
0x97: {  	_ =	strace $0x8FFFFFFF  }
0x98: {  	s18 =	sld [smem:$0x3FDB];
	_ =	sdelay $0x1  }
0x99: {  	s19 =	simm.s32 $_scs_section_size  }
0x9a: {  	s4 =	simm.s32 $_size__tile_overlayer_lowered;
	s5 =	simm.s32 $_tile_overlayer_lowered  }
0x9b: {  	s22 =	simm.s32 $0x1BFF;
	s21 =	sshll.u32 s5, $0x1;
	s2 =	sadd.s32 s19, s18  }
0x9c: {  	s6 =	simm.s32 $0x0;
	s20 =	sshll.u32 s4, $0x1;
	s4 =	sadd.s32 s21, s2  }
0x9d: {  	[timem:s6], [sflag:s22] =	dma.local [hbm:s4], s20  }
0x9e: {  	_ =	swait.ge [sflag:s22], s20  }
0x9f: {  	s3 =	ssub.s32 $0x0, s20;
	[sflag:s22] =	ssyncset.done $0x0  }
0xa0: {  	[sflag:s22] =	ssyncadd.s32 s3;
	_ =	sdelay $0x1  }
0xa1: {  	s23 =	simm.s32 $0x1B8B  }
0xa2: {  	_ =	swait.ge [sflag:s23], $0x1  }
0xa3: {  	[sflag:s23] =	ssyncset.done $0x0  }
0xa4: {  	s25 =	simm.s32 $0x1B8E;
	s24 =	sld [smem:$0x3FFE];
	[sflag:s23] =	ssyncadd.s32 $0xFFFFFFFF  }
0xa5: {  	s26 =	simm.s32 $execute0_lowered;
	[smem:$0x3FD2] =	sst s25  }
0xa6: {  	s4 =	sshll.u32 s26, $0x1;
	_ =	strace $0x80000046;
	[dreg:$0x1] =	wrdreg $0xFFFFFFFF  }
0xa7: {  	s28 =	simm.s32 $_size_execute0_lowered;
	s2 =	sadd.s32 s2, s4;
	[dreg:$0x0] =	wrdreg $0x0  }
0xa8: {  	s4 =	sshll.u32 s28, $0x1;
	[dreg:$0x2] =	wrdreg s2  }
0xa9: {  	[dreg:$0x3] =	wrdreg s4  }
0xaa: {  	[dreg:$0x4] =	wrdreg $0xC0  }
0xab: {  	_ =	task [dreg:s6], $0x5FFFF  }
0xac: {  	[dreg:$0x1] =	wrdreg $0xFFFFFFFF  }
0xad: {  	[dreg:$0x0] =	wrdreg $0x60  }
0xae: {  	[dreg:$0x2] =	wrdreg s24  }
0xaf: {  	[dreg:$0x3] =	wrdreg $0x9  }
0xb0: {  	_ =	task.clear_ibuf [dreg:s6], $0x4FFFF;
	_ =	strace $0x90000046  }
0xb1: {  	s29 =	simm.s32 $0x9;
	_ =	strace $0x80000048  }
0xb2: {  	_ =	swait.ge [sflag:s29], $0x1  }
0xb3: {  	[sflag:s29] =	ssyncadd.s32 $0xFFFFFFFF  }
0xb4: {  	_ =	strace $0x90000048  }
0xb5: {  	_ =	sfence  }
0xb6: {  	s30 =	sld [smem:$0x0];
	_ =	sdelay $0x2  }
0xb7: {  	s31 =	sshll.u32 s1, $0xD;
	s1 =	sshrl.u32 s1, $0x2  }
0xb8: {  	s3 =	sand.u32 $0x4000, s31;
	s1 =	sadd.s32 s1, s30  }
0xb9: {  	s0 =	sor.u32 s3, s0;
	s1 =	sshll.u32 s1, $0x11  }
0xba: {  	s0 =	sor.u32 s1, s0  }
0xbb: {  	s0 =	sadd.s32 $0x8F2B, s0  }
0xbc: {  	[sflag:s0] =	ssyncadd.remote.s32 $0x1  }
0xbd: {  	_ =	sfence.sel $0xFFFF  }
0xbe: {  	[dreg:$0x0] =	wrdreg $0xFFFFFFFF;
	(pc) =	sbr.abs _section_cstart, $3  }
0xbf: {  	[dreg:$0x1] =	wrdreg $0xFFFFFFFF  }
0xc0: {  	_ =	task.clear_ibuf [dreg:s6], $0x2FFFF;
	_ =	strace $0x9FFFFFFF  }
0xc1: {  	(tm) =	ssettm $0x7FFFFFFF  }
tec
execute0_lowered:
.L_overlay_start_1:
0x0: {  	(tag) =	ssettag $0x1  }
0x1: {  	s13 =	stileid.u32  }
0x2: {  	s0 =	srdreg.scid;
	s5 =	rddreg [dreg:$0x0];
	s2 =	simm.s32 $0x0  }
0x3: {  	s31 =	simm.s32 $0x400;
	s29 =	simm.s32 $0x1800;
	s6 =	sshrl.u32 s13, $0x3  }
0x4: {  	s30 =	simm.s32 $0x100;
	s1 =	sshll.u32 s13, $0x1;
	s8 =	smul.u32 $0xC3500, s6  }
0x5: {  	s0 =	sand.u32 $0x1, s0;
	s16 =	sand.u32 $0x7, s13;
	s6 =	smul.u32 $0x186A000, s6  }
0x6: {  	[smem:$0x7FF] =	sst s2;
	s3 =	sadd.s32 $0x33800, s5;
	s17 =	smul.u32 $0x30D400, s16  }
0x7: {  	s4 =	sadd.s32 $0x2A00, s5;
	s5 =	sadd.s32 $0x64600, s5;
	s18 =	smul.u32 $0x186A00, s0  }
0x8: {  	s1 =	sand.u32 $0xE, s1;
	_ =	strace $0x80000047;
	s20 =	smul.u32 $0x186A0, s16  }
0x9: {  	s9 =	ssub.s32 $0x2, s0;
	s1 =	sor.u32 s0, s1;
	s0 =	smul.u32 $0xC350, s0  }
0xa: {  	s16 =	simm.s32 $0x800;
	s10 =	sshrl.u32 s9, $0x1;
	s7 =	smul.u32 $0xC350, s1  }
0xb: {  	s1 =	smul.u32 $0x186A00, s1;
	s9 =	ssub.s32 s9, s10;
	s22 =	sadd.s32 s20, s8  }
0xc: {  	s20 =	simm.s32 $0xF800;
	s9 =	smax.u32 s9, $0x1;
	s0 =	sadd.s32 s0, s22  }
0xd: {  	s22 =	simm.s32 $0x2;
	s11 =	sadd.s32 s8, s7;
	s12 =	sadd.s32 $0xC000, s7  }
0xe: {  	s1 =	sadd.s32 s6, s1;
	s7 =	sadd.s32 $0xBC00, s7;
	[dreg:$0x7] =	wrdreg s9  }
0xf: {  	s25 =	sadd.s32 $0x400, s0;
	s0 =	sadd.s32 $0x800, s0;
	s11 =	sshrl.u32 s11, $0x3  }
0x10: {  	s14 =	sadd.s32 s8, s7;
	s1 =	sshrl.u32 s1, $0x3;
	s7 =	sshll.u32 s7, $0x5  }
0x11: {  	s26 =	sshrl.u32 s25, $0x3;
	[dreg:$0xb] =	wrdreg s0;
	s0 =	simm.s32 $0x0  }
0x12: {  	s28 =	sadd.s32 s4, s11;
	s11 =	sshll.u32 s12, $0x5;
	s12 =	sadd.s32 s8, s12  }
0x13: {  	s15 =	sshrl.u32 s14, $0x3;
	s1 =	sadd.s32 s5, s1;
	s19 =	sadd.s32 s6, s7  }
0x14: {  	s14 =	simm.s32 $0x3;
	s7 =	simm.s32 $0x7800;
	[dreg:$0x4] =	wrdreg s28  }
0x15: {  	s10 =	sadd.s32 s6, s11;
	s11 =	sshrl.u32 s12, $0x3;
	s9 =	sadd.s32 s4, s15  }
0x16: {  	s1 =	sadd.s32 $0x2E000, s1;
	s6 =	sadd.s32 s17, s6;
	s28 =	sadd.s32 s26, s4  }
0x17: {  	s15 =	simm.s32 $0x80;
	s10 =	sshrl.u32 s10, $0x3;
	[dreg:$0x8] =	wrdreg s9  }
0x18: {  	s11 =	sadd.s32 s4, s11;
	[dreg:$0x9] =	wrdreg s1;
	s1 =	sshrl.u32 s19, $0x3  }
0x19: {  	s21 =	sadd.s32 s18, s6;
	[dreg:$0xc] =	wrdreg s28;
	s6 =	simm.s32 $0x380  }
0x1a: {  	[dreg:$0x5] =	wrdreg s11;
	s10 =	sadd.s32 s5, s10;
	s1 =	sadd.s32 s5, s1  }
0x1b: {  	s23 =	sshrl.u32 s21, $0x3;
	[dreg:$0xa] =	wrdreg s1;
	s1 =	sadd.s32 $0x8000, s21  }
0x1c: {  	[dreg:$0x6] =	wrdreg s10;
	s24 =	sadd.s32 s23, s5;
	s1 =	sshrl.u32 s1, $0x3  }
0x1d: {  	s19 =	simm.s32 $0x780;
	[dreg:$0x2] =	wrdreg s24;
	s1 =	sadd.s32 s1, s5  }
0x1e: {  	s21 =	simm.s32 $0x1;
	[dreg:$0x3] =	wrdreg s1;
	s1 =	simm.s32 $0x8800  }
.LBB2_1:
0x1f: {  	[dreg:$0xd] =	wrdreg s0  }
0x20: {  	s23 =	rddreg [dreg:$0x4]  }
0x21: {  	[tilespmem:s2], [sflag:$0x3] =	stream.linear.gather [hbm4b:s23+s2], $0x400, $0x38;
	[tilespmem:$0x10800] =	vst v63  }
0x22: {  	_ =	swait.ge [sflag:s14], $0x400  }
0x23: {  	[sflag:s14] =	ssyncset.done $0x0  }
0x24: {  	[sflag:s14] =	ssyncadd.s32 $0xFFFFFC00  }
0x25: {  	[tilespmem:s16], [sflag:$0x1] =	stream.indirect.gather [hbm4b:s3+s15], $0x20, s2, s15, $0xb8;
	[tilespmem:$0x10800] =	vst v63  }
0x26: {  	s0 =	simm.s32 $0x1800  }
0x27: {  	[tilespmem:s0], [sflag:$0x1] =	stream.indirect.gather [hbm4b:s3+s15], $0x20, s15, s15, $0xb8;
	[tilespmem:$0x10800] =	vst v63  }
0x28: {  	s5 =	simm.s32 $0x100;
	s26 =	simm.s32 $0x2800  }
0x29: {  	[tilespmem:s26], [sflag:$0x1] =	stream.indirect.gather [hbm4b:s3+s15], $0x20, s5, s15, $0xb8;
	[tilespmem:$0x10800] =	vst v63  }
0x2a: {  	s8 =	simm.s32 $0x180;
	s28 =	simm.s32 $0x3800  }
0x2b: {  	[tilespmem:s28], [sflag:$0x1] =	stream.indirect.gather [hbm4b:s3+s15], $0x20, s8, s15, $0xb8;
	[tilespmem:$0x10800] =	vst v63  }
0x2c: {  	s9 =	simm.s32 $0x200;
	s10 =	simm.s32 $0x4800  }
0x2d: {  	[tilespmem:s10], [sflag:$0x1] =	stream.indirect.gather [hbm4b:s3+s15], $0x20, s9, s15, $0xb8;
	[tilespmem:$0x10800] =	vst v63  }
0x2e: {  	s11 =	simm.s32 $0x280;
	s12 =	simm.s32 $0x5800  }
0x2f: {  	[tilespmem:s12], [sflag:$0x1] =	stream.indirect.gather [hbm4b:s3+s15], $0x20, s11, s15, $0xb8;
	[tilespmem:$0x10800] =	vst v63  }
0x30: {  	s18 =	simm.s32 $0x300;
	s13 =	simm.s32 $0x6800  }
0x31: {  	[tilespmem:s13], [sflag:$0x1] =	stream.indirect.gather [hbm4b:s3+s15], $0x20, s18, s15, $0xb8;
	[tilespmem:$0x10800] =	vst v63  }
0x32: {  	_ = 	snop  }
0x33: {  	[tilespmem:s7], [sflag:$0x1] =	stream.indirect.gather [hbm4b:s3+s15], $0x20, s6, s15, $0xb8;
	[tilespmem:$0x10800] =	vst v63  }
0x34: {  	s25 =	rddreg [dreg:$0xc]  }
0x35: {  	[tilespmem:s31], [sflag:$0x3] =	stream.linear.gather [hbm4b:s25+s2], $0x400, $0x38;
	[tilespmem:$0x10800] =	vst v63  }
0x36: {  	_ =	swait.ge [sflag:s14], $0x400  }
0x37: {  	[sflag:s14] =	ssyncset.done $0x0  }
0x38: {  	[sflag:s14] =	ssyncadd.s32 $0xFFFFFC00  }
0x39: {  	[tilespmem:s1], [sflag:$0x2] =	stream.indirect.gather [hbm4b:s3+s15], $0x20, s31, s15, $0xb8;
	[tilespmem:$0x10800] =	vst v63  }
0x3a: {  	s17 =	simm.s32 $0x9800;
	s13 =	simm.s32 $0x480  }
0x3b: {  	[tilespmem:s17], [sflag:$0x2] =	stream.indirect.gather [hbm4b:s3+s15], $0x20, s13, s15, $0xb8;
	[tilespmem:$0x10800] =	vst v63  }
0x3c: {  	s24 =	simm.s32 $0xA800;
	s23 =	simm.s32 $0x500  }
0x3d: {  	[tilespmem:s24], [sflag:$0x2] =	stream.indirect.gather [hbm4b:s3+s15], $0x20, s23, s15, $0xb8;
	[tilespmem:$0x10800] =	vst v63  }
0x3e: {  	s13 =	simm.s32 $0x580;
	s17 =	simm.s32 $0xB800  }
0x3f: {  	[tilespmem:s17], [sflag:$0x2] =	stream.indirect.gather [hbm4b:s3+s15], $0x20, s13, s15, $0xb8;
	[tilespmem:$0x10800] =	vst v63  }
0x40: {  	s23 =	simm.s32 $0x600;
	s24 =	simm.s32 $0xC800  }
0x41: {  	[tilespmem:s24], [sflag:$0x2] =	stream.indirect.gather [hbm4b:s3+s15], $0x20, s23, s15, $0xb8;
	[tilespmem:$0x10800] =	vst v63  }
0x42: {  	s13 =	simm.s32 $0x680;
	s17 =	simm.s32 $0xD800  }
0x43: {  	[tilespmem:s17], [sflag:$0x2] =	stream.indirect.gather [hbm4b:s3+s15], $0x20, s13, s15, $0xb8;
	[tilespmem:$0x10800] =	vst v63  }
0x44: {  	s23 =	simm.s32 $0x700;
	s24 =	simm.s32 $0xE800  }
0x45: {  	[tilespmem:s24], [sflag:$0x2] =	stream.indirect.gather [hbm4b:s3+s15], $0x20, s23, s15, $0xb8;
	[tilespmem:$0x10800] =	vst v63  }
0x46: {  	_ = 	snop  }
0x47: {  	[tilespmem:s20], [sflag:$0x2] =	stream.indirect.gather [hbm4b:s3+s15], $0x20, s19, s15, $0xb8;
	[tilespmem:$0x10800] =	vst v63  }
0x48: {  	_ =	swait.ge [sflag:s21], $0x8000  }
0x49: {  	s13 =	rddreg [dreg:$0x2];
	[sflag:s21] =	ssyncset.done $0x0  }
0x4a: {  	[sflag:s21] =	ssyncadd.s32 $0xFFFF8000;
	s23 =	sadd.s32 $0x0, s13  }
0x4b: {  	[hbm4b:s23+s2] =	stream.linear.scatter [tilespmem:s16], [sflag:$0x3], $0x8000, $0x38;
	[tilespmem:$0x10800] =	vst v63  }
0x4c: {  	_ =	swait.ge [sflag:s14], $0x8000  }
0x4d: {  	s24 =	rddreg [dreg:$0xb]  }
0x4e: {  	[sflag:s14] =	ssyncset.done $0x0;
	s17 =	sshrl.u32 s24, $0x3  }
0x4f: {  	[sflag:s14] =	ssyncadd.s32 $0xFFFF8000;
	s23 =	sadd.s32 s4, s17  }
0x50: {  	[tilespmem:s2], [sflag:$0x3] =	stream.linear.gather [hbm4b:s23+s2], $0x400, $0x38;
	[tilespmem:$0x10800] =	vst v63  }
0x51: {  	_ =	swait.ge [sflag:s14], $0x400  }
0x52: {  	[sflag:s14] =	ssyncset.done $0x0  }
0x53: {  	[sflag:s14] =	ssyncadd.s32 $0xFFFFFC00  }
0x54: {  	[tilespmem:s16], [sflag:$0x1] =	stream.indirect.gather [hbm4b:s3+s15], $0x20, s2, s15, $0xb8;
	[tilespmem:$0x10800] =	vst v63  }
0x55: {  	_ = 	snop  }
0x56: {  	[tilespmem:s0], [sflag:$0x1] =	stream.indirect.gather [hbm4b:s3+s15], $0x20, s15, s15, $0xb8;
	[tilespmem:$0x10800] =	vst v63  }
0x57: {  	_ = 	snop  }
0x58: {  	[tilespmem:s26], [sflag:$0x1] =	stream.indirect.gather [hbm4b:s3+s15], $0x20, s5, s15, $0xb8;
	[tilespmem:$0x10800] =	vst v63  }
0x59: {  	_ = 	snop  }
0x5a: {  	[tilespmem:s28], [sflag:$0x1] =	stream.indirect.gather [hbm4b:s3+s15], $0x20, s8, s15, $0xb8;
	[tilespmem:$0x10800] =	vst v63  }
0x5b: {  	_ = 	snop  }
0x5c: {  	[tilespmem:s10], [sflag:$0x1] =	stream.indirect.gather [hbm4b:s3+s15], $0x20, s9, s15, $0xb8;
	[tilespmem:$0x10800] =	vst v63  }
0x5d: {  	_ = 	snop  }
0x5e: {  	[tilespmem:s12], [sflag:$0x1] =	stream.indirect.gather [hbm4b:s3+s15], $0x20, s11, s15, $0xb8;
	[tilespmem:$0x10800] =	vst v63  }
0x5f: {  	s6 =	simm.s32 $0x3800;
	s26 =	simm.s32 $0x6800  }
0x60: {  	[tilespmem:s26], [sflag:$0x1] =	stream.indirect.gather [hbm4b:s3+s15], $0x20, s18, s15, $0xb8;
	[tilespmem:$0x10800] =	vst v63  }
0x61: {  	s7 =	simm.s32 $0x200;
	s13 =	simm.s32 $0x380;
	s17 =	simm.s32 $0x7800  }
0x62: {  	[tilespmem:s17], [sflag:$0x1] =	stream.indirect.gather [hbm4b:s3+s15], $0x20, s13, s15, $0xb8;
	[tilespmem:$0x10800] =	vst v63  }
0x63: {  	s0 =	simm.s32 $0x2800;
	s5 =	simm.s32 $0x180;
	_ =	swait.ge [sflag:s22], $0x8000  }
0x64: {  	s8 =	simm.s32 $0x4800;
	s28 =	rddreg [dreg:$0x3];
	[sflag:s22] =	ssyncset.done $0x0  }
0x65: {  	s9 =	simm.s32 $0x280;
	[sflag:s22] =	ssyncadd.s32 $0xFFFF8000;
	s23 =	sadd.s32 $0x0, s28  }
0x66: {  	[hbm4b:s23+s2] =	stream.linear.scatter [tilespmem:s1], [sflag:$0x3], $0x8000, $0x38;
	[tilespmem:$0x10800] =	vst v63  }
0x67: {  	s10 =	simm.s32 $0x5800;
	s11 =	simm.s32 $0x300;
	_ =	swait.ge [sflag:s14], $0x8000  }
0x68: {  	s12 =	simm.s32 $0x6800;
	s23 =	simm.s32 $0x2000;
	[sflag:s14] =	ssyncset.done $0x0  }
.LBB2_2:
0x69: {  	[sflag:s14] =	ssyncadd.s32 $0xFFFF8000;
	s25 =	sadd.s32 $0x100, s25  }
0x6a: {  	[tilespmem:s31], [sflag:$0x3] =	stream.linear.gather [hbm4b:s25+s2], $0x400, $0x38;
	[tilespmem:$0x10800] =	vst v63  }
0x6b: {  	_ =	swait.ge [sflag:s14], $0x400  }
0x6c: {  	[sflag:s14] =	ssyncset.done $0x0  }
0x6d: {  	[sflag:s14] =	ssyncadd.s32 $0xFFFFFC00  }
0x6e: {  	[tilespmem:s1], [sflag:$0x2] =	stream.indirect.gather [hbm4b:s3+s15], $0x20, s31, s15, $0xb8;
	[tilespmem:$0x10800] =	vst v63  }
0x6f: {  	s28 =	simm.s32 $0x480;
	s18 =	simm.s32 $0x9800  }
0x70: {  	[tilespmem:s18], [sflag:$0x2] =	stream.indirect.gather [hbm4b:s3+s15], $0x20, s28, s15, $0xb8;
	[tilespmem:$0x10800] =	vst v63  }
0x71: {  	s18 =	simm.s32 $0x500;
	s28 =	simm.s32 $0xA800  }
0x72: {  	[tilespmem:s28], [sflag:$0x2] =	stream.indirect.gather [hbm4b:s3+s15], $0x20, s18, s15, $0xb8;
	[tilespmem:$0x10800] =	vst v63  }
0x73: {  	s18 =	simm.s32 $0x580;
	s28 =	simm.s32 $0xB800  }
0x74: {  	[tilespmem:s28], [sflag:$0x2] =	stream.indirect.gather [hbm4b:s3+s15], $0x20, s18, s15, $0xb8;
	[tilespmem:$0x10800] =	vst v63  }
0x75: {  	s18 =	simm.s32 $0x600;
	s28 =	simm.s32 $0xC800  }
0x76: {  	[tilespmem:s28], [sflag:$0x2] =	stream.indirect.gather [hbm4b:s3+s15], $0x20, s18, s15, $0xb8;
	[tilespmem:$0x10800] =	vst v63  }
0x77: {  	s18 =	simm.s32 $0x680;
	s28 =	simm.s32 $0xD800  }
0x78: {  	[tilespmem:s28], [sflag:$0x2] =	stream.indirect.gather [hbm4b:s3+s15], $0x20, s18, s15, $0xb8;
	[tilespmem:$0x10800] =	vst v63  }
0x79: {  	s18 =	simm.s32 $0x700;
	s28 =	simm.s32 $0xE800  }
0x7a: {  	[tilespmem:s28], [sflag:$0x2] =	stream.indirect.gather [hbm4b:s3+s15], $0x20, s18, s15, $0xb8;
	[tilespmem:$0x10800] =	vst v63  }
0x7b: {  	_ = 	snop  }
0x7c: {  	[tilespmem:s20], [sflag:$0x2] =	stream.indirect.gather [hbm4b:s3+s15], $0x20, s19, s15, $0xb8;
	[tilespmem:$0x10800] =	vst v63  }
0x7d: {  	_ =	swait.ge [sflag:s21], $0x8000  }
0x7e: {  	s26 =	smov.u32 s23;
	s18 =	rddreg [dreg:$0x2];
	[sflag:s21] =	ssyncset.done $0x0  }
0x7f: {  	[sflag:s21] =	ssyncadd.s32 $0xFFFF8000;
	s28 =	sadd.s32 s26, s18  }
0x80: {  	[hbm4b:s28+s2] =	stream.linear.scatter [tilespmem:s16], [sflag:$0x3], $0x8000, $0x38;
	[tilespmem:$0x10800] =	vst v63  }
0x81: {  	s24 =	sadd.s32 $0x800, s24;
	_ =	swait.ge [sflag:s14], $0x8000  }
0x82: {  	s18 =	sshrl.u32 s24, $0x3;
	[sflag:s14] =	ssyncset.done $0x0  }
0x83: {  	s28 =	sadd.s32 s4, s18;
	[sflag:s14] =	ssyncadd.s32 $0xFFFF8000  }
0x84: {  	[tilespmem:s2], [sflag:$0x3] =	stream.linear.gather [hbm4b:s28+s2], $0x400, $0x38;
	[tilespmem:$0x10800] =	vst v63  }
0x85: {  	_ =	swait.ge [sflag:s14], $0x400  }
0x86: {  	[sflag:s14] =	ssyncset.done $0x0  }
0x87: {  	[sflag:s14] =	ssyncadd.s32 $0xFFFFFC00  }
0x88: {  	[tilespmem:s16], [sflag:$0x1] =	stream.indirect.gather [hbm4b:s3+s15], $0x20, s2, s15, $0xb8;
	[tilespmem:$0x10800] =	vst v63  }
0x89: {  	_ = 	snop  }
0x8a: {  	[tilespmem:s29], [sflag:$0x1] =	stream.indirect.gather [hbm4b:s3+s15], $0x20, s15, s15, $0xb8;
	[tilespmem:$0x10800] =	vst v63  }
0x8b: {  	_ = 	snop  }
0x8c: {  	[tilespmem:s0], [sflag:$0x1] =	stream.indirect.gather [hbm4b:s3+s15], $0x20, s30, s15, $0xb8;
	[tilespmem:$0x10800] =	vst v63  }
0x8d: {  	_ = 	snop  }
0x8e: {  	[tilespmem:s6], [sflag:$0x1] =	stream.indirect.gather [hbm4b:s3+s15], $0x20, s5, s15, $0xb8;
	[tilespmem:$0x10800] =	vst v63  }
0x8f: {  	_ = 	snop  }
0x90: {  	[tilespmem:s8], [sflag:$0x1] =	stream.indirect.gather [hbm4b:s3+s15], $0x20, s7, s15, $0xb8;
	[tilespmem:$0x10800] =	vst v63  }
0x91: {  	_ = 	snop  }
0x92: {  	[tilespmem:s10], [sflag:$0x1] =	stream.indirect.gather [hbm4b:s3+s15], $0x20, s9, s15, $0xb8;
	[tilespmem:$0x10800] =	vst v63  }
0x93: {  	_ = 	snop  }
0x94: {  	[tilespmem:s12], [sflag:$0x1] =	stream.indirect.gather [hbm4b:s3+s15], $0x20, s11, s15, $0xb8;
	[tilespmem:$0x10800] =	vst v63  }
0x95: {  	_ = 	snop  }
0x96: {  	[tilespmem:s17], [sflag:$0x1] =	stream.indirect.gather [hbm4b:s3+s15], $0x20, s13, s15, $0xb8;
	[tilespmem:$0x10800] =	vst v63  }
0x97: {  	p0 =	sne.s32 s23, $0x2C000;
	_ =	swait.ge [sflag:s22], $0x8000  }
.Ltmp0:
0x98: {  	s18 =	rddreg [dreg:$0x3];
	[sflag:s22] =	ssyncset.done $0x0;
	(pc) =	sbr.rel @p0 .LBB2_2-.Ltmp0, $4  }
0x99: {  	[sflag:s22] =	ssyncadd.s32 $0xFFFF8000;
	s26 =	sadd.s32 s26, s18  }
0x9a: {  	[hbm4b:s26+s2] =	stream.linear.scatter [tilespmem:s1], [sflag:$0x3], $0x8000, $0x38;
	[tilespmem:$0x10800] =	vst v63  }
0x9b: {  	_ =	swait.ge [sflag:s14], $0x8000  }
0x9c: {  	s23 =	sadd.s32 $0x2000, s23;
	[sflag:s14] =	ssyncset.done $0x0  }
0x9d: {  	[sflag:s14] =	ssyncadd.s32 $0xFFFF8000;
	s23 =	rddreg [dreg:$0x8]  }
0x9e: {  	[tilespmem:s31], [sflag:$0x3] =	stream.linear.gather [hbm4b:s23+s2], $0x400, $0x38;
	[tilespmem:$0x10800] =	vst v63  }
0x9f: {  	_ =	swait.ge [sflag:s14], $0x400  }
0xa0: {  	[sflag:s14] =	ssyncset.done $0x0  }
0xa1: {  	[sflag:s14] =	ssyncadd.s32 $0xFFFFFC00  }
0xa2: {  	[tilespmem:s1], [sflag:$0x2] =	stream.indirect.gather [hbm4b:s3+s15], $0x20, s31, s15, $0xb8;
	[tilespmem:$0x10800] =	vst v63  }
0xa3: {  	s13 =	simm.s32 $0x480;
	s17 =	simm.s32 $0x9800  }
0xa4: {  	[tilespmem:s17], [sflag:$0x2] =	stream.indirect.gather [hbm4b:s3+s15], $0x20, s13, s15, $0xb8;
	[tilespmem:$0x10800] =	vst v63  }
0xa5: {  	s24 =	simm.s32 $0x500;
	s25 =	simm.s32 $0xA800  }
0xa6: {  	[tilespmem:s25], [sflag:$0x2] =	stream.indirect.gather [hbm4b:s3+s15], $0x20, s24, s15, $0xb8;
	[tilespmem:$0x10800] =	vst v63  }
0xa7: {  	s26 =	simm.s32 $0x580;
	s28 =	simm.s32 $0xB800  }
0xa8: {  	[tilespmem:s28], [sflag:$0x2] =	stream.indirect.gather [hbm4b:s3+s15], $0x20, s26, s15, $0xb8;
	[tilespmem:$0x10800] =	vst v63  }
0xa9: {  	s18 =	simm.s32 $0x600;
	s23 =	simm.s32 $0xC800  }
0xaa: {  	[tilespmem:s23], [sflag:$0x2] =	stream.indirect.gather [hbm4b:s3+s15], $0x20, s18, s15, $0xb8;
	[tilespmem:$0x10800] =	vst v63  }
0xab: {  	s24 =	simm.s32 $0x680;
	s25 =	simm.s32 $0xD800  }
0xac: {  	[tilespmem:s25], [sflag:$0x2] =	stream.indirect.gather [hbm4b:s3+s15], $0x20, s24, s15, $0xb8;
	[tilespmem:$0x10800] =	vst v63  }
0xad: {  	s26 =	simm.s32 $0x700;
	s28 =	simm.s32 $0xE800  }
0xae: {  	[tilespmem:s28], [sflag:$0x2] =	stream.indirect.gather [hbm4b:s3+s15], $0x20, s26, s15, $0xb8;
	[tilespmem:$0x10800] =	vst v63  }
0xaf: {  	_ = 	snop  }
0xb0: {  	[tilespmem:s20], [sflag:$0x2] =	stream.indirect.gather [hbm4b:s3+s15], $0x20, s19, s15, $0xb8;
	[tilespmem:$0x10800] =	vst v63  }
0xb1: {  	_ =	swait.ge [sflag:s21], $0x8000  }
0xb2: {  	[sflag:s21] =	ssyncset.done $0x0  }
0xb3: {  	s13 =	rddreg [dreg:$0x9];
	[sflag:s21] =	ssyncadd.s32 $0xFFFF8000  }
0xb4: {  	[hbm4b:s13+s2] =	stream.linear.scatter [tilespmem:s16], [sflag:$0x3], $0x8000, $0x38;
	[tilespmem:$0x10800] =	vst v63  }
0xb5: {  	_ =	swait.ge [sflag:s14], $0x8000  }
0xb6: {  	[sflag:s14] =	ssyncset.done $0x0  }
0xb7: {  	[sflag:s14] =	ssyncadd.s32 $0xFFFF8000  }
0xb8: {  	_ =	swait.ge [sflag:s22], $0x8000  }
0xb9: {  	[sflag:s22] =	ssyncset.done $0x0  }
0xba: {  	s17 =	rddreg [dreg:$0xa];
	[sflag:s22] =	ssyncadd.s32 $0xFFFF8000  }
0xbb: {  	[hbm4b:s17+s2] =	stream.linear.scatter [tilespmem:s1], [sflag:$0x3], $0x8000, $0x38;
	[tilespmem:$0x10800] =	vst v63  }
0xbc: {  	_ =	swait.ge [sflag:s14], $0x8000  }
0xbd: {  	[sflag:s14] =	ssyncset.done $0x0  }
0xbe: {  	s18 =	rddreg [dreg:$0x5];
	[sflag:s14] =	ssyncadd.s32 $0xFFFF8000  }
0xbf: {  	[tilespmem:s2], [sflag:$0x3] =	stream.linear.gather [hbm4b:s18+s2], $0x350, $0x38;
	[tilespmem:$0x10800] =	vst v63  }
0xc0: {  	_ =	swait.ge [sflag:s14], $0x350  }
0xc1: {  	[sflag:s14] =	ssyncset.done $0x0  }
0xc2: {  	[sflag:s14] =	ssyncadd.s32 $0xFFFFFCB0  }
0xc3: {  	[tilespmem:s16], [sflag:$0x1] =	stream.indirect.gather [hbm4b:s3+s15], $0x20, s2, s15, $0xb8;
	[tilespmem:$0x10800] =	vst v63  }
0xc4: {  	_ = 	snop  }
0xc5: {  	[tilespmem:s29], [sflag:$0x1] =	stream.indirect.gather [hbm4b:s3+s15], $0x20, s15, s15, $0xb8;
	[tilespmem:$0x10800] =	vst v63  }
0xc6: {  	_ = 	snop  }
0xc7: {  	[tilespmem:s0], [sflag:$0x1] =	stream.indirect.gather [hbm4b:s3+s15], $0x20, s30, s15, $0xb8;
	[tilespmem:$0x10800] =	vst v63  }
0xc8: {  	_ = 	snop  }
0xc9: {  	[tilespmem:s6], [sflag:$0x1] =	stream.indirect.gather [hbm4b:s3+s15], $0x20, s5, s15, $0xb8;
	[tilespmem:$0x10800] =	vst v63  }
0xca: {  	_ = 	snop  }
0xcb: {  	[tilespmem:s8], [sflag:$0x1] =	stream.indirect.gather [hbm4b:s3+s15], $0x20, s7, s15, $0xb8;
	[tilespmem:$0x10800] =	vst v63  }
0xcc: {  	_ = 	snop  }
0xcd: {  	[tilespmem:s10], [sflag:$0x1] =	stream.indirect.gather [hbm4b:s3+s15], $0x20, s9, s15, $0xb8;
	[tilespmem:$0x10800] =	vst v63  }
0xce: {  	s24 =	simm.s32 $0x50  }
0xcf: {  	[tilespmem:s12], [sflag:$0x1] =	stream.indirect.gather [hbm4b:s3+s24], $0x20, s11, s24, $0xb8;
	[tilespmem:$0x10800] =	vst v63  }
0xd0: {  	_ =	swait.ge [sflag:s21], $0x6A00  }
0xd1: {  	[sflag:s21] =	ssyncset.done $0x0  }
0xd2: {  	s25 =	rddreg [dreg:$0x6];
	[sflag:s21] =	ssyncadd.s32 $0xFFFF9600  }
0xd3: {  	[hbm4b:s25+s2] =	stream.linear.scatter [tilespmem:s16], [sflag:$0x3], $0x6A00, $0x38;
	[tilespmem:$0x10800] =	vst v63  }
0xd4: {  	_ =	swait.ge [sflag:s14], $0x6A00  }
0xd5: {  	s26 =	rddreg [dreg:$0xd]  }
0xd6: {  	s28 =	rddreg [dreg:$0x7];
	s0 =	sadd.s32 $0x1, s26  }
0xd7: {  	p0 =	sne.s32 s0, s28  }
.Ltmp1:
0xd8: {  	_ = 	snop;
	(pc) =	sbr.rel @p0 .LBB2_1-.Ltmp1, $3  }
0xd9: {  	_ =	sdelay $0x1  }
0xda: {  	[sflag:s14] =	ssyncset.done $0x0  }
0xdb: {  	s6 =	simm.s32 $0x380;
	s7 =	simm.s32 $0x7800;
	[sflag:s14] =	ssyncadd.s32 $0xFFFF9600  }
0xdc: {  	_ =	sfence.sel $0x180000  }
0xdd: {  	[bflag:$0x0] =	sbarrier.arrive $0xFFFF  }
0xde: {  	_ =	strace $0x90000047  }
0xdf: {  	s0 =	stileid.u32;
	[bflag:$0x2] =	sbarrier.arrive $0xFFFF  }
0xe0: {  	p0 =	sne.s32 s0, $0x0;
	s0 =	rddreg [dreg:$0x1]  }
0xe1: {  	s0 =	sadd.s32 @!p0 $0x100000, s0  }
0xe2: {  	[sflag:s0] =	ssyncadd.tile.s32 @!p0 $0x1;
	_ =	shalt  }
.Lfunc_end2:
_tile_overlayer_lowered:
.L_overlay_start_2:
0xe3: {  	(tag) =	ssettag $0x2  }
0xe4: {  	s0 =	rddreg [dreg:$0x0];
	s2 =	stileid.u32  }
0xe5: {  	s1 =	rddreg [dreg:$0x1];
	p0 =	sne.s32 s2, $0x0  }
0xe6: {  	s3 =	rddreg [dreg:$0x2];
	[bflag:$0x3] =	sbarrier.arrive $0xFFFF;
	s2 =	simm.s32 @!p0 $0x1C03  }
0xe7: {  	[timem:s3], [sflag:s2] =	dma.local @!p0 [hbm:s0], s1  }
0xe8: {  	s0 =	simm.s32 @!p0 $0x3  }
0xe9: {  	_ =	swait.ge @!p0 [sflag:s0], s1  }
0xea: {  	s1 =	ssub.s32 @!p0 $0x0, s1;
	[sflag:s0] =	ssyncset.done @!p0 $0x0  }
0xeb: {  	[sflag:s0] =	ssyncadd.s32 @!p0 s1  }
0xec: {  	[bflag:$0x3] =	sbarrier.arrive $0xFFFF  }
0xed: {  	_ =	shalt  }

</sc_bundles>
